<compile_context>
chip_gen: v7x
topology: tpu7x:2x2x1
jax: 0.10.2.dev20260603
libtpu: 0.0.44.dev20260713+nightly
codegen_flags: <defaults>
</compile_context>

<pallas_src>
import functools

import jax
import jax.numpy as jnp
from jax import lax
from jax.experimental import pallas as pl
from jax.experimental.pallas import tpu as pltpu
from jax.experimental.pallas import tpu_sc as plsc

B, N, D = 1024, 200, 128
_SCALE = float(D) ** 0.5

_NW = 32
_BPW = B // _NW
_CK = 40
_NCK = N // _CK
_T = _BPW * _NCK
_RW = 224


def _sc_body(len_hbm, ids_hbm, r_hbm, pe_hbm, posm_hbm, t7_hbm,
             l2_hbm, ue_hbm, me_hbm, mo_hbm,
             posm_v, t7_v, idsb_v, rb_v, pe_v, out_v, me_v, mo_v, rch_v,
             len_v, in_sem, out_sem):
    c = lax.axis_index("c")
    s = lax.axis_index("s")
    w = s * 2 + c
    b0 = pl.multiple_of(w * _BPW, 8)

    pltpu.sync_copy(posm_hbm, posm_v)
    pltpu.sync_copy(t7_hbm, t7_v)
    pltpu.sync_copy(ids_hbm.at[pl.ds(b0, _BPW)], idsb_v)
    pltpu.sync_copy(r_hbm.at[pl.ds(b0, _BPW)], rb_v)

    pltpu.sync_copy(len_hbm.at[pl.ds(b0, _BPW)], len_v)
    for g in range(_BPW // 16):
        len_v[pl.ds(g * 16, 16)] = len_v[pl.ds(g * 16, 16)] * 2
    pltpu.sync_copy(len_v, l2_hbm.at[pl.ds(b0, _BPW)])

    def in_copies(t, slot):
        b = b0 + t // _NCK
        i0 = pl.multiple_of((t % _NCK) * _CK, 8)
        return (
            pltpu.make_async_copy(pe_hbm.at[b, pl.ds(i0, _CK)],
                                  pe_v.at[pl.ds(pl.multiple_of(
                                      slot * _CK, 8), _CK)],
                                  in_sem.at[slot]),
        )

    def out_copies(t, slot):
        bl = t // _NCK
        b = b0 + bl
        i0 = pl.multiple_of((t % _NCK) * _CK, 8)
        fo = pl.multiple_of(b * N + i0, 8)
        mb = pl.multiple_of(lax.rem(bl, 2) * _RW + i0, 8)
        return (
            pltpu.make_async_copy(out_v.at[pl.ds(pl.multiple_of(
                                      slot * 2 * _CK, 8), 2 * _CK)],
                                  ue_hbm.at[b, pl.ds(2 * i0, 2 * _CK)],
                                  out_sem.at[slot]),
            pltpu.make_async_copy(me_v.at[pl.ds(mb, _CK)],
                                  me_hbm.at[pl.ds(fo, _CK)],
                                  out_sem.at[slot]),
            pltpu.make_async_copy(mo_v.at[pl.ds(mb, _CK)],
                                  mo_hbm.at[pl.ds(fo, _CK)],
                                  out_sem.at[slot]),
        )

    def compute(t, slot):
        bl = t // _NCK
        i0 = (t % _NCK) * _CK
        sb = lax.rem(bl, 2) * _RW
        rb = slot * _CK
        rb2 = slot * 2 * _CK

        @pl.when(i0 == 0)
        def _stage_row():
            for goff in list(range(0, N - 16, 16)) + [N - 16]:
                ids16 = idsb_v[bl, pl.ds(goff, 16)]
                r16 = rb_v[bl, pl.ds(goff, 16)]
                me_v[pl.ds(sb + goff, 16)] = jnp.where(
                    ids16 != 0, 1.0, 0.0).astype(jnp.float32)
                mo_v[pl.ds(sb + goff, 16)] = jnp.where(
                    (r16 != 0) & (r16 != 6), 1.0, 0.0).astype(jnp.float32)
                rch_v[pl.ds(sb + goff, 16)] = r16

        @plsc.parallel_loop(0, _CK, 1, unroll=4)
        def pair(j):
            me_s = lax.broadcast(me_v[pl.ds(sb + i0 + j, 16)][0], (16,))
            mo_s = lax.broadcast(mo_v[pl.ds(sb + i0 + j, 16)][0], (16,))
            r = rch_v[pl.ds(sb + i0 + j, 16)][0]
            for k in range(8):
                ev = pe_v[rb + j, pl.ds(k * 16, 16)] * _SCALE
                ev = (ev + posm_v[i0 + j, pl.ds(k * 16, 16)]) * me_s
                out_v[rb2 + 2 * j, pl.ds(k * 16, 16)] = ev
                ov = t7_v[r, pl.ds(k * 16, 16)]
                ov = (ov + posm_v[i0 + j, pl.ds(D + k * 16, 16)]) * mo_s
                out_v[rb2 + 2 * j + 1, pl.ds(k * 16, 16)] = ov

    for dma in in_copies(0, 0):
        dma.start()

    def step(t, _):
        slot = lax.rem(t, 2)

        @pl.when(t + 1 < _T)
        def _prefetch():
            for dma in in_copies(t + 1, 1 - slot):
                dma.start()

        for dma in in_copies(t, slot):
            dma.wait()

        @pl.when(t >= 2)
        def _drain_out():
            for dma in out_copies(t - 2, slot):
                dma.wait()

        compute(t, slot)
        for dma in out_copies(t, slot):
            dma.start()
        return _

    lax.fori_loop(0, _T, step, 0)
    for dma in out_copies(_T - 2, 0):
        dma.wait()
    for dma in out_copies(_T - 1, 1):
        dma.wait()


@jax.jit
def _run_sc(past_lengths, past_ids, ratings, past_embeddings, posm, t7):
    mesh = plsc.VectorSubcoreMesh(core_axis_name="c", subcore_axis_name="s")
    f = functools.partial(
        pl.kernel,
        mesh=mesh,
        out_type=[
            jax.ShapeDtypeStruct((B,), jnp.int32),
            jax.ShapeDtypeStruct((B, 2 * N, D), jnp.float32),
            jax.ShapeDtypeStruct((B * N,), jnp.float32),
            jax.ShapeDtypeStruct((B * N,), jnp.float32),
        ],
        scratch_types=[
            pltpu.VMEM((N, 2 * D), jnp.float32),
            pltpu.VMEM((8, D), jnp.float32),
            pltpu.VMEM((_BPW, N), jnp.int32),
            pltpu.VMEM((_BPW, N), jnp.int32),
            pltpu.VMEM((2 * _CK, D), jnp.float32),
            pltpu.VMEM((4 * _CK, D), jnp.float32),
            pltpu.VMEM((2 * _RW,), jnp.float32),
            pltpu.VMEM((2 * _RW,), jnp.float32),
            pltpu.VMEM((2 * _RW,), jnp.int32),
            pltpu.VMEM((_BPW,), jnp.int32),
            pltpu.SemaphoreType.DMA((2,)),
            pltpu.SemaphoreType.DMA((2,)),
        ],
    )(_sc_body)
    return f(past_lengths, past_ids, ratings, past_embeddings, posm, t7)


def kernel(past_lengths, past_ids, past_embeddings, ratings, pos_emb,
           iasig_emb, rating_emb):
    posm = (pos_emb + iasig_emb[jnp.arange(2 * N) % 2]).reshape(N, 2 * D)
    t7 = jnp.concatenate([rating_emb * _SCALE,
                          jnp.zeros((1, D), jnp.float32)], axis=0)
    l2, ue, me, mo = _run_sc(past_lengths, past_ids, ratings,
                             past_embeddings, posm, t7)
    m = jnp.stack([me.reshape(B, N), mo.reshape(B, N)], axis=-1)
    return (l2, ue, m.reshape(B, 2 * N, 1))

# --- scband reference (transcript-rebuilt; emitter-appended) ---
"""Pipeline reference for scband-combined-item-and-rating-input-features-preprocessor-v2-51659866636952 (READ-ONLY COPY).

The authoritative reference and input builder live on the scoring server;
editing this copy changes nothing except your own understanding.
"""

import jax, jax.numpy as jnp
import numpy as np

B, N, D = 1024, 200, 128
MAX_SEQ = 200
NUM_RATINGS = 5

def setup_inputs(seed: int = 0) -> dict:
    key = jax.random.key(seed)
    ks = jax.random.split(key, 7)
    std = (1.0 / D) ** 0.5
    past_lengths = jax.random.randint(ks[0], (B,), 0, N)
    past_ids = jax.random.randint(ks[1], (B, N), 0, 1000000)
    past_embeddings = jax.random.normal(ks[2], (B, N, D), dtype=jnp.float32)
    ratings = jax.random.randint(ks[3], (B, N), 0, NUM_RATINGS + 2)
    pos_emb = jax.random.normal(ks[4], (MAX_SEQ * 2, D), dtype=jnp.float32) * std
    iasig_emb = jax.random.normal(ks[5], (2, D), dtype=jnp.float32) * std
    rating_emb = jax.random.normal(ks[6], (NUM_RATINGS + 2, D), dtype=jnp.float32) * std
    return {"past_lengths": past_lengths, "past_ids": past_ids, "past_embeddings": past_embeddings, "ratings": ratings, "pos_emb": pos_emb, "iasig_emb": iasig_emb, "rating_emb": rating_emb}

def reference(past_lengths, past_ids, past_embeddings, ratings, pos_emb, iasig_emb, rating_emb):
    b, n = past_ids.shape
    d = past_embeddings.shape[-1]
    rating_e = jnp.take(rating_emb, ratings, axis=0)
    ue = jnp.concatenate([past_embeddings, rating_e], axis=2) * (float(d) ** 0.5)
    ue = ue.reshape(b, n * 2, d)
    positions = jnp.arange(n * 2)
    ue = ue + jnp.take(pos_emb, positions, axis=0)[None, :, :]
    iasig_ids = jnp.zeros((n * 2,), dtype=jnp.int32).at[1::2].set(1)
    ue = ue + jnp.take(iasig_emb, iasig_ids, axis=0)[None, :, :]
    past_ids_valid = past_ids != 0
    ratings_valid = (ratings != 0) & (ratings != 6)
    valid_mask = jnp.stack([past_ids_valid, ratings_valid], axis=-1).reshape(b, n * 2).astype(jnp.float32)[:, :, None]
    ue = ue * valid_mask
    return (past_lengths * 2, ue, valid_mask)

if __name__ == "__main__":
    import jax
    _d = setup_inputs()
    print(jax.jit(kernel)(*tuple(_d.values())))

</pallas_src>

<mosaic_0001>
#map = affine_map<(d0, d1) -> (0)>
#map1 = affine_map<(d0, d1) -> (0, 0)>
#map2 = affine_map<(d0, d1) -> (0, 0, 0)>
module attributes {stable_mosaic.version = 14 : i64} {
  func.func @_sc_body(%arg0: i32, %arg1: i32, %arg2: memref<1024xi32, #tpu.memory_space<hbm>>, %arg3: memref<1024x200xi32, #tpu.memory_space<hbm>>, %arg4: memref<1024x200xi32, #tpu.memory_space<hbm>>, %arg5: memref<1024x200x128xf32, #tpu.memory_space<hbm>>, %arg6: memref<200x256xf32, #tpu.memory_space<hbm>>, %arg7: memref<8x128xf32, #tpu.memory_space<hbm>>, %arg8: memref<1024xi32, #tpu.memory_space<hbm>>, %arg9: memref<1024x400x128xf32, #tpu.memory_space<hbm>>, %arg10: memref<204800xf32, #tpu.memory_space<hbm>>, %arg11: memref<204800xf32, #tpu.memory_space<hbm>>, %arg12: memref<200x256xf32, #tpu.memory_space<vmem>>, %arg13: memref<8x128xf32, #tpu.memory_space<vmem>>, %arg14: memref<32x200xi32, #tpu.memory_space<vmem>>, %arg15: memref<32x200xi32, #tpu.memory_space<vmem>>, %arg16: memref<80x128xf32, #tpu.memory_space<vmem>>, %arg17: memref<160x128xf32, #tpu.memory_space<vmem>>, %arg18: memref<448xf32, #tpu.memory_space<vmem>>, %arg19: memref<448xf32, #tpu.memory_space<vmem>>, %arg20: memref<448xi32, #tpu.memory_space<vmem>>, %arg21: memref<32xi32, #tpu.memory_space<vmem>>, %arg22: memref<2x!tpu.dma_semaphore, #tpu.memory_space<semaphore_mem>>, %arg23: memref<2x!tpu.dma_semaphore, #tpu.memory_space<semaphore_mem>>) attributes {dimension_semantics = [#tpu.dimension_semantics<core_parallel>, #tpu.dimension_semantics<subcore_parallel>], iteration_bounds = array<i64: 2, 16>, scalar_prefetch = 0 : i64, scratch_operands = 12 : i64, tpu.core_type = #tpu.core_type<sc_vector_subcore>, window_params = [{transform_indices = #map}, {transform_indices = #map1}, {transform_indices = #map1}, {transform_indices = #map2}, {transform_indices = #map1}, {transform_indices = #map1}, {transform_indices = #map}, {transform_indices = #map2}, {transform_indices = #map}, {transform_indices = #map}]} {
    %mul3A = arith.constant 2 : i32
    %mul3A_0 = arith.muli %arg1, %mul3A : i32
    %add3A = arith.addi %mul3A_0, %arg0 : i32
    %mul3A_1 = arith.constant 32 : i32
    %mul3A_2 = arith.muli %add3A, %mul3A_1 : i32
    %multiple_of3A = tpu.assume_multiple %mul3A_2, 8 : i32
    "tpu.region"() ({
      %run_scoped3A = tpu.sem_alloc : memref<!tpu.dma_semaphore, #tpu.memory_space<semaphore_mem>>
      tpu.enqueue_dma source(%arg6 : memref<200x256xf32, #tpu.memory_space<hbm>>) target(%arg12 : memref<200x256xf32, #tpu.memory_space<vmem>>) target_semaphore(%run_scoped3A : memref<!tpu.dma_semaphore, #tpu.memory_space<semaphore_mem>>)
      tpu.wait_dma2 semaphore(%run_scoped3A : memref<!tpu.dma_semaphore, #tpu.memory_space<semaphore_mem>>) src(%arg6 : memref<200x256xf32, #tpu.memory_space<hbm>>) dst(%arg12 : memref<200x256xf32, #tpu.memory_space<vmem>>)
      tpu.yield
    }) : () -> ()
    "tpu.region"() ({
      %run_scoped3A = tpu.sem_alloc : memref<!tpu.dma_semaphore, #tpu.memory_space<semaphore_mem>>
      tpu.enqueue_dma source(%arg7 : memref<8x128xf32, #tpu.memory_space<hbm>>) target(%arg13 : memref<8x128xf32, #tpu.memory_space<vmem>>) target_semaphore(%run_scoped3A : memref<!tpu.dma_semaphore, #tpu.memory_space<semaphore_mem>>)
      tpu.wait_dma2 semaphore(%run_scoped3A : memref<!tpu.dma_semaphore, #tpu.memory_space<semaphore_mem>>) src(%arg7 : memref<8x128xf32, #tpu.memory_space<hbm>>) dst(%arg13 : memref<8x128xf32, #tpu.memory_space<vmem>>)
      tpu.yield
    }) : () -> ()
    "tpu.region"() ({
      %run_scoped3A = tpu.sem_alloc : memref<!tpu.dma_semaphore, #tpu.memory_space<semaphore_mem>>
      %dma_start3A_134 = arith.constant 0 : i32
      %dma_start3A_135 = tpu.memref_slice %arg3[%multiple_of3A, %dma_start3A_134] : memref<1024x200xi32, #tpu.memory_space<hbm>> -> memref<32x200xi32, #tpu.memory_space<hbm>>
      %dma_start3A_136 = arith.constant 0 : i32
      %dma_start3A_137 = tpu.memref_slice %arg3[%multiple_of3A, %dma_start3A_136] : memref<1024x200xi32, #tpu.memory_space<hbm>> -> memref<32x200xi32, #tpu.memory_space<hbm>>
      tpu.enqueue_dma source(%dma_start3A_137 : memref<32x200xi32, #tpu.memory_space<hbm>>) target(%arg14 : memref<32x200xi32, #tpu.memory_space<vmem>>) target_semaphore(%run_scoped3A : memref<!tpu.dma_semaphore, #tpu.memory_space<semaphore_mem>>)
      %dma_wait3A_138 = arith.constant 0 : i32
      %dma_wait3A_139 = tpu.memref_slice %arg3[%multiple_of3A, %dma_wait3A_138] : memref<1024x200xi32, #tpu.memory_space<hbm>> -> memref<32x200xi32, #tpu.memory_space<hbm>>
      %dma_wait3A_140 = arith.constant 0 : i32
      %dma_wait3A_141 = tpu.memref_slice %arg3[%multiple_of3A, %dma_wait3A_140] : memref<1024x200xi32, #tpu.memory_space<hbm>> -> memref<32x200xi32, #tpu.memory_space<hbm>>
      tpu.wait_dma2 semaphore(%run_scoped3A : memref<!tpu.dma_semaphore, #tpu.memory_space<semaphore_mem>>) src(%dma_wait3A_141 : memref<32x200xi32, #tpu.memory_space<hbm>>) dst(%arg14 : memref<32x200xi32, #tpu.memory_space<vmem>>)
      tpu.yield
    }) : () -> ()
    "tpu.region"() ({
      %run_scoped3A = tpu.sem_alloc : memref<!tpu.dma_semaphore, #tpu.memory_space<semaphore_mem>>
      %dma_start3A_134 = arith.constant 0 : i32
      %dma_start3A_135 = tpu.memref_slice %arg4[%multiple_of3A, %dma_start3A_134] : memref<1024x200xi32, #tpu.memory_space<hbm>> -> memref<32x200xi32, #tpu.memory_space<hbm>>
      %dma_start3A_136 = arith.constant 0 : i32
      %dma_start3A_137 = tpu.memref_slice %arg4[%multiple_of3A, %dma_start3A_136] : memref<1024x200xi32, #tpu.memory_space<hbm>> -> memref<32x200xi32, #tpu.memory_space<hbm>>
      tpu.enqueue_dma source(%dma_start3A_137 : memref<32x200xi32, #tpu.memory_space<hbm>>) target(%arg15 : memref<32x200xi32, #tpu.memory_space<vmem>>) target_semaphore(%run_scoped3A : memref<!tpu.dma_semaphore, #tpu.memory_space<semaphore_mem>>)
      %dma_wait3A_138 = arith.constant 0 : i32
      %dma_wait3A_139 = tpu.memref_slice %arg4[%multiple_of3A, %dma_wait3A_138] : memref<1024x200xi32, #tpu.memory_space<hbm>> -> memref<32x200xi32, #tpu.memory_space<hbm>>
      %dma_wait3A_140 = arith.constant 0 : i32
      %dma_wait3A_141 = tpu.memref_slice %arg4[%multiple_of3A, %dma_wait3A_140] : memref<1024x200xi32, #tpu.memory_space<hbm>> -> memref<32x200xi32, #tpu.memory_space<hbm>>
      tpu.wait_dma2 semaphore(%run_scoped3A : memref<!tpu.dma_semaphore, #tpu.memory_space<semaphore_mem>>) src(%dma_wait3A_141 : memref<32x200xi32, #tpu.memory_space<hbm>>) dst(%arg15 : memref<32x200xi32, #tpu.memory_space<vmem>>)
      tpu.yield
    }) : () -> ()
    "tpu.region"() ({
      %run_scoped3A = tpu.sem_alloc : memref<!tpu.dma_semaphore, #tpu.memory_space<semaphore_mem>>
      %dma_start3A_134 = tpu.memref_slice %arg2[%multiple_of3A] : memref<1024xi32, #tpu.memory_space<hbm>> -> memref<32xi32, #tpu.memory_space<hbm>>
      %dma_start3A_135 = tpu.memref_slice %arg2[%multiple_of3A] : memref<1024xi32, #tpu.memory_space<hbm>> -> memref<32xi32, #tpu.memory_space<hbm>>
      tpu.enqueue_dma source(%dma_start3A_135 : memref<32xi32, #tpu.memory_space<hbm>>) target(%arg21 : memref<32xi32, #tpu.memory_space<vmem>>) target_semaphore(%run_scoped3A : memref<!tpu.dma_semaphore, #tpu.memory_space<semaphore_mem>>)
      %dma_wait3A_136 = tpu.memref_slice %arg2[%multiple_of3A] : memref<1024xi32, #tpu.memory_space<hbm>> -> memref<32xi32, #tpu.memory_space<hbm>>
      %dma_wait3A_137 = tpu.memref_slice %arg2[%multiple_of3A] : memref<1024xi32, #tpu.memory_space<hbm>> -> memref<32xi32, #tpu.memory_space<hbm>>
      tpu.wait_dma2 semaphore(%run_scoped3A : memref<!tpu.dma_semaphore, #tpu.memory_space<semaphore_mem>>) src(%dma_wait3A_137 : memref<32xi32, #tpu.memory_space<hbm>>) dst(%arg21 : memref<32xi32, #tpu.memory_space<vmem>>)
      tpu.yield
    }) : () -> ()
    %get3A = arith.constant 0 : index
    %get3A_3 = tpu.vector_load %arg21[%get3A] {strides = array<i32>} : memref<32xi32, #tpu.memory_space<vmem>>, vector<16xi32>,
    %get3A_4 = vector.shape_cast %get3A_3 : vector<16xi32> to vector<16xi32>
    %mul3A_5 = arith.constant 2 : i32
    %mul3A_6 = vector.broadcast %mul3A_5 : i32 to vector<16xi32>
    %mul3A_7 = arith.muli %get3A_4, %mul3A_6 : vector<16xi32>
    %swap3A = arith.constant 0 : index
    %swap3A_8 = tpu.vector_load %arg21[%swap3A] {strides = array<i32>} : memref<32xi32, #tpu.memory_space<vmem>>, vector<16xi32>,
    %swap3A_9 = vector.shape_cast %swap3A_8 : vector<16xi32> to vector<16xi32>
    %swap3A_10 = vector.shape_cast %mul3A_7 : vector<16xi32> to vector<16xi32>
    tpu.vector_store %arg21[%swap3A], %swap3A_10 {strides = array<i32>} : memref<32xi32, #tpu.memory_space<vmem>>, vector<16xi32>,
    %get3A_11 = arith.constant 16 : index
    %get3A_12 = tpu.vector_load %arg21[%get3A_11] {strides = array<i32>} : memref<32xi32, #tpu.memory_space<vmem>>, vector<16xi32>,
    %get3A_13 = vector.shape_cast %get3A_12 : vector<16xi32> to vector<16xi32>
    %mul3A_14 = arith.constant 2 : i32
    %mul3A_15 = vector.broadcast %mul3A_14 : i32 to vector<16xi32>
    %mul3A_16 = arith.muli %get3A_13, %mul3A_15 : vector<16xi32>
    %swap3A_17 = arith.constant 16 : index
    %swap3A_18 = tpu.vector_load %arg21[%swap3A_17] {strides = array<i32>} : memref<32xi32, #tpu.memory_space<vmem>>, vector<16xi32>,
    %swap3A_19 = vector.shape_cast %swap3A_18 : vector<16xi32> to vector<16xi32>
    %swap3A_20 = vector.shape_cast %mul3A_16 : vector<16xi32> to vector<16xi32>
    tpu.vector_store %arg21[%swap3A_17], %swap3A_20 {strides = array<i32>} : memref<32xi32, #tpu.memory_space<vmem>>, vector<16xi32>,
    "tpu.region"() ({
      %run_scoped3A = tpu.sem_alloc : memref<!tpu.dma_semaphore, #tpu.memory_space<semaphore_mem>>
      %dma_start3A_134 = tpu.memref_slice %arg8[%multiple_of3A] : memref<1024xi32, #tpu.memory_space<hbm>> -> memref<32xi32, #tpu.memory_space<hbm>>
      %dma_start3A_135 = tpu.memref_slice %arg8[%multiple_of3A] : memref<1024xi32, #tpu.memory_space<hbm>> -> memref<32xi32, #tpu.memory_space<hbm>>
      tpu.enqueue_dma source(%arg21 : memref<32xi32, #tpu.memory_space<vmem>>) target(%dma_start3A_135 : memref<32xi32, #tpu.memory_space<hbm>>) target_semaphore(%run_scoped3A : memref<!tpu.dma_semaphore, #tpu.memory_space<semaphore_mem>>)
      %dma_wait3A_136 = tpu.memref_slice %arg8[%multiple_of3A] : memref<1024xi32, #tpu.memory_space<hbm>> -> memref<32xi32, #tpu.memory_space<hbm>>
      %dma_wait3A_137 = tpu.memref_slice %arg8[%multiple_of3A] : memref<1024xi32, #tpu.memory_space<hbm>> -> memref<32xi32, #tpu.memory_space<hbm>>
      tpu.wait_dma2 semaphore(%run_scoped3A : memref<!tpu.dma_semaphore, #tpu.memory_space<semaphore_mem>>) src(%arg21 : memref<32xi32, #tpu.memory_space<vmem>>) dst(%dma_wait3A_137 : memref<32xi32, #tpu.memory_space<hbm>>)
      tpu.yield
    }) : () -> ()
    %add3A_21 = arith.constant 0 : i32
    %add3A_22 = arith.addi %multiple_of3A, %add3A_21 : i32
    %multiple_of3A_23 = arith.constant 0 : i32
    %multiple_of3A_24 = tpu.assume_multiple %multiple_of3A_23, 8 : i32
    %multiple_of3A_25 = arith.constant 0 : i32
    %multiple_of3A_26 = tpu.assume_multiple %multiple_of3A_25, 8 : i32
    %dma_start3A = arith.constant 0 : i32
    %dma_start3A_27 = arith.constant 0 : i32
    %dma_start3A_28 = tpu.memref_slice %arg16[%multiple_of3A_26, %dma_start3A_27] : memref<80x128xf32, #tpu.memory_space<vmem>> -> memref<40x128xf32, #tpu.memory_space<vmem>>
    %dma_start3A_29 = arith.constant 0 : i32
    %dma_start3A_30 = tpu.memref_slice %arg5[%add3A_22, %multiple_of3A_24, %dma_start3A_29] : memref<1024x200x128xf32, #tpu.memory_space<hbm>> -> memref<1x40x128xf32, #tpu.memory_space<hbm>>
    %dma_start3A_31 = tpu.memref_squeeze %dma_start3A_30 : memref<1x40x128xf32, #tpu.memory_space<hbm>> -> memref<40x128xf32, #tpu.memory_space<hbm>>
    %dma_start3A_32 = tpu.memref_slice %arg22[%dma_start3A] : memref<2x!tpu.dma_semaphore, #tpu.memory_space<semaphore_mem>> -> memref<1x!tpu.dma_semaphore, #tpu.memory_space<semaphore_mem>>
    %dma_start3A_33 = tpu.memref_squeeze %dma_start3A_32 : memref<1x!tpu.dma_semaphore, #tpu.memory_space<semaphore_mem>> -> memref<!tpu.dma_semaphore, #tpu.memory_space<semaphore_mem>>
    %dma_start3A_34 = arith.constant 0 : i32
    %dma_start3A_35 = tpu.memref_slice %arg16[%multiple_of3A_26, %dma_start3A_34] : memref<80x128xf32, #tpu.memory_space<vmem>> -> memref<40x128xf32, #tpu.memory_space<vmem>>
    %dma_start3A_36 = arith.constant 0 : i32
    %dma_start3A_37 = tpu.memref_slice %arg5[%add3A_22, %multiple_of3A_24, %dma_start3A_36] : memref<1024x200x128xf32, #tpu.memory_space<hbm>> -> memref<1x40x128xf32, #tpu.memory_space<hbm>>
    %dma_start3A_38 = tpu.memref_squeeze %dma_start3A_37 : memref<1x40x128xf32, #tpu.memory_space<hbm>> -> memref<40x128xf32, #tpu.memory_space<hbm>>
    tpu.enqueue_dma source(%dma_start3A_38 : memref<40x128xf32, #tpu.memory_space<hbm>>) target(%dma_start3A_35 : memref<40x128xf32, #tpu.memory_space<vmem>>) target_semaphore(%dma_start3A_33 : memref<!tpu.dma_semaphore, #tpu.memory_space<semaphore_mem>>)
    %scan3A = arith.constant 0 : i32
    %scan3A_39 = arith.constant 0 : i32
    %scan3A_40 = arith.constant 160 : i32
    %scan3A_41 = arith.addi %scan3A_39, %scan3A_40 : i32
    %scan3A_42 = arith.constant 1 : i32
    scf.for %scan3A_134 = %scan3A_39 to %scan3A_41 step %scan3A_42  : i32 {
      %rem3A_135 = arith.constant 2 : i32
      %rem3A_136 = arith.remsi %scan3A_134, %rem3A_135 : i32
      %add3A_137 = arith.constant 1 : i32
      %add3A_138 = arith.addi %scan3A_134, %add3A_137 : i32
      %lt3A = arith.constant 160 : i32
      %lt3A_139 = arith.cmpi slt, %add3A_138, %lt3A : i32
      %convert_element_type3A = arith.extui %lt3A_139 : i1 to i32
      %cond3A = arith.constant 0 : i32
      %cond3A_140 = arith.cmpi ne, %convert_element_type3A, %cond3A : i32
      scf.if %cond3A_140 {
        %add3A_340 = arith.constant 1 : i32
        %add3A_341 = arith.addi %scan3A_134, %add3A_340 : i32
        %sub3A_342 = arith.constant 1 : i32
        %sub3A_343 = arith.subi %sub3A_342, %rem3A_136 : i32
        %jit3A_344 = arith.constant 5 : i32
        %div3A_345 = arith.divsi %add3A_341, %jit3A_344 : i32
        %sign3A_346 = arith.constant 0 : i32
        %sign3A_347 = arith.cmpi sgt, %add3A_341, %sign3A_346 : i32
        %sign3A_348 = arith.extui %sign3A_347 : i1 to i32
        %sign3A_349 = arith.constant 0 : i32
        %sign3A_350 = arith.cmpi slt, %add3A_341, %sign3A_349 : i32
        %sign3A_351 = arith.extui %sign3A_350 : i1 to i32
        %sign3A_352 = arith.subi %sign3A_348, %sign3A_351 : i32
        %sign3A_353 = arith.constant 0 : i32
        %sign3A_354 = arith.cmpi sgt, %jit3A_344, %sign3A_353 : i32
        %sign3A_355 = arith.extui %sign3A_354 : i1 to i32
        %sign3A_356 = arith.constant 0 : i32
        %sign3A_357 = arith.cmpi slt, %jit3A_344, %sign3A_356 : i32
        %sign3A_358 = arith.extui %sign3A_357 : i1 to i32
        %sign3A_359 = arith.subi %sign3A_355, %sign3A_358 : i32
        %ne3A_360 = arith.cmpi ne, %sign3A_352, %sign3A_359 : i32
        %rem3A_361 = arith.remsi %add3A_341, %jit3A_344 : i32
        %ne3A_362 = arith.constant 0 : i32
        %ne3A_363 = arith.cmpi ne, %rem3A_361, %ne3A_362 : i32
        %and3A_364 = arith.andi %ne3A_360, %ne3A_363 : i1
        %sub3A_365 = arith.constant 1 : i32
        %sub3A_366 = arith.subi %div3A_345, %sub3A_365 : i32
        %select_n3A_367 = arith.select %and3A_364, %sub3A_366, %div3A_345 : i32
        %add3A_368 = arith.addi %multiple_of3A, %select_n3A_367 : i32
        %jit3A_369 = arith.constant 5 : i32
        %eq3A_370 = arith.constant 0 : i32
        %eq3A_371 = arith.cmpi eq, %jit3A_369, %eq3A_370 : i32
        %jit3A_372 = arith.constant 1 : i32
        %select_n3A_373 = arith.select %eq3A_371, %jit3A_372, %jit3A_369 : i32
        %rem3A_374 = arith.remsi %add3A_341, %select_n3A_373 : i32
        %ne3A_375 = arith.constant 0 : i32
        %ne3A_376 = arith.cmpi ne, %rem3A_374, %ne3A_375 : i32
        %lt3A_377 = arith.constant 0 : i32
        %lt3A_378 = arith.cmpi slt, %rem3A_374, %lt3A_377 : i32
        %lt3A_379 = arith.constant 0 : i32
        %lt3A_380 = arith.cmpi slt, %select_n3A_373, %lt3A_379 : i32
        %ne3A_381 = arith.xori %lt3A_378, %lt3A_380 : i1
        %and3A_382 = arith.andi %ne3A_381, %ne3A_376 : i1
        %add3A_383 = arith.addi %rem3A_374, %select_n3A_373 : i32
        %select_n3A_384 = arith.select %and3A_382, %add3A_383, %rem3A_374 : i32
        %mul3A_385 = arith.constant 40 : i32
        %mul3A_386 = arith.muli %select_n3A_384, %mul3A_385 : i32
        %multiple_of3A_387 = tpu.assume_multiple %mul3A_386, 8 : i32
        %mul3A_388 = arith.constant 40 : i32
        %mul3A_389 = arith.muli %sub3A_343, %mul3A_388 : i32
        %multiple_of3A_390 = tpu.assume_multiple %mul3A_389, 8 : i32
        %dma_start3A_391 = arith.constant 0 : i32
        %dma_start3A_392 = tpu.memref_slice %arg16[%multiple_of3A_390, %dma_start3A_391] : memref<80x128xf32, #tpu.memory_space<vmem>> -> memref<40x128xf32, #tpu.memory_space<vmem>>
        %dma_start3A_393 = arith.constant 0 : i32
        %dma_start3A_394 = tpu.memref_slice %arg5[%add3A_368, %multiple_of3A_387, %dma_start3A_393] : memref<1024x200x128xf32, #tpu.memory_space<hbm>> -> memref<1x40x128xf32, #tpu.memory_space<hbm>>
        %dma_start3A_395 = tpu.memref_squeeze %dma_start3A_394 : memref<1x40x128xf32, #tpu.memory_space<hbm>> -> memref<40x128xf32, #tpu.memory_space<hbm>>
        %dma_start3A_396 = tpu.memref_slice %arg22[%sub3A_343] : memref<2x!tpu.dma_semaphore, #tpu.memory_space<semaphore_mem>> -> memref<1x!tpu.dma_semaphore, #tpu.memory_space<semaphore_mem>>
        %dma_start3A_397 = tpu.memref_squeeze %dma_start3A_396 : memref<1x!tpu.dma_semaphore, #tpu.memory_space<semaphore_mem>> -> memref<!tpu.dma_semaphore, #tpu.memory_space<semaphore_mem>>
        %dma_start3A_398 = arith.constant 0 : i32
        %dma_start3A_399 = tpu.memref_slice %arg16[%multiple_of3A_390, %dma_start3A_398] : memref<80x128xf32, #tpu.memory_space<vmem>> -> memref<40x128xf32, #tpu.memory_space<vmem>>
        %dma_start3A_400 = arith.constant 0 : i32
        %dma_start3A_401 = tpu.memref_slice %arg5[%add3A_368, %multiple_of3A_387, %dma_start3A_400] : memref<1024x200x128xf32, #tpu.memory_space<hbm>> -> memref<1x40x128xf32, #tpu.memory_space<hbm>>
        %dma_start3A_402 = tpu.memref_squeeze %dma_start3A_401 : memref<1x40x128xf32, #tpu.memory_space<hbm>> -> memref<40x128xf32, #tpu.memory_space<hbm>>
        tpu.enqueue_dma source(%dma_start3A_402 : memref<40x128xf32, #tpu.memory_space<hbm>>) target(%dma_start3A_399 : memref<40x128xf32, #tpu.memory_space<vmem>>) target_semaphore(%dma_start3A_397 : memref<!tpu.dma_semaphore, #tpu.memory_space<semaphore_mem>>)
      } else {
      }
      %jit3A = arith.constant 5 : i32
      %div3A = arith.divsi %scan3A_134, %jit3A : i32
      %sign3A = arith.constant 0 : i32
      %sign3A_141 = arith.cmpi sgt, %scan3A_134, %sign3A : i32
      %sign3A_142 = arith.extui %sign3A_141 : i1 to i32
      %sign3A_143 = arith.constant 0 : i32
      %sign3A_144 = arith.cmpi slt, %scan3A_134, %sign3A_143 : i32
      %sign3A_145 = arith.extui %sign3A_144 : i1 to i32
      %sign3A_146 = arith.subi %sign3A_142, %sign3A_145 : i32
      %sign3A_147 = arith.constant 0 : i32
      %sign3A_148 = arith.cmpi sgt, %jit3A, %sign3A_147 : i32
      %sign3A_149 = arith.extui %sign3A_148 : i1 to i32
      %sign3A_150 = arith.constant 0 : i32
      %sign3A_151 = arith.cmpi slt, %jit3A, %sign3A_150 : i32
      %sign3A_152 = arith.extui %sign3A_151 : i1 to i32
      %sign3A_153 = arith.subi %sign3A_149, %sign3A_152 : i32
      %ne3A = arith.cmpi ne, %sign3A_146, %sign3A_153 : i32
      %rem3A_154 = arith.remsi %scan3A_134, %jit3A : i32
      %ne3A_155 = arith.constant 0 : i32
      %ne3A_156 = arith.cmpi ne, %rem3A_154, %ne3A_155 : i32
      %and3A = arith.andi %ne3A, %ne3A_156 : i1
      %sub3A = arith.constant 1 : i32
      %sub3A_157 = arith.subi %div3A, %sub3A : i32
      %select_n3A = arith.select %and3A, %sub3A_157, %div3A : i32
      %add3A_158 = arith.addi %multiple_of3A, %select_n3A : i32
      %jit3A_159 = arith.constant 5 : i32
      %eq3A = arith.constant 0 : i32
      %eq3A_160 = arith.cmpi eq, %jit3A_159, %eq3A : i32
      %jit3A_161 = arith.constant 1 : i32
      %select_n3A_162 = arith.select %eq3A_160, %jit3A_161, %jit3A_159 : i32
      %rem3A_163 = arith.remsi %scan3A_134, %select_n3A_162 : i32
      %ne3A_164 = arith.constant 0 : i32
      %ne3A_165 = arith.cmpi ne, %rem3A_163, %ne3A_164 : i32
      %lt3A_166 = arith.constant 0 : i32
      %lt3A_167 = arith.cmpi slt, %rem3A_163, %lt3A_166 : i32
      %lt3A_168 = arith.constant 0 : i32
      %lt3A_169 = arith.cmpi slt, %select_n3A_162, %lt3A_168 : i32
      %ne3A_170 = arith.xori %lt3A_167, %lt3A_169 : i1
      %and3A_171 = arith.andi %ne3A_170, %ne3A_165 : i1
      %add3A_172 = arith.addi %rem3A_163, %select_n3A_162 : i32
      %select_n3A_173 = arith.select %and3A_171, %add3A_172, %rem3A_163 : i32
      %mul3A_174 = arith.constant 40 : i32
      %mul3A_175 = arith.muli %select_n3A_173, %mul3A_174 : i32
      %multiple_of3A_176 = tpu.assume_multiple %mul3A_175, 8 : i32
      %mul3A_177 = arith.constant 40 : i32
      %mul3A_178 = arith.muli %rem3A_136, %mul3A_177 : i32
      %multiple_of3A_179 = tpu.assume_multiple %mul3A_178, 8 : i32
      %dma_wait3A_180 = arith.constant 0 : i32
      %dma_wait3A_181 = tpu.memref_slice %arg16[%multiple_of3A_179, %dma_wait3A_180] : memref<80x128xf32, #tpu.memory_space<vmem>> -> memref<40x128xf32, #tpu.memory_space<vmem>>
      %dma_wait3A_182 = arith.constant 0 : i32
      %dma_wait3A_183 = tpu.memref_slice %arg5[%add3A_158, %multiple_of3A_176, %dma_wait3A_182] : memref<1024x200x128xf32, #tpu.memory_space<hbm>> -> memref<1x40x128xf32, #tpu.memory_space<hbm>>
      %dma_wait3A_184 = tpu.memref_squeeze %dma_wait3A_183 : memref<1x40x128xf32, #tpu.memory_space<hbm>> -> memref<40x128xf32, #tpu.memory_space<hbm>>
      %dma_wait3A_185 = tpu.memref_slice %arg22[%rem3A_136] : memref<2x!tpu.dma_semaphore, #tpu.memory_space<semaphore_mem>> -> memref<1x!tpu.dma_semaphore, #tpu.memory_space<semaphore_mem>>
      %dma_wait3A_186 = tpu.memref_squeeze %dma_wait3A_185 : memref<1x!tpu.dma_semaphore, #tpu.memory_space<semaphore_mem>> -> memref<!tpu.dma_semaphore, #tpu.memory_space<semaphore_mem>>
      %dma_wait3A_187 = arith.constant 0 : i32
      %dma_wait3A_188 = tpu.memref_slice %arg16[%multiple_of3A_179, %dma_wait3A_187] : memref<80x128xf32, #tpu.memory_space<vmem>> -> memref<40x128xf32, #tpu.memory_space<vmem>>
      %dma_wait3A_189 = arith.constant 0 : i32
      %dma_wait3A_190 = tpu.memref_slice %arg5[%add3A_158, %multiple_of3A_176, %dma_wait3A_189] : memref<1024x200x128xf32, #tpu.memory_space<hbm>> -> memref<1x40x128xf32, #tpu.memory_space<hbm>>
      %dma_wait3A_191 = tpu.memref_squeeze %dma_wait3A_190 : memref<1x40x128xf32, #tpu.memory_space<hbm>> -> memref<40x128xf32, #tpu.memory_space<hbm>>
      tpu.wait_dma2 semaphore(%dma_wait3A_186 : memref<!tpu.dma_semaphore, #tpu.memory_space<semaphore_mem>>) src(%dma_wait3A_191 : memref<40x128xf32, #tpu.memory_space<hbm>>) dst(%dma_wait3A_188 : memref<40x128xf32, #tpu.memory_space<vmem>>)
      %ge3A = arith.constant 2 : i32
      %ge3A_192 = arith.cmpi sge, %scan3A_134, %ge3A : i32
      %convert_element_type3A_193 = arith.extui %ge3A_192 : i1 to i32
      %cond3A_194 = arith.constant 0 : i32
      %cond3A_195 = arith.cmpi ne, %convert_element_type3A_193, %cond3A_194 : i32
      scf.if %cond3A_195 {
        %sub3A_340 = arith.constant 2 : i32
        %sub3A_341 = arith.subi %scan3A_134, %sub3A_340 : i32
        %jit3A_342 = arith.constant 5 : i32
        %div3A_343 = arith.divsi %sub3A_341, %jit3A_342 : i32
        %sign3A_344 = arith.constant 0 : i32
        %sign3A_345 = arith.cmpi sgt, %sub3A_341, %sign3A_344 : i32
        %sign3A_346 = arith.extui %sign3A_345 : i1 to i32
        %sign3A_347 = arith.constant 0 : i32
        %sign3A_348 = arith.cmpi slt, %sub3A_341, %sign3A_347 : i32
        %sign3A_349 = arith.extui %sign3A_348 : i1 to i32
        %sign3A_350 = arith.subi %sign3A_346, %sign3A_349 : i32
        %sign3A_351 = arith.constant 0 : i32
        %sign3A_352 = arith.cmpi sgt, %jit3A_342, %sign3A_351 : i32
        %sign3A_353 = arith.extui %sign3A_352 : i1 to i32
        %sign3A_354 = arith.constant 0 : i32
        %sign3A_355 = arith.cmpi slt, %jit3A_342, %sign3A_354 : i32
        %sign3A_356 = arith.extui %sign3A_355 : i1 to i32
        %sign3A_357 = arith.subi %sign3A_353, %sign3A_356 : i32
        %ne3A_358 = arith.cmpi ne, %sign3A_350, %sign3A_357 : i32
        %rem3A_359 = arith.remsi %sub3A_341, %jit3A_342 : i32
        %ne3A_360 = arith.constant 0 : i32
        %ne3A_361 = arith.cmpi ne, %rem3A_359, %ne3A_360 : i32
        %and3A_362 = arith.andi %ne3A_358, %ne3A_361 : i1
        %sub3A_363 = arith.constant 1 : i32
        %sub3A_364 = arith.subi %div3A_343, %sub3A_363 : i32
        %select_n3A_365 = arith.select %and3A_362, %sub3A_364, %div3A_343 : i32
        %add3A_366 = arith.addi %multiple_of3A, %select_n3A_365 : i32
        %jit3A_367 = arith.constant 5 : i32
        %eq3A_368 = arith.constant 0 : i32
        %eq3A_369 = arith.cmpi eq, %jit3A_367, %eq3A_368 : i32
        %jit3A_370 = arith.constant 1 : i32
        %select_n3A_371 = arith.select %eq3A_369, %jit3A_370, %jit3A_367 : i32
        %rem3A_372 = arith.remsi %sub3A_341, %select_n3A_371 : i32
        %ne3A_373 = arith.constant 0 : i32
        %ne3A_374 = arith.cmpi ne, %rem3A_372, %ne3A_373 : i32
        %lt3A_375 = arith.constant 0 : i32
        %lt3A_376 = arith.cmpi slt, %rem3A_372, %lt3A_375 : i32
        %lt3A_377 = arith.constant 0 : i32
        %lt3A_378 = arith.cmpi slt, %select_n3A_371, %lt3A_377 : i32
        %ne3A_379 = arith.xori %lt3A_376, %lt3A_378 : i1
        %and3A_380 = arith.andi %ne3A_379, %ne3A_374 : i1
        %add3A_381 = arith.addi %rem3A_372, %select_n3A_371 : i32
        %select_n3A_382 = arith.select %and3A_380, %add3A_381, %rem3A_372 : i32
        %mul3A_383 = arith.constant 40 : i32
        %mul3A_384 = arith.muli %select_n3A_382, %mul3A_383 : i32
        %multiple_of3A_385 = tpu.assume_multiple %mul3A_384, 8 : i32
        %mul3A_386 = arith.constant 200 : i32
        %mul3A_387 = arith.muli %add3A_366, %mul3A_386 : i32
        %add3A_388 = arith.addi %mul3A_387, %multiple_of3A_385 : i32
        %multiple_of3A_389 = tpu.assume_multiple %add3A_388, 8 : i32
        %rem3A_390 = arith.constant 2 : i32
        %rem3A_391 = arith.remsi %select_n3A_365, %rem3A_390 : i32
        %mul3A_392 = arith.constant 224 : i32
        %mul3A_393 = arith.muli %rem3A_391, %mul3A_392 : i32
        %add3A_394 = arith.addi %mul3A_393, %multiple_of3A_385 : i32
        %multiple_of3A_395 = tpu.assume_multiple %add3A_394, 8 : i32
        %mul3A_396 = arith.constant 2 : i32
        %mul3A_397 = arith.muli %rem3A_136, %mul3A_396 : i32
        %mul3A_398 = arith.constant 40 : i32
        %mul3A_399 = arith.muli %mul3A_397, %mul3A_398 : i32
        %multiple_of3A_400 = tpu.assume_multiple %mul3A_399, 8 : i32
        %mul3A_401 = arith.constant 2 : i32
        %mul3A_402 = arith.muli %mul3A_401, %multiple_of3A_385 : i32
        %dma_wait3A_403 = arith.constant 0 : i32
        %dma_wait3A_404 = tpu.memref_slice %arg17[%multiple_of3A_400, %dma_wait3A_403] : memref<160x128xf32, #tpu.memory_space<vmem>> -> memref<80x128xf32, #tpu.memory_space<vmem>>
        %dma_wait3A_405 = arith.constant 0 : i32
        %dma_wait3A_406 = tpu.memref_slice %arg9[%add3A_366, %mul3A_402, %dma_wait3A_405] : memref<1024x400x128xf32, #tpu.memory_space<hbm>> -> memref<1x80x128xf32, #tpu.memory_space<hbm>>
        %dma_wait3A_407 = tpu.memref_squeeze %dma_wait3A_406 : memref<1x80x128xf32, #tpu.memory_space<hbm>> -> memref<80x128xf32, #tpu.memory_space<hbm>>
        %dma_wait3A_408 = tpu.memref_slice %arg23[%rem3A_136] : memref<2x!tpu.dma_semaphore, #tpu.memory_space<semaphore_mem>> -> memref<1x!tpu.dma_semaphore, #tpu.memory_space<semaphore_mem>>
        %dma_wait3A_409 = tpu.memref_squeeze %dma_wait3A_408 : memref<1x!tpu.dma_semaphore, #tpu.memory_space<semaphore_mem>> -> memref<!tpu.dma_semaphore, #tpu.memory_space<semaphore_mem>>
        %dma_wait3A_410 = arith.constant 0 : i32
        %dma_wait3A_411 = tpu.memref_slice %arg9[%add3A_366, %mul3A_402, %dma_wait3A_410] : memref<1024x400x128xf32, #tpu.memory_space<hbm>> -> memref<1x80x128xf32, #tpu.memory_space<hbm>>
        %dma_wait3A_412 = tpu.memref_squeeze %dma_wait3A_411 : memref<1x80x128xf32, #tpu.memory_space<hbm>> -> memref<80x128xf32, #tpu.memory_space<hbm>>
        %dma_wait3A_413 = arith.constant 0 : i32
        %dma_wait3A_414 = tpu.memref_slice %arg17[%multiple_of3A_400, %dma_wait3A_413] : memref<160x128xf32, #tpu.memory_space<vmem>> -> memref<80x128xf32, #tpu.memory_space<vmem>>
        tpu.wait_dma2 semaphore(%dma_wait3A_409 : memref<!tpu.dma_semaphore, #tpu.memory_space<semaphore_mem>>) src(%dma_wait3A_414 : memref<80x128xf32, #tpu.memory_space<vmem>>) dst(%dma_wait3A_412 : memref<80x128xf32, #tpu.memory_space<hbm>>)
        %dma_wait3A_415 = tpu.memref_slice %arg18[%multiple_of3A_395] : memref<448xf32, #tpu.memory_space<vmem>> -> memref<40xf32, #tpu.memory_space<vmem>>
        %dma_wait3A_416 = tpu.memref_slice %arg10[%multiple_of3A_389] : memref<204800xf32, #tpu.memory_space<hbm>> -> memref<40xf32, #tpu.memory_space<hbm>>
        %dma_wait3A_417 = tpu.memref_slice %arg23[%rem3A_136] : memref<2x!tpu.dma_semaphore, #tpu.memory_space<semaphore_mem>> -> memref<1x!tpu.dma_semaphore, #tpu.memory_space<semaphore_mem>>
        %dma_wait3A_418 = tpu.memref_squeeze %dma_wait3A_417 : memref<1x!tpu.dma_semaphore, #tpu.memory_space<semaphore_mem>> -> memref<!tpu.dma_semaphore, #tpu.memory_space<semaphore_mem>>
        %dma_wait3A_419 = tpu.memref_slice %arg10[%multiple_of3A_389] : memref<204800xf32, #tpu.memory_space<hbm>> -> memref<40xf32, #tpu.memory_space<hbm>>
        %dma_wait3A_420 = tpu.memref_slice %arg18[%multiple_of3A_395] : memref<448xf32, #tpu.memory_space<vmem>> -> memref<40xf32, #tpu.memory_space<vmem>>
        tpu.wait_dma2 semaphore(%dma_wait3A_418 : memref<!tpu.dma_semaphore, #tpu.memory_space<semaphore_mem>>) src(%dma_wait3A_420 : memref<40xf32, #tpu.memory_space<vmem>>) dst(%dma_wait3A_419 : memref<40xf32, #tpu.memory_space<hbm>>)
        %dma_wait3A_421 = tpu.memref_slice %arg19[%multiple_of3A_395] : memref<448xf32, #tpu.memory_space<vmem>> -> memref<40xf32, #tpu.memory_space<vmem>>
        %dma_wait3A_422 = tpu.memref_slice %arg11[%multiple_of3A_389] : memref<204800xf32, #tpu.memory_space<hbm>> -> memref<40xf32, #tpu.memory_space<hbm>>
        %dma_wait3A_423 = tpu.memref_slice %arg23[%rem3A_136] : memref<2x!tpu.dma_semaphore, #tpu.memory_space<semaphore_mem>> -> memref<1x!tpu.dma_semaphore, #tpu.memory_space<semaphore_mem>>
        %dma_wait3A_424 = tpu.memref_squeeze %dma_wait3A_423 : memref<1x!tpu.dma_semaphore, #tpu.memory_space<semaphore_mem>> -> memref<!tpu.dma_semaphore, #tpu.memory_space<semaphore_mem>>
        %dma_wait3A_425 = tpu.memref_slice %arg11[%multiple_of3A_389] : memref<204800xf32, #tpu.memory_space<hbm>> -> memref<40xf32, #tpu.memory_space<hbm>>
        %dma_wait3A_426 = tpu.memref_slice %arg19[%multiple_of3A_395] : memref<448xf32, #tpu.memory_space<vmem>> -> memref<40xf32, #tpu.memory_space<vmem>>
        tpu.wait_dma2 semaphore(%dma_wait3A_424 : memref<!tpu.dma_semaphore, #tpu.memory_space<semaphore_mem>>) src(%dma_wait3A_426 : memref<40xf32, #tpu.memory_space<vmem>>) dst(%dma_wait3A_425 : memref<40xf32, #tpu.memory_space<hbm>>)
      } else {
      }
      %jit3A_196 = arith.constant 5 : i32
      %div3A_197 = arith.divsi %scan3A_134, %jit3A_196 : i32
      %sign3A_198 = arith.constant 0 : i32
      %sign3A_199 = arith.cmpi sgt, %scan3A_134, %sign3A_198 : i32
      %sign3A_200 = arith.extui %sign3A_199 : i1 to i32
      %sign3A_201 = arith.constant 0 : i32
      %sign3A_202 = arith.cmpi slt, %scan3A_134, %sign3A_201 : i32
      %sign3A_203 = arith.extui %sign3A_202 : i1 to i32
      %sign3A_204 = arith.subi %sign3A_200, %sign3A_203 : i32
      %sign3A_205 = arith.constant 0 : i32
      %sign3A_206 = arith.cmpi sgt, %jit3A_196, %sign3A_205 : i32
      %sign3A_207 = arith.extui %sign3A_206 : i1 to i32
      %sign3A_208 = arith.constant 0 : i32
      %sign3A_209 = arith.cmpi slt, %jit3A_196, %sign3A_208 : i32
      %sign3A_210 = arith.extui %sign3A_209 : i1 to i32
      %sign3A_211 = arith.subi %sign3A_207, %sign3A_210 : i32
      %ne3A_212 = arith.cmpi ne, %sign3A_204, %sign3A_211 : i32
      %rem3A_213 = arith.remsi %scan3A_134, %jit3A_196 : i32
      %ne3A_214 = arith.constant 0 : i32
      %ne3A_215 = arith.cmpi ne, %rem3A_213, %ne3A_214 : i32
      %and3A_216 = arith.andi %ne3A_212, %ne3A_215 : i1
      %sub3A_217 = arith.constant 1 : i32
      %sub3A_218 = arith.subi %div3A_197, %sub3A_217 : i32
      %select_n3A_219 = arith.select %and3A_216, %sub3A_218, %div3A_197 : i32
      %jit3A_220 = arith.constant 5 : i32
      %eq3A_221 = arith.constant 0 : i32
      %eq3A_222 = arith.cmpi eq, %jit3A_220, %eq3A_221 : i32
      %jit3A_223 = arith.constant 1 : i32
      %select_n3A_224 = arith.select %eq3A_222, %jit3A_223, %jit3A_220 : i32
      %rem3A_225 = arith.remsi %scan3A_134, %select_n3A_224 : i32
      %ne3A_226 = arith.constant 0 : i32
      %ne3A_227 = arith.cmpi ne, %rem3A_225, %ne3A_226 : i32
      %lt3A_228 = arith.constant 0 : i32
      %lt3A_229 = arith.cmpi slt, %rem3A_225, %lt3A_228 : i32
      %lt3A_230 = arith.constant 0 : i32
      %lt3A_231 = arith.cmpi slt, %select_n3A_224, %lt3A_230 : i32
      %ne3A_232 = arith.xori %lt3A_229, %lt3A_231 : i1
      %and3A_233 = arith.andi %ne3A_232, %ne3A_227 : i1
      %add3A_234 = arith.addi %rem3A_225, %select_n3A_224 : i32
      %select_n3A_235 = arith.select %and3A_233, %add3A_234, %rem3A_225 : i32
      %mul3A_236 = arith.constant 40 : i32
      %mul3A_237 = arith.muli %select_n3A_235, %mul3A_236 : i32
      %rem3A_238 = arith.constant 2 : i32
      %rem3A_239 = arith.remsi %select_n3A_219, %rem3A_238 : i32
      %mul3A_240 = arith.constant 224 : i32
      %mul3A_241 = arith.muli %rem3A_239, %mul3A_240 : i32
      %mul3A_242 = arith.constant 40 : i32
      %mul3A_243 = arith.muli %rem3A_136, %mul3A_242 : i32
      %mul3A_244 = arith.constant 2 : i32
      %mul3A_245 = arith.muli %rem3A_136, %mul3A_244 : i32
      %mul3A_246 = arith.constant 40 : i32
      %mul3A_247 = arith.muli %mul3A_245, %mul3A_246 : i32
      %eq3A_248 = arith.constant 0 : i32
      %eq3A_249 = arith.cmpi eq, %mul3A_237, %eq3A_248 : i32
      %convert_element_type3A_250 = arith.extui %eq3A_249 : i1 to i32
      %cond3A_251 = arith.constant 0 : i32
      %cond3A_252 = arith.cmpi ne, %convert_element_type3A_250, %cond3A_251 : i32
      scf.if %cond3A_252 {
        %get3A_340 = arith.index_cast %select_n3A_219 : i32 to index
        %get3A_341 = arith.constant 0 : index
        %get3A_342 = tpu.vector_load %arg14[%get3A_340, %get3A_341] {strides = array<i32>} : memref<32x200xi32, #tpu.memory_space<vmem>>, vector<1x16xi32>,
        %get3A_343 = vector.shape_cast %get3A_342 : vector<1x16xi32> to vector<16xi32>
        %get3A_344 = arith.index_cast %select_n3A_219 : i32 to index
        %get3A_345 = arith.constant 0 : index
        %get3A_346 = tpu.vector_load %arg15[%get3A_344, %get3A_345] {strides = array<i32>} : memref<32x200xi32, #tpu.memory_space<vmem>>, vector<1x16xi32>,
        %get3A_347 = vector.shape_cast %get3A_346 : vector<1x16xi32> to vector<16xi32>
        %ne3A_348 = arith.constant 0 : i32
        %ne3A_349 = vector.broadcast %ne3A_348 : i32 to vector<16xi32>
        %ne3A_350 = arith.cmpi ne, %get3A_343, %ne3A_349 : vector<16xi32>
        %jit3A_351 = arith.constant 1.000000e+00 : f32
        %jit3A_352 = arith.constant 0.000000e+00 : f32
        %broadcast_in_dim3A = vector.broadcast %jit3A_351 : f32 to vector<16xf32>
        %broadcast_in_dim3A_353 = vector.broadcast %jit3A_352 : f32 to vector<16xf32>
        %select_n3A_354 = arith.select %ne3A_350, %broadcast_in_dim3A, %broadcast_in_dim3A_353 : vector<16xi1>, vector<16xf32>
        %add3A_355 = arith.constant 0 : i32
        %add3A_356 = arith.addi %mul3A_241, %add3A_355 : i32
        %swap3A_357 = arith.index_cast %add3A_356 : i32 to index
        %swap3A_358 = tpu.vector_load %arg18[%swap3A_357] {strides = array<i32>} : memref<448xf32, #tpu.memory_space<vmem>>, vector<16xf32>,
        %swap3A_359 = vector.shape_cast %swap3A_358 : vector<16xf32> to vector<16xf32>
        %swap3A_360 = vector.shape_cast %select_n3A_354 : vector<16xf32> to vector<16xf32>
        tpu.vector_store %arg18[%swap3A_357], %swap3A_360 {strides = array<i32>} : memref<448xf32, #tpu.memory_space<vmem>>, vector<16xf32>,
        %ne3A_361 = arith.constant 0 : i32
        %ne3A_362 = vector.broadcast %ne3A_361 : i32 to vector<16xi32>
        %ne3A_363 = arith.cmpi ne, %get3A_347, %ne3A_362 : vector<16xi32>
        %ne3A_364 = arith.constant 6 : i32
        %ne3A_365 = vector.broadcast %ne3A_364 : i32 to vector<16xi32>
        %ne3A_366 = arith.cmpi ne, %get3A_347, %ne3A_365 : vector<16xi32>
        %and3A_367 = arith.andi %ne3A_363, %ne3A_366 : vector<16xi1>
        %jit3A_368 = arith.constant 1.000000e+00 : f32
        %jit3A_369 = arith.constant 0.000000e+00 : f32
        %broadcast_in_dim3A_370 = vector.broadcast %jit3A_368 : f32 to vector<16xf32>
        %broadcast_in_dim3A_371 = vector.broadcast %jit3A_369 : f32 to vector<16xf32>
        %select_n3A_372 = arith.select %and3A_367, %broadcast_in_dim3A_370, %broadcast_in_dim3A_371 : vector<16xi1>, vector<16xf32>
        %add3A_373 = arith.constant 0 : i32
        %add3A_374 = arith.addi %mul3A_241, %add3A_373 : i32
        %swap3A_375 = arith.index_cast %add3A_374 : i32 to index
        %swap3A_376 = tpu.vector_load %arg19[%swap3A_375] {strides = array<i32>} : memref<448xf32, #tpu.memory_space<vmem>>, vector<16xf32>,
        %swap3A_377 = vector.shape_cast %swap3A_376 : vector<16xf32> to vector<16xf32>
        %swap3A_378 = vector.shape_cast %select_n3A_372 : vector<16xf32> to vector<16xf32>
        tpu.vector_store %arg19[%swap3A_375], %swap3A_378 {strides = array<i32>} : memref<448xf32, #tpu.memory_space<vmem>>, vector<16xf32>,
        %add3A_379 = arith.constant 0 : i32
        %add3A_380 = arith.addi %mul3A_241, %add3A_379 : i32
        %swap3A_381 = arith.index_cast %add3A_380 : i32 to index
        %swap3A_382 = tpu.vector_load %arg20[%swap3A_381] {strides = array<i32>} : memref<448xi32, #tpu.memory_space<vmem>>, vector<16xi32>,
        %swap3A_383 = vector.shape_cast %swap3A_382 : vector<16xi32> to vector<16xi32>
        %swap3A_384 = vector.shape_cast %get3A_347 : vector<16xi32> to vector<16xi32>
        tpu.vector_store %arg20[%swap3A_381], %swap3A_384 {strides = array<i32>} : memref<448xi32, #tpu.memory_space<vmem>>, vector<16xi32>,
        %get3A_385 = arith.index_cast %select_n3A_219 : i32 to index
        %get3A_386 = arith.constant 16 : index
        %get3A_387 = tpu.vector_load %arg14[%get3A_385, %get3A_386] {strides = array<i32>} : memref<32x200xi32, #tpu.memory_space<vmem>>, vector<1x16xi32>,
        %get3A_388 = vector.shape_cast %get3A_387 : vector<1x16xi32> to vector<16xi32>
        %get3A_389 = arith.index_cast %select_n3A_219 : i32 to index
        %get3A_390 = arith.constant 16 : index
        %get3A_391 = tpu.vector_load %arg15[%get3A_389, %get3A_390] {strides = array<i32>} : memref<32x200xi32, #tpu.memory_space<vmem>>, vector<1x16xi32>,
        %get3A_392 = vector.shape_cast %get3A_391 : vector<1x16xi32> to vector<16xi32>
        %ne3A_393 = arith.constant 0 : i32
        %ne3A_394 = vector.broadcast %ne3A_393 : i32 to vector<16xi32>
        %ne3A_395 = arith.cmpi ne, %get3A_388, %ne3A_394 : vector<16xi32>
        %jit3A_396 = arith.constant 1.000000e+00 : f32
        %jit3A_397 = arith.constant 0.000000e+00 : f32
        %broadcast_in_dim3A_398 = vector.broadcast %jit3A_396 : f32 to vector<16xf32>
        %broadcast_in_dim3A_399 = vector.broadcast %jit3A_397 : f32 to vector<16xf32>
        %select_n3A_400 = arith.select %ne3A_395, %broadcast_in_dim3A_398, %broadcast_in_dim3A_399 : vector<16xi1>, vector<16xf32>
        %add3A_401 = arith.constant 16 : i32
        %add3A_402 = arith.addi %mul3A_241, %add3A_401 : i32
        %swap3A_403 = arith.index_cast %add3A_402 : i32 to index
        %swap3A_404 = tpu.vector_load %arg18[%swap3A_403] {strides = array<i32>} : memref<448xf32, #tpu.memory_space<vmem>>, vector<16xf32>,
        %swap3A_405 = vector.shape_cast %swap3A_404 : vector<16xf32> to vector<16xf32>
        %swap3A_406 = vector.shape_cast %select_n3A_400 : vector<16xf32> to vector<16xf32>
        tpu.vector_store %arg18[%swap3A_403], %swap3A_406 {strides = array<i32>} : memref<448xf32, #tpu.memory_space<vmem>>, vector<16xf32>,
        %ne3A_407 = arith.constant 0 : i32
        %ne3A_408 = vector.broadcast %ne3A_407 : i32 to vector<16xi32>
        %ne3A_409 = arith.cmpi ne, %get3A_392, %ne3A_408 : vector<16xi32>
        %ne3A_410 = arith.constant 6 : i32
        %ne3A_411 = vector.broadcast %ne3A_410 : i32 to vector<16xi32>
        %ne3A_412 = arith.cmpi ne, %get3A_392, %ne3A_411 : vector<16xi32>
        %and3A_413 = arith.andi %ne3A_409, %ne3A_412 : vector<16xi1>
        %jit3A_414 = arith.constant 1.000000e+00 : f32
        %jit3A_415 = arith.constant 0.000000e+00 : f32
        %broadcast_in_dim3A_416 = vector.broadcast %jit3A_414 : f32 to vector<16xf32>
        %broadcast_in_dim3A_417 = vector.broadcast %jit3A_415 : f32 to vector<16xf32>
        %select_n3A_418 = arith.select %and3A_413, %broadcast_in_dim3A_416, %broadcast_in_dim3A_417 : vector<16xi1>, vector<16xf32>
        %add3A_419 = arith.constant 16 : i32
        %add3A_420 = arith.addi %mul3A_241, %add3A_419 : i32
        %swap3A_421 = arith.index_cast %add3A_420 : i32 to index
        %swap3A_422 = tpu.vector_load %arg19[%swap3A_421] {strides = array<i32>} : memref<448xf32, #tpu.memory_space<vmem>>, vector<16xf32>,
        %swap3A_423 = vector.shape_cast %swap3A_422 : vector<16xf32> to vector<16xf32>
        %swap3A_424 = vector.shape_cast %select_n3A_418 : vector<16xf32> to vector<16xf32>
        tpu.vector_store %arg19[%swap3A_421], %swap3A_424 {strides = array<i32>} : memref<448xf32, #tpu.memory_space<vmem>>, vector<16xf32>,
        %add3A_425 = arith.constant 16 : i32
        %add3A_426 = arith.addi %mul3A_241, %add3A_425 : i32
        %swap3A_427 = arith.index_cast %add3A_426 : i32 to index
        %swap3A_428 = tpu.vector_load %arg20[%swap3A_427] {strides = array<i32>} : memref<448xi32, #tpu.memory_space<vmem>>, vector<16xi32>,
        %swap3A_429 = vector.shape_cast %swap3A_428 : vector<16xi32> to vector<16xi32>
        %swap3A_430 = vector.shape_cast %get3A_392 : vector<16xi32> to vector<16xi32>
        tpu.vector_store %arg20[%swap3A_427], %swap3A_430 {strides = array<i32>} : memref<448xi32, #tpu.memory_space<vmem>>, vector<16xi32>,
        %get3A_431 = arith.index_cast %select_n3A_219 : i32 to index
        %get3A_432 = arith.constant 32 : index
        %get3A_433 = tpu.vector_load %arg14[%get3A_431, %get3A_432] {strides = array<i32>} : memref<32x200xi32, #tpu.memory_space<vmem>>, vector<1x16xi32>,
        %get3A_434 = vector.shape_cast %get3A_433 : vector<1x16xi32> to vector<16xi32>
        %get3A_435 = arith.index_cast %select_n3A_219 : i32 to index
        %get3A_436 = arith.constant 32 : index
        %get3A_437 = tpu.vector_load %arg15[%get3A_435, %get3A_436] {strides = array<i32>} : memref<32x200xi32, #tpu.memory_space<vmem>>, vector<1x16xi32>,
        %get3A_438 = vector.shape_cast %get3A_437 : vector<1x16xi32> to vector<16xi32>
        %ne3A_439 = arith.constant 0 : i32
        %ne3A_440 = vector.broadcast %ne3A_439 : i32 to vector<16xi32>
        %ne3A_441 = arith.cmpi ne, %get3A_434, %ne3A_440 : vector<16xi32>
        %jit3A_442 = arith.constant 1.000000e+00 : f32
        %jit3A_443 = arith.constant 0.000000e+00 : f32
        %broadcast_in_dim3A_444 = vector.broadcast %jit3A_442 : f32 to vector<16xf32>
        %broadcast_in_dim3A_445 = vector.broadcast %jit3A_443 : f32 to vector<16xf32>
        %select_n3A_446 = arith.select %ne3A_441, %broadcast_in_dim3A_444, %broadcast_in_dim3A_445 : vector<16xi1>, vector<16xf32>
        %add3A_447 = arith.constant 32 : i32
        %add3A_448 = arith.addi %mul3A_241, %add3A_447 : i32
        %swap3A_449 = arith.index_cast %add3A_448 : i32 to index
        %swap3A_450 = tpu.vector_load %arg18[%swap3A_449] {strides = array<i32>} : memref<448xf32, #tpu.memory_space<vmem>>, vector<16xf32>,
        %swap3A_451 = vector.shape_cast %swap3A_450 : vector<16xf32> to vector<16xf32>
        %swap3A_452 = vector.shape_cast %select_n3A_446 : vector<16xf32> to vector<16xf32>
        tpu.vector_store %arg18[%swap3A_449], %swap3A_452 {strides = array<i32>} : memref<448xf32, #tpu.memory_space<vmem>>, vector<16xf32>,
        %ne3A_453 = arith.constant 0 : i32
        %ne3A_454 = vector.broadcast %ne3A_453 : i32 to vector<16xi32>
        %ne3A_455 = arith.cmpi ne, %get3A_438, %ne3A_454 : vector<16xi32>
        %ne3A_456 = arith.constant 6 : i32
        %ne3A_457 = vector.broadcast %ne3A_456 : i32 to vector<16xi32>
        %ne3A_458 = arith.cmpi ne, %get3A_438, %ne3A_457 : vector<16xi32>
        %and3A_459 = arith.andi %ne3A_455, %ne3A_458 : vector<16xi1>
        %jit3A_460 = arith.constant 1.000000e+00 : f32
        %jit3A_461 = arith.constant 0.000000e+00 : f32
        %broadcast_in_dim3A_462 = vector.broadcast %jit3A_460 : f32 to vector<16xf32>
        %broadcast_in_dim3A_463 = vector.broadcast %jit3A_461 : f32 to vector<16xf32>
        %select_n3A_464 = arith.select %and3A_459, %broadcast_in_dim3A_462, %broadcast_in_dim3A_463 : vector<16xi1>, vector<16xf32>
        %add3A_465 = arith.constant 32 : i32
        %add3A_466 = arith.addi %mul3A_241, %add3A_465 : i32
        %swap3A_467 = arith.index_cast %add3A_466 : i32 to index
        %swap3A_468 = tpu.vector_load %arg19[%swap3A_467] {strides = array<i32>} : memref<448xf32, #tpu.memory_space<vmem>>, vector<16xf32>,
        %swap3A_469 = vector.shape_cast %swap3A_468 : vector<16xf32> to vector<16xf32>
        %swap3A_470 = vector.shape_cast %select_n3A_464 : vector<16xf32> to vector<16xf32>
        tpu.vector_store %arg19[%swap3A_467], %swap3A_470 {strides = array<i32>} : memref<448xf32, #tpu.memory_space<vmem>>, vector<16xf32>,
        %add3A_471 = arith.constant 32 : i32
        %add3A_472 = arith.addi %mul3A_241, %add3A_471 : i32
        %swap3A_473 = arith.index_cast %add3A_472 : i32 to index
        %swap3A_474 = tpu.vector_load %arg20[%swap3A_473] {strides = array<i32>} : memref<448xi32, #tpu.memory_space<vmem>>, vector<16xi32>,
        %swap3A_475 = vector.shape_cast %swap3A_474 : vector<16xi32> to vector<16xi32>
        %swap3A_476 = vector.shape_cast %get3A_438 : vector<16xi32> to vector<16xi32>
        tpu.vector_store %arg20[%swap3A_473], %swap3A_476 {strides = array<i32>} : memref<448xi32, #tpu.memory_space<vmem>>, vector<16xi32>,
        %get3A_477 = arith.index_cast %select_n3A_219 : i32 to index
        %get3A_478 = arith.constant 48 : index
        %get3A_479 = tpu.vector_load %arg14[%get3A_477, %get3A_478] {strides = array<i32>} : memref<32x200xi32, #tpu.memory_space<vmem>>, vector<1x16xi32>,
        %get3A_480 = vector.shape_cast %get3A_479 : vector<1x16xi32> to vector<16xi32>
        %get3A_481 = arith.index_cast %select_n3A_219 : i32 to index
        %get3A_482 = arith.constant 48 : index
        %get3A_483 = tpu.vector_load %arg15[%get3A_481, %get3A_482] {strides = array<i32>} : memref<32x200xi32, #tpu.memory_space<vmem>>, vector<1x16xi32>,
        %get3A_484 = vector.shape_cast %get3A_483 : vector<1x16xi32> to vector<16xi32>
        %ne3A_485 = arith.constant 0 : i32
        %ne3A_486 = vector.broadcast %ne3A_485 : i32 to vector<16xi32>
        %ne3A_487 = arith.cmpi ne, %get3A_480, %ne3A_486 : vector<16xi32>
        %jit3A_488 = arith.constant 1.000000e+00 : f32
        %jit3A_489 = arith.constant 0.000000e+00 : f32
        %broadcast_in_dim3A_490 = vector.broadcast %jit3A_488 : f32 to vector<16xf32>
        %broadcast_in_dim3A_491 = vector.broadcast %jit3A_489 : f32 to vector<16xf32>
        %select_n3A_492 = arith.select %ne3A_487, %broadcast_in_dim3A_490, %broadcast_in_dim3A_491 : vector<16xi1>, vector<16xf32>
        %add3A_493 = arith.constant 48 : i32
        %add3A_494 = arith.addi %mul3A_241, %add3A_493 : i32
        %swap3A_495 = arith.index_cast %add3A_494 : i32 to index
        %swap3A_496 = tpu.vector_load %arg18[%swap3A_495] {strides = array<i32>} : memref<448xf32, #tpu.memory_space<vmem>>, vector<16xf32>,
        %swap3A_497 = vector.shape_cast %swap3A_496 : vector<16xf32> to vector<16xf32>
        %swap3A_498 = vector.shape_cast %select_n3A_492 : vector<16xf32> to vector<16xf32>
        tpu.vector_store %arg18[%swap3A_495], %swap3A_498 {strides = array<i32>} : memref<448xf32, #tpu.memory_space<vmem>>, vector<16xf32>,
        %ne3A_499 = arith.constant 0 : i32
        %ne3A_500 = vector.broadcast %ne3A_499 : i32 to vector<16xi32>
        %ne3A_501 = arith.cmpi ne, %get3A_484, %ne3A_500 : vector<16xi32>
        %ne3A_502 = arith.constant 6 : i32
        %ne3A_503 = vector.broadcast %ne3A_502 : i32 to vector<16xi32>
        %ne3A_504 = arith.cmpi ne, %get3A_484, %ne3A_503 : vector<16xi32>
        %and3A_505 = arith.andi %ne3A_501, %ne3A_504 : vector<16xi1>
        %jit3A_506 = arith.constant 1.000000e+00 : f32
        %jit3A_507 = arith.constant 0.000000e+00 : f32
        %broadcast_in_dim3A_508 = vector.broadcast %jit3A_506 : f32 to vector<16xf32>
        %broadcast_in_dim3A_509 = vector.broadcast %jit3A_507 : f32 to vector<16xf32>
        %select_n3A_510 = arith.select %and3A_505, %broadcast_in_dim3A_508, %broadcast_in_dim3A_509 : vector<16xi1>, vector<16xf32>
        %add3A_511 = arith.constant 48 : i32
        %add3A_512 = arith.addi %mul3A_241, %add3A_511 : i32
        %swap3A_513 = arith.index_cast %add3A_512 : i32 to index
        %swap3A_514 = tpu.vector_load %arg19[%swap3A_513] {strides = array<i32>} : memref<448xf32, #tpu.memory_space<vmem>>, vector<16xf32>,
        %swap3A_515 = vector.shape_cast %swap3A_514 : vector<16xf32> to vector<16xf32>
        %swap3A_516 = vector.shape_cast %select_n3A_510 : vector<16xf32> to vector<16xf32>
        tpu.vector_store %arg19[%swap3A_513], %swap3A_516 {strides = array<i32>} : memref<448xf32, #tpu.memory_space<vmem>>, vector<16xf32>,
        %add3A_517 = arith.constant 48 : i32
        %add3A_518 = arith.addi %mul3A_241, %add3A_517 : i32
        %swap3A_519 = arith.index_cast %add3A_518 : i32 to index
        %swap3A_520 = tpu.vector_load %arg20[%swap3A_519] {strides = array<i32>} : memref<448xi32, #tpu.memory_space<vmem>>, vector<16xi32>,
        %swap3A_521 = vector.shape_cast %swap3A_520 : vector<16xi32> to vector<16xi32>
        %swap3A_522 = vector.shape_cast %get3A_484 : vector<16xi32> to vector<16xi32>
        tpu.vector_store %arg20[%swap3A_519], %swap3A_522 {strides = array<i32>} : memref<448xi32, #tpu.memory_space<vmem>>, vector<16xi32>,
        %get3A_523 = arith.index_cast %select_n3A_219 : i32 to index
        %get3A_524 = arith.constant 64 : index
        %get3A_525 = tpu.vector_load %arg14[%get3A_523, %get3A_524] {strides = array<i32>} : memref<32x200xi32, #tpu.memory_space<vmem>>, vector<1x16xi32>,
        %get3A_526 = vector.shape_cast %get3A_525 : vector<1x16xi32> to vector<16xi32>
        %get3A_527 = arith.index_cast %select_n3A_219 : i32 to index
        %get3A_528 = arith.constant 64 : index
        %get3A_529 = tpu.vector_load %arg15[%get3A_527, %get3A_528] {strides = array<i32>} : memref<32x200xi32, #tpu.memory_space<vmem>>, vector<1x16xi32>,
        %get3A_530 = vector.shape_cast %get3A_529 : vector<1x16xi32> to vector<16xi32>
        %ne3A_531 = arith.constant 0 : i32
        %ne3A_532 = vector.broadcast %ne3A_531 : i32 to vector<16xi32>
        %ne3A_533 = arith.cmpi ne, %get3A_526, %ne3A_532 : vector<16xi32>
        %jit3A_534 = arith.constant 1.000000e+00 : f32
        %jit3A_535 = arith.constant 0.000000e+00 : f32
        %broadcast_in_dim3A_536 = vector.broadcast %jit3A_534 : f32 to vector<16xf32>
        %broadcast_in_dim3A_537 = vector.broadcast %jit3A_535 : f32 to vector<16xf32>
        %select_n3A_538 = arith.select %ne3A_533, %broadcast_in_dim3A_536, %broadcast_in_dim3A_537 : vector<16xi1>, vector<16xf32>
        %add3A_539 = arith.constant 64 : i32
        %add3A_540 = arith.addi %mul3A_241, %add3A_539 : i32
        %swap3A_541 = arith.index_cast %add3A_540 : i32 to index
        %swap3A_542 = tpu.vector_load %arg18[%swap3A_541] {strides = array<i32>} : memref<448xf32, #tpu.memory_space<vmem>>, vector<16xf32>,
        %swap3A_543 = vector.shape_cast %swap3A_542 : vector<16xf32> to vector<16xf32>
        %swap3A_544 = vector.shape_cast %select_n3A_538 : vector<16xf32> to vector<16xf32>
        tpu.vector_store %arg18[%swap3A_541], %swap3A_544 {strides = array<i32>} : memref<448xf32, #tpu.memory_space<vmem>>, vector<16xf32>,
        %ne3A_545 = arith.constant 0 : i32
        %ne3A_546 = vector.broadcast %ne3A_545 : i32 to vector<16xi32>
        %ne3A_547 = arith.cmpi ne, %get3A_530, %ne3A_546 : vector<16xi32>
        %ne3A_548 = arith.constant 6 : i32
        %ne3A_549 = vector.broadcast %ne3A_548 : i32 to vector<16xi32>
        %ne3A_550 = arith.cmpi ne, %get3A_530, %ne3A_549 : vector<16xi32>
        %and3A_551 = arith.andi %ne3A_547, %ne3A_550 : vector<16xi1>
        %jit3A_552 = arith.constant 1.000000e+00 : f32
        %jit3A_553 = arith.constant 0.000000e+00 : f32
        %broadcast_in_dim3A_554 = vector.broadcast %jit3A_552 : f32 to vector<16xf32>
        %broadcast_in_dim3A_555 = vector.broadcast %jit3A_553 : f32 to vector<16xf32>
        %select_n3A_556 = arith.select %and3A_551, %broadcast_in_dim3A_554, %broadcast_in_dim3A_555 : vector<16xi1>, vector<16xf32>
        %add3A_557 = arith.constant 64 : i32
        %add3A_558 = arith.addi %mul3A_241, %add3A_557 : i32
        %swap3A_559 = arith.index_cast %add3A_558 : i32 to index
        %swap3A_560 = tpu.vector_load %arg19[%swap3A_559] {strides = array<i32>} : memref<448xf32, #tpu.memory_space<vmem>>, vector<16xf32>,
        %swap3A_561 = vector.shape_cast %swap3A_560 : vector<16xf32> to vector<16xf32>
        %swap3A_562 = vector.shape_cast %select_n3A_556 : vector<16xf32> to vector<16xf32>
        tpu.vector_store %arg19[%swap3A_559], %swap3A_562 {strides = array<i32>} : memref<448xf32, #tpu.memory_space<vmem>>, vector<16xf32>,
        %add3A_563 = arith.constant 64 : i32
        %add3A_564 = arith.addi %mul3A_241, %add3A_563 : i32
        %swap3A_565 = arith.index_cast %add3A_564 : i32 to index
        %swap3A_566 = tpu.vector_load %arg20[%swap3A_565] {strides = array<i32>} : memref<448xi32, #tpu.memory_space<vmem>>, vector<16xi32>,
        %swap3A_567 = vector.shape_cast %swap3A_566 : vector<16xi32> to vector<16xi32>
        %swap3A_568 = vector.shape_cast %get3A_530 : vector<16xi32> to vector<16xi32>
        tpu.vector_store %arg20[%swap3A_565], %swap3A_568 {strides = array<i32>} : memref<448xi32, #tpu.memory_space<vmem>>, vector<16xi32>,
        %get3A_569 = arith.index_cast %select_n3A_219 : i32 to index
        %get3A_570 = arith.constant 80 : index
        %get3A_571 = tpu.vector_load %arg14[%get3A_569, %get3A_570] {strides = array<i32>} : memref<32x200xi32, #tpu.memory_space<vmem>>, vector<1x16xi32>,
        %get3A_572 = vector.shape_cast %get3A_571 : vector<1x16xi32> to vector<16xi32>
        %get3A_573 = arith.index_cast %select_n3A_219 : i32 to index
        %get3A_574 = arith.constant 80 : index
        %get3A_575 = tpu.vector_load %arg15[%get3A_573, %get3A_574] {strides = array<i32>} : memref<32x200xi32, #tpu.memory_space<vmem>>, vector<1x16xi32>,
        %get3A_576 = vector.shape_cast %get3A_575 : vector<1x16xi32> to vector<16xi32>
        %ne3A_577 = arith.constant 0 : i32
        %ne3A_578 = vector.broadcast %ne3A_577 : i32 to vector<16xi32>
        %ne3A_579 = arith.cmpi ne, %get3A_572, %ne3A_578 : vector<16xi32>
        %jit3A_580 = arith.constant 1.000000e+00 : f32
        %jit3A_581 = arith.constant 0.000000e+00 : f32
        %broadcast_in_dim3A_582 = vector.broadcast %jit3A_580 : f32 to vector<16xf32>
        %broadcast_in_dim3A_583 = vector.broadcast %jit3A_581 : f32 to vector<16xf32>
        %select_n3A_584 = arith.select %ne3A_579, %broadcast_in_dim3A_582, %broadcast_in_dim3A_583 : vector<16xi1>, vector<16xf32>
        %add3A_585 = arith.constant 80 : i32
        %add3A_586 = arith.addi %mul3A_241, %add3A_585 : i32
        %swap3A_587 = arith.index_cast %add3A_586 : i32 to index
        %swap3A_588 = tpu.vector_load %arg18[%swap3A_587] {strides = array<i32>} : memref<448xf32, #tpu.memory_space<vmem>>, vector<16xf32>,
        %swap3A_589 = vector.shape_cast %swap3A_588 : vector<16xf32> to vector<16xf32>
        %swap3A_590 = vector.shape_cast %select_n3A_584 : vector<16xf32> to vector<16xf32>
        tpu.vector_store %arg18[%swap3A_587], %swap3A_590 {strides = array<i32>} : memref<448xf32, #tpu.memory_space<vmem>>, vector<16xf32>,
        %ne3A_591 = arith.constant 0 : i32
        %ne3A_592 = vector.broadcast %ne3A_591 : i32 to vector<16xi32>
        %ne3A_593 = arith.cmpi ne, %get3A_576, %ne3A_592 : vector<16xi32>
        %ne3A_594 = arith.constant 6 : i32
        %ne3A_595 = vector.broadcast %ne3A_594 : i32 to vector<16xi32>
        %ne3A_596 = arith.cmpi ne, %get3A_576, %ne3A_595 : vector<16xi32>
        %and3A_597 = arith.andi %ne3A_593, %ne3A_596 : vector<16xi1>
        %jit3A_598 = arith.constant 1.000000e+00 : f32
        %jit3A_599 = arith.constant 0.000000e+00 : f32
        %broadcast_in_dim3A_600 = vector.broadcast %jit3A_598 : f32 to vector<16xf32>
        %broadcast_in_dim3A_601 = vector.broadcast %jit3A_599 : f32 to vector<16xf32>
        %select_n3A_602 = arith.select %and3A_597, %broadcast_in_dim3A_600, %broadcast_in_dim3A_601 : vector<16xi1>, vector<16xf32>
        %add3A_603 = arith.constant 80 : i32
        %add3A_604 = arith.addi %mul3A_241, %add3A_603 : i32
        %swap3A_605 = arith.index_cast %add3A_604 : i32 to index
        %swap3A_606 = tpu.vector_load %arg19[%swap3A_605] {strides = array<i32>} : memref<448xf32, #tpu.memory_space<vmem>>, vector<16xf32>,
        %swap3A_607 = vector.shape_cast %swap3A_606 : vector<16xf32> to vector<16xf32>
        %swap3A_608 = vector.shape_cast %select_n3A_602 : vector<16xf32> to vector<16xf32>
        tpu.vector_store %arg19[%swap3A_605], %swap3A_608 {strides = array<i32>} : memref<448xf32, #tpu.memory_space<vmem>>, vector<16xf32>,
        %add3A_609 = arith.constant 80 : i32
        %add3A_610 = arith.addi %mul3A_241, %add3A_609 : i32
        %swap3A_611 = arith.index_cast %add3A_610 : i32 to index
        %swap3A_612 = tpu.vector_load %arg20[%swap3A_611] {strides = array<i32>} : memref<448xi32, #tpu.memory_space<vmem>>, vector<16xi32>,
        %swap3A_613 = vector.shape_cast %swap3A_612 : vector<16xi32> to vector<16xi32>
        %swap3A_614 = vector.shape_cast %get3A_576 : vector<16xi32> to vector<16xi32>
        tpu.vector_store %arg20[%swap3A_611], %swap3A_614 {strides = array<i32>} : memref<448xi32, #tpu.memory_space<vmem>>, vector<16xi32>,
        %get3A_615 = arith.index_cast %select_n3A_219 : i32 to index
        %get3A_616 = arith.constant 96 : index
        %get3A_617 = tpu.vector_load %arg14[%get3A_615, %get3A_616] {strides = array<i32>} : memref<32x200xi32, #tpu.memory_space<vmem>>, vector<1x16xi32>,
        %get3A_618 = vector.shape_cast %get3A_617 : vector<1x16xi32> to vector<16xi32>
        %get3A_619 = arith.index_cast %select_n3A_219 : i32 to index
        %get3A_620 = arith.constant 96 : index
        %get3A_621 = tpu.vector_load %arg15[%get3A_619, %get3A_620] {strides = array<i32>} : memref<32x200xi32, #tpu.memory_space<vmem>>, vector<1x16xi32>,
        %get3A_622 = vector.shape_cast %get3A_621 : vector<1x16xi32> to vector<16xi32>
        %ne3A_623 = arith.constant 0 : i32
        %ne3A_624 = vector.broadcast %ne3A_623 : i32 to vector<16xi32>
        %ne3A_625 = arith.cmpi ne, %get3A_618, %ne3A_624 : vector<16xi32>
        %jit3A_626 = arith.constant 1.000000e+00 : f32
        %jit3A_627 = arith.constant 0.000000e+00 : f32
        %broadcast_in_dim3A_628 = vector.broadcast %jit3A_626 : f32 to vector<16xf32>
        %broadcast_in_dim3A_629 = vector.broadcast %jit3A_627 : f32 to vector<16xf32>
        %select_n3A_630 = arith.select %ne3A_625, %broadcast_in_dim3A_628, %broadcast_in_dim3A_629 : vector<16xi1>, vector<16xf32>
        %add3A_631 = arith.constant 96 : i32
        %add3A_632 = arith.addi %mul3A_241, %add3A_631 : i32
        %swap3A_633 = arith.index_cast %add3A_632 : i32 to index
        %swap3A_634 = tpu.vector_load %arg18[%swap3A_633] {strides = array<i32>} : memref<448xf32, #tpu.memory_space<vmem>>, vector<16xf32>,
        %swap3A_635 = vector.shape_cast %swap3A_634 : vector<16xf32> to vector<16xf32>
        %swap3A_636 = vector.shape_cast %select_n3A_630 : vector<16xf32> to vector<16xf32>
        tpu.vector_store %arg18[%swap3A_633], %swap3A_636 {strides = array<i32>} : memref<448xf32, #tpu.memory_space<vmem>>, vector<16xf32>,
        %ne3A_637 = arith.constant 0 : i32
        %ne3A_638 = vector.broadcast %ne3A_637 : i32 to vector<16xi32>
        %ne3A_639 = arith.cmpi ne, %get3A_622, %ne3A_638 : vector<16xi32>
        %ne3A_640 = arith.constant 6 : i32
        %ne3A_641 = vector.broadcast %ne3A_640 : i32 to vector<16xi32>
        %ne3A_642 = arith.cmpi ne, %get3A_622, %ne3A_641 : vector<16xi32>
        %and3A_643 = arith.andi %ne3A_639, %ne3A_642 : vector<16xi1>
        %jit3A_644 = arith.constant 1.000000e+00 : f32
        %jit3A_645 = arith.constant 0.000000e+00 : f32
        %broadcast_in_dim3A_646 = vector.broadcast %jit3A_644 : f32 to vector<16xf32>
        %broadcast_in_dim3A_647 = vector.broadcast %jit3A_645 : f32 to vector<16xf32>
        %select_n3A_648 = arith.select %and3A_643, %broadcast_in_dim3A_646, %broadcast_in_dim3A_647 : vector<16xi1>, vector<16xf32>
        %add3A_649 = arith.constant 96 : i32
        %add3A_650 = arith.addi %mul3A_241, %add3A_649 : i32
        %swap3A_651 = arith.index_cast %add3A_650 : i32 to index
        %swap3A_652 = tpu.vector_load %arg19[%swap3A_651] {strides = array<i32>} : memref<448xf32, #tpu.memory_space<vmem>>, vector<16xf32>,
        %swap3A_653 = vector.shape_cast %swap3A_652 : vector<16xf32> to vector<16xf32>
        %swap3A_654 = vector.shape_cast %select_n3A_648 : vector<16xf32> to vector<16xf32>
        tpu.vector_store %arg19[%swap3A_651], %swap3A_654 {strides = array<i32>} : memref<448xf32, #tpu.memory_space<vmem>>, vector<16xf32>,
        %add3A_655 = arith.constant 96 : i32
        %add3A_656 = arith.addi %mul3A_241, %add3A_655 : i32
        %swap3A_657 = arith.index_cast %add3A_656 : i32 to index
        %swap3A_658 = tpu.vector_load %arg20[%swap3A_657] {strides = array<i32>} : memref<448xi32, #tpu.memory_space<vmem>>, vector<16xi32>,
        %swap3A_659 = vector.shape_cast %swap3A_658 : vector<16xi32> to vector<16xi32>
        %swap3A_660 = vector.shape_cast %get3A_622 : vector<16xi32> to vector<16xi32>
        tpu.vector_store %arg20[%swap3A_657], %swap3A_660 {strides = array<i32>} : memref<448xi32, #tpu.memory_space<vmem>>, vector<16xi32>,
        %get3A_661 = arith.index_cast %select_n3A_219 : i32 to index
        %get3A_662 = arith.constant 112 : index
        %get3A_663 = tpu.vector_load %arg14[%get3A_661, %get3A_662] {strides = array<i32>} : memref<32x200xi32, #tpu.memory_space<vmem>>, vector<1x16xi32>,
        %get3A_664 = vector.shape_cast %get3A_663 : vector<1x16xi32> to vector<16xi32>
        %get3A_665 = arith.index_cast %select_n3A_219 : i32 to index
        %get3A_666 = arith.constant 112 : index
        %get3A_667 = tpu.vector_load %arg15[%get3A_665, %get3A_666] {strides = array<i32>} : memref<32x200xi32, #tpu.memory_space<vmem>>, vector<1x16xi32>,
        %get3A_668 = vector.shape_cast %get3A_667 : vector<1x16xi32> to vector<16xi32>
        %ne3A_669 = arith.constant 0 : i32
        %ne3A_670 = vector.broadcast %ne3A_669 : i32 to vector<16xi32>
        %ne3A_671 = arith.cmpi ne, %get3A_664, %ne3A_670 : vector<16xi32>
        %jit3A_672 = arith.constant 1.000000e+00 : f32
        %jit3A_673 = arith.constant 0.000000e+00 : f32
        %broadcast_in_dim3A_674 = vector.broadcast %jit3A_672 : f32 to vector<16xf32>
        %broadcast_in_dim3A_675 = vector.broadcast %jit3A_673 : f32 to vector<16xf32>
        %select_n3A_676 = arith.select %ne3A_671, %broadcast_in_dim3A_674, %broadcast_in_dim3A_675 : vector<16xi1>, vector<16xf32>
        %add3A_677 = arith.constant 112 : i32
        %add3A_678 = arith.addi %mul3A_241, %add3A_677 : i32
        %swap3A_679 = arith.index_cast %add3A_678 : i32 to index
        %swap3A_680 = tpu.vector_load %arg18[%swap3A_679] {strides = array<i32>} : memref<448xf32, #tpu.memory_space<vmem>>, vector<16xf32>,
        %swap3A_681 = vector.shape_cast %swap3A_680 : vector<16xf32> to vector<16xf32>
        %swap3A_682 = vector.shape_cast %select_n3A_676 : vector<16xf32> to vector<16xf32>
        tpu.vector_store %arg18[%swap3A_679], %swap3A_682 {strides = array<i32>} : memref<448xf32, #tpu.memory_space<vmem>>, vector<16xf32>,
        %ne3A_683 = arith.constant 0 : i32
        %ne3A_684 = vector.broadcast %ne3A_683 : i32 to vector<16xi32>
        %ne3A_685 = arith.cmpi ne, %get3A_668, %ne3A_684 : vector<16xi32>
        %ne3A_686 = arith.constant 6 : i32
        %ne3A_687 = vector.broadcast %ne3A_686 : i32 to vector<16xi32>
        %ne3A_688 = arith.cmpi ne, %get3A_668, %ne3A_687 : vector<16xi32>
        %and3A_689 = arith.andi %ne3A_685, %ne3A_688 : vector<16xi1>
        %jit3A_690 = arith.constant 1.000000e+00 : f32
        %jit3A_691 = arith.constant 0.000000e+00 : f32
        %broadcast_in_dim3A_692 = vector.broadcast %jit3A_690 : f32 to vector<16xf32>
        %broadcast_in_dim3A_693 = vector.broadcast %jit3A_691 : f32 to vector<16xf32>
        %select_n3A_694 = arith.select %and3A_689, %broadcast_in_dim3A_692, %broadcast_in_dim3A_693 : vector<16xi1>, vector<16xf32>
        %add3A_695 = arith.constant 112 : i32
        %add3A_696 = arith.addi %mul3A_241, %add3A_695 : i32
        %swap3A_697 = arith.index_cast %add3A_696 : i32 to index
        %swap3A_698 = tpu.vector_load %arg19[%swap3A_697] {strides = array<i32>} : memref<448xf32, #tpu.memory_space<vmem>>, vector<16xf32>,
        %swap3A_699 = vector.shape_cast %swap3A_698 : vector<16xf32> to vector<16xf32>
        %swap3A_700 = vector.shape_cast %select_n3A_694 : vector<16xf32> to vector<16xf32>
        tpu.vector_store %arg19[%swap3A_697], %swap3A_700 {strides = array<i32>} : memref<448xf32, #tpu.memory_space<vmem>>, vector<16xf32>,
        %add3A_701 = arith.constant 112 : i32
        %add3A_702 = arith.addi %mul3A_241, %add3A_701 : i32
        %swap3A_703 = arith.index_cast %add3A_702 : i32 to index
        %swap3A_704 = tpu.vector_load %arg20[%swap3A_703] {strides = array<i32>} : memref<448xi32, #tpu.memory_space<vmem>>, vector<16xi32>,
        %swap3A_705 = vector.shape_cast %swap3A_704 : vector<16xi32> to vector<16xi32>
        %swap3A_706 = vector.shape_cast %get3A_668 : vector<16xi32> to vector<16xi32>
        tpu.vector_store %arg20[%swap3A_703], %swap3A_706 {strides = array<i32>} : memref<448xi32, #tpu.memory_space<vmem>>, vector<16xi32>,
        %get3A_707 = arith.index_cast %select_n3A_219 : i32 to index
        %get3A_708 = arith.constant 128 : index
        %get3A_709 = tpu.vector_load %arg14[%get3A_707, %get3A_708] {strides = array<i32>} : memref<32x200xi32, #tpu.memory_space<vmem>>, vector<1x16xi32>,
        %get3A_710 = vector.shape_cast %get3A_709 : vector<1x16xi32> to vector<16xi32>
        %get3A_711 = arith.index_cast %select_n3A_219 : i32 to index
        %get3A_712 = arith.constant 128 : index
        %get3A_713 = tpu.vector_load %arg15[%get3A_711, %get3A_712] {strides = array<i32>} : memref<32x200xi32, #tpu.memory_space<vmem>>, vector<1x16xi32>,
        %get3A_714 = vector.shape_cast %get3A_713 : vector<1x16xi32> to vector<16xi32>
        %ne3A_715 = arith.constant 0 : i32
        %ne3A_716 = vector.broadcast %ne3A_715 : i32 to vector<16xi32>
        %ne3A_717 = arith.cmpi ne, %get3A_710, %ne3A_716 : vector<16xi32>
        %jit3A_718 = arith.constant 1.000000e+00 : f32
        %jit3A_719 = arith.constant 0.000000e+00 : f32
        %broadcast_in_dim3A_720 = vector.broadcast %jit3A_718 : f32 to vector<16xf32>
        %broadcast_in_dim3A_721 = vector.broadcast %jit3A_719 : f32 to vector<16xf32>
        %select_n3A_722 = arith.select %ne3A_717, %broadcast_in_dim3A_720, %broadcast_in_dim3A_721 : vector<16xi1>, vector<16xf32>
        %add3A_723 = arith.constant 128 : i32
        %add3A_724 = arith.addi %mul3A_241, %add3A_723 : i32
        %swap3A_725 = arith.index_cast %add3A_724 : i32 to index
        %swap3A_726 = tpu.vector_load %arg18[%swap3A_725] {strides = array<i32>} : memref<448xf32, #tpu.memory_space<vmem>>, vector<16xf32>,
        %swap3A_727 = vector.shape_cast %swap3A_726 : vector<16xf32> to vector<16xf32>
        %swap3A_728 = vector.shape_cast %select_n3A_722 : vector<16xf32> to vector<16xf32>
        tpu.vector_store %arg18[%swap3A_725], %swap3A_728 {strides = array<i32>} : memref<448xf32, #tpu.memory_space<vmem>>, vector<16xf32>,
        %ne3A_729 = arith.constant 0 : i32
        %ne3A_730 = vector.broadcast %ne3A_729 : i32 to vector<16xi32>
        %ne3A_731 = arith.cmpi ne, %get3A_714, %ne3A_730 : vector<16xi32>
        %ne3A_732 = arith.constant 6 : i32
        %ne3A_733 = vector.broadcast %ne3A_732 : i32 to vector<16xi32>
        %ne3A_734 = arith.cmpi ne, %get3A_714, %ne3A_733 : vector<16xi32>
        %and3A_735 = arith.andi %ne3A_731, %ne3A_734 : vector<16xi1>
        %jit3A_736 = arith.constant 1.000000e+00 : f32
        %jit3A_737 = arith.constant 0.000000e+00 : f32
        %broadcast_in_dim3A_738 = vector.broadcast %jit3A_736 : f32 to vector<16xf32>
        %broadcast_in_dim3A_739 = vector.broadcast %jit3A_737 : f32 to vector<16xf32>
        %select_n3A_740 = arith.select %and3A_735, %broadcast_in_dim3A_738, %broadcast_in_dim3A_739 : vector<16xi1>, vector<16xf32>
        %add3A_741 = arith.constant 128 : i32
        %add3A_742 = arith.addi %mul3A_241, %add3A_741 : i32
        %swap3A_743 = arith.index_cast %add3A_742 : i32 to index
        %swap3A_744 = tpu.vector_load %arg19[%swap3A_743] {strides = array<i32>} : memref<448xf32, #tpu.memory_space<vmem>>, vector<16xf32>,
        %swap3A_745 = vector.shape_cast %swap3A_744 : vector<16xf32> to vector<16xf32>
        %swap3A_746 = vector.shape_cast %select_n3A_740 : vector<16xf32> to vector<16xf32>
        tpu.vector_store %arg19[%swap3A_743], %swap3A_746 {strides = array<i32>} : memref<448xf32, #tpu.memory_space<vmem>>, vector<16xf32>,
        %add3A_747 = arith.constant 128 : i32
        %add3A_748 = arith.addi %mul3A_241, %add3A_747 : i32
        %swap3A_749 = arith.index_cast %add3A_748 : i32 to index
        %swap3A_750 = tpu.vector_load %arg20[%swap3A_749] {strides = array<i32>} : memref<448xi32, #tpu.memory_space<vmem>>, vector<16xi32>,
        %swap3A_751 = vector.shape_cast %swap3A_750 : vector<16xi32> to vector<16xi32>
        %swap3A_752 = vector.shape_cast %get3A_714 : vector<16xi32> to vector<16xi32>
        tpu.vector_store %arg20[%swap3A_749], %swap3A_752 {strides = array<i32>} : memref<448xi32, #tpu.memory_space<vmem>>, vector<16xi32>,
        %get3A_753 = arith.index_cast %select_n3A_219 : i32 to index
        %get3A_754 = arith.constant 144 : index
        %get3A_755 = tpu.vector_load %arg14[%get3A_753, %get3A_754] {strides = array<i32>} : memref<32x200xi32, #tpu.memory_space<vmem>>, vector<1x16xi32>,
        %get3A_756 = vector.shape_cast %get3A_755 : vector<1x16xi32> to vector<16xi32>
        %get3A_757 = arith.index_cast %select_n3A_219 : i32 to index
        %get3A_758 = arith.constant 144 : index
        %get3A_759 = tpu.vector_load %arg15[%get3A_757, %get3A_758] {strides = array<i32>} : memref<32x200xi32, #tpu.memory_space<vmem>>, vector<1x16xi32>,
        %get3A_760 = vector.shape_cast %get3A_759 : vector<1x16xi32> to vector<16xi32>
        %ne3A_761 = arith.constant 0 : i32
        %ne3A_762 = vector.broadcast %ne3A_761 : i32 to vector<16xi32>
        %ne3A_763 = arith.cmpi ne, %get3A_756, %ne3A_762 : vector<16xi32>
        %jit3A_764 = arith.constant 1.000000e+00 : f32
        %jit3A_765 = arith.constant 0.000000e+00 : f32
        %broadcast_in_dim3A_766 = vector.broadcast %jit3A_764 : f32 to vector<16xf32>
        %broadcast_in_dim3A_767 = vector.broadcast %jit3A_765 : f32 to vector<16xf32>
        %select_n3A_768 = arith.select %ne3A_763, %broadcast_in_dim3A_766, %broadcast_in_dim3A_767 : vector<16xi1>, vector<16xf32>
        %add3A_769 = arith.constant 144 : i32
        %add3A_770 = arith.addi %mul3A_241, %add3A_769 : i32
        %swap3A_771 = arith.index_cast %add3A_770 : i32 to index
        %swap3A_772 = tpu.vector_load %arg18[%swap3A_771] {strides = array<i32>} : memref<448xf32, #tpu.memory_space<vmem>>, vector<16xf32>,
        %swap3A_773 = vector.shape_cast %swap3A_772 : vector<16xf32> to vector<16xf32>
        %swap3A_774 = vector.shape_cast %select_n3A_768 : vector<16xf32> to vector<16xf32>
        tpu.vector_store %arg18[%swap3A_771], %swap3A_774 {strides = array<i32>} : memref<448xf32, #tpu.memory_space<vmem>>, vector<16xf32>,
        %ne3A_775 = arith.constant 0 : i32
        %ne3A_776 = vector.broadcast %ne3A_775 : i32 to vector<16xi32>
        %ne3A_777 = arith.cmpi ne, %get3A_760, %ne3A_776 : vector<16xi32>
        %ne3A_778 = arith.constant 6 : i32
        %ne3A_779 = vector.broadcast %ne3A_778 : i32 to vector<16xi32>
        %ne3A_780 = arith.cmpi ne, %get3A_760, %ne3A_779 : vector<16xi32>
        %and3A_781 = arith.andi %ne3A_777, %ne3A_780 : vector<16xi1>
        %jit3A_782 = arith.constant 1.000000e+00 : f32
        %jit3A_783 = arith.constant 0.000000e+00 : f32
        %broadcast_in_dim3A_784 = vector.broadcast %jit3A_782 : f32 to vector<16xf32>
        %broadcast_in_dim3A_785 = vector.broadcast %jit3A_783 : f32 to vector<16xf32>
        %select_n3A_786 = arith.select %and3A_781, %broadcast_in_dim3A_784, %broadcast_in_dim3A_785 : vector<16xi1>, vector<16xf32>
        %add3A_787 = arith.constant 144 : i32
        %add3A_788 = arith.addi %mul3A_241, %add3A_787 : i32
        %swap3A_789 = arith.index_cast %add3A_788 : i32 to index
        %swap3A_790 = tpu.vector_load %arg19[%swap3A_789] {strides = array<i32>} : memref<448xf32, #tpu.memory_space<vmem>>, vector<16xf32>,
        %swap3A_791 = vector.shape_cast %swap3A_790 : vector<16xf32> to vector<16xf32>
        %swap3A_792 = vector.shape_cast %select_n3A_786 : vector<16xf32> to vector<16xf32>
        tpu.vector_store %arg19[%swap3A_789], %swap3A_792 {strides = array<i32>} : memref<448xf32, #tpu.memory_space<vmem>>, vector<16xf32>,
        %add3A_793 = arith.constant 144 : i32
        %add3A_794 = arith.addi %mul3A_241, %add3A_793 : i32
        %swap3A_795 = arith.index_cast %add3A_794 : i32 to index
        %swap3A_796 = tpu.vector_load %arg20[%swap3A_795] {strides = array<i32>} : memref<448xi32, #tpu.memory_space<vmem>>, vector<16xi32>,
        %swap3A_797 = vector.shape_cast %swap3A_796 : vector<16xi32> to vector<16xi32>
        %swap3A_798 = vector.shape_cast %get3A_760 : vector<16xi32> to vector<16xi32>
        tpu.vector_store %arg20[%swap3A_795], %swap3A_798 {strides = array<i32>} : memref<448xi32, #tpu.memory_space<vmem>>, vector<16xi32>,
        %get3A_799 = arith.index_cast %select_n3A_219 : i32 to index
        %get3A_800 = arith.constant 160 : index
        %get3A_801 = tpu.vector_load %arg14[%get3A_799, %get3A_800] {strides = array<i32>} : memref<32x200xi32, #tpu.memory_space<vmem>>, vector<1x16xi32>,
        %get3A_802 = vector.shape_cast %get3A_801 : vector<1x16xi32> to vector<16xi32>
        %get3A_803 = arith.index_cast %select_n3A_219 : i32 to index
        %get3A_804 = arith.constant 160 : index
        %get3A_805 = tpu.vector_load %arg15[%get3A_803, %get3A_804] {strides = array<i32>} : memref<32x200xi32, #tpu.memory_space<vmem>>, vector<1x16xi32>,
        %get3A_806 = vector.shape_cast %get3A_805 : vector<1x16xi32> to vector<16xi32>
        %ne3A_807 = arith.constant 0 : i32
        %ne3A_808 = vector.broadcast %ne3A_807 : i32 to vector<16xi32>
        %ne3A_809 = arith.cmpi ne, %get3A_802, %ne3A_808 : vector<16xi32>
        %jit3A_810 = arith.constant 1.000000e+00 : f32
        %jit3A_811 = arith.constant 0.000000e+00 : f32
        %broadcast_in_dim3A_812 = vector.broadcast %jit3A_810 : f32 to vector<16xf32>
        %broadcast_in_dim3A_813 = vector.broadcast %jit3A_811 : f32 to vector<16xf32>
        %select_n3A_814 = arith.select %ne3A_809, %broadcast_in_dim3A_812, %broadcast_in_dim3A_813 : vector<16xi1>, vector<16xf32>
        %add3A_815 = arith.constant 160 : i32
        %add3A_816 = arith.addi %mul3A_241, %add3A_815 : i32
        %swap3A_817 = arith.index_cast %add3A_816 : i32 to index
        %swap3A_818 = tpu.vector_load %arg18[%swap3A_817] {strides = array<i32>} : memref<448xf32, #tpu.memory_space<vmem>>, vector<16xf32>,
        %swap3A_819 = vector.shape_cast %swap3A_818 : vector<16xf32> to vector<16xf32>
        %swap3A_820 = vector.shape_cast %select_n3A_814 : vector<16xf32> to vector<16xf32>
        tpu.vector_store %arg18[%swap3A_817], %swap3A_820 {strides = array<i32>} : memref<448xf32, #tpu.memory_space<vmem>>, vector<16xf32>,
        %ne3A_821 = arith.constant 0 : i32
        %ne3A_822 = vector.broadcast %ne3A_821 : i32 to vector<16xi32>
        %ne3A_823 = arith.cmpi ne, %get3A_806, %ne3A_822 : vector<16xi32>
        %ne3A_824 = arith.constant 6 : i32
        %ne3A_825 = vector.broadcast %ne3A_824 : i32 to vector<16xi32>
        %ne3A_826 = arith.cmpi ne, %get3A_806, %ne3A_825 : vector<16xi32>
        %and3A_827 = arith.andi %ne3A_823, %ne3A_826 : vector<16xi1>
        %jit3A_828 = arith.constant 1.000000e+00 : f32
        %jit3A_829 = arith.constant 0.000000e+00 : f32
        %broadcast_in_dim3A_830 = vector.broadcast %jit3A_828 : f32 to vector<16xf32>
        %broadcast_in_dim3A_831 = vector.broadcast %jit3A_829 : f32 to vector<16xf32>
        %select_n3A_832 = arith.select %and3A_827, %broadcast_in_dim3A_830, %broadcast_in_dim3A_831 : vector<16xi1>, vector<16xf32>
        %add3A_833 = arith.constant 160 : i32
        %add3A_834 = arith.addi %mul3A_241, %add3A_833 : i32
        %swap3A_835 = arith.index_cast %add3A_834 : i32 to index
        %swap3A_836 = tpu.vector_load %arg19[%swap3A_835] {strides = array<i32>} : memref<448xf32, #tpu.memory_space<vmem>>, vector<16xf32>,
        %swap3A_837 = vector.shape_cast %swap3A_836 : vector<16xf32> to vector<16xf32>
        %swap3A_838 = vector.shape_cast %select_n3A_832 : vector<16xf32> to vector<16xf32>
        tpu.vector_store %arg19[%swap3A_835], %swap3A_838 {strides = array<i32>} : memref<448xf32, #tpu.memory_space<vmem>>, vector<16xf32>,
        %add3A_839 = arith.constant 160 : i32
        %add3A_840 = arith.addi %mul3A_241, %add3A_839 : i32
        %swap3A_841 = arith.index_cast %add3A_840 : i32 to index
        %swap3A_842 = tpu.vector_load %arg20[%swap3A_841] {strides = array<i32>} : memref<448xi32, #tpu.memory_space<vmem>>, vector<16xi32>,
        %swap3A_843 = vector.shape_cast %swap3A_842 : vector<16xi32> to vector<16xi32>
        %swap3A_844 = vector.shape_cast %get3A_806 : vector<16xi32> to vector<16xi32>
        tpu.vector_store %arg20[%swap3A_841], %swap3A_844 {strides = array<i32>} : memref<448xi32, #tpu.memory_space<vmem>>, vector<16xi32>,
        %get3A_845 = arith.index_cast %select_n3A_219 : i32 to index
        %get3A_846 = arith.constant 176 : index
        %get3A_847 = tpu.vector_load %arg14[%get3A_845, %get3A_846] {strides = array<i32>} : memref<32x200xi32, #tpu.memory_space<vmem>>, vector<1x16xi32>,
        %get3A_848 = vector.shape_cast %get3A_847 : vector<1x16xi32> to vector<16xi32>
        %get3A_849 = arith.index_cast %select_n3A_219 : i32 to index
        %get3A_850 = arith.constant 176 : index
        %get3A_851 = tpu.vector_load %arg15[%get3A_849, %get3A_850] {strides = array<i32>} : memref<32x200xi32, #tpu.memory_space<vmem>>, vector<1x16xi32>,
        %get3A_852 = vector.shape_cast %get3A_851 : vector<1x16xi32> to vector<16xi32>
        %ne3A_853 = arith.constant 0 : i32
        %ne3A_854 = vector.broadcast %ne3A_853 : i32 to vector<16xi32>
        %ne3A_855 = arith.cmpi ne, %get3A_848, %ne3A_854 : vector<16xi32>
        %jit3A_856 = arith.constant 1.000000e+00 : f32
        %jit3A_857 = arith.constant 0.000000e+00 : f32
        %broadcast_in_dim3A_858 = vector.broadcast %jit3A_856 : f32 to vector<16xf32>
        %broadcast_in_dim3A_859 = vector.broadcast %jit3A_857 : f32 to vector<16xf32>
        %select_n3A_860 = arith.select %ne3A_855, %broadcast_in_dim3A_858, %broadcast_in_dim3A_859 : vector<16xi1>, vector<16xf32>
        %add3A_861 = arith.constant 176 : i32
        %add3A_862 = arith.addi %mul3A_241, %add3A_861 : i32
        %swap3A_863 = arith.index_cast %add3A_862 : i32 to index
        %swap3A_864 = tpu.vector_load %arg18[%swap3A_863] {strides = array<i32>} : memref<448xf32, #tpu.memory_space<vmem>>, vector<16xf32>,
        %swap3A_865 = vector.shape_cast %swap3A_864 : vector<16xf32> to vector<16xf32>
        %swap3A_866 = vector.shape_cast %select_n3A_860 : vector<16xf32> to vector<16xf32>
        tpu.vector_store %arg18[%swap3A_863], %swap3A_866 {strides = array<i32>} : memref<448xf32, #tpu.memory_space<vmem>>, vector<16xf32>,
        %ne3A_867 = arith.constant 0 : i32
        %ne3A_868 = vector.broadcast %ne3A_867 : i32 to vector<16xi32>
        %ne3A_869 = arith.cmpi ne, %get3A_852, %ne3A_868 : vector<16xi32>
        %ne3A_870 = arith.constant 6 : i32
        %ne3A_871 = vector.broadcast %ne3A_870 : i32 to vector<16xi32>
        %ne3A_872 = arith.cmpi ne, %get3A_852, %ne3A_871 : vector<16xi32>
        %and3A_873 = arith.andi %ne3A_869, %ne3A_872 : vector<16xi1>
        %jit3A_874 = arith.constant 1.000000e+00 : f32
        %jit3A_875 = arith.constant 0.000000e+00 : f32
        %broadcast_in_dim3A_876 = vector.broadcast %jit3A_874 : f32 to vector<16xf32>
        %broadcast_in_dim3A_877 = vector.broadcast %jit3A_875 : f32 to vector<16xf32>
        %select_n3A_878 = arith.select %and3A_873, %broadcast_in_dim3A_876, %broadcast_in_dim3A_877 : vector<16xi1>, vector<16xf32>
        %add3A_879 = arith.constant 176 : i32
        %add3A_880 = arith.addi %mul3A_241, %add3A_879 : i32
        %swap3A_881 = arith.index_cast %add3A_880 : i32 to index
        %swap3A_882 = tpu.vector_load %arg19[%swap3A_881] {strides = array<i32>} : memref<448xf32, #tpu.memory_space<vmem>>, vector<16xf32>,
        %swap3A_883 = vector.shape_cast %swap3A_882 : vector<16xf32> to vector<16xf32>
        %swap3A_884 = vector.shape_cast %select_n3A_878 : vector<16xf32> to vector<16xf32>
        tpu.vector_store %arg19[%swap3A_881], %swap3A_884 {strides = array<i32>} : memref<448xf32, #tpu.memory_space<vmem>>, vector<16xf32>,
        %add3A_885 = arith.constant 176 : i32
        %add3A_886 = arith.addi %mul3A_241, %add3A_885 : i32
        %swap3A_887 = arith.index_cast %add3A_886 : i32 to index
        %swap3A_888 = tpu.vector_load %arg20[%swap3A_887] {strides = array<i32>} : memref<448xi32, #tpu.memory_space<vmem>>, vector<16xi32>,
        %swap3A_889 = vector.shape_cast %swap3A_888 : vector<16xi32> to vector<16xi32>
        %swap3A_890 = vector.shape_cast %get3A_852 : vector<16xi32> to vector<16xi32>
        tpu.vector_store %arg20[%swap3A_887], %swap3A_890 {strides = array<i32>} : memref<448xi32, #tpu.memory_space<vmem>>, vector<16xi32>,
        %get3A_891 = arith.index_cast %select_n3A_219 : i32 to index
        %get3A_892 = arith.constant 184 : index
        %get3A_893 = tpu.vector_load %arg14[%get3A_891, %get3A_892] {strides = array<i32>} : memref<32x200xi32, #tpu.memory_space<vmem>>, vector<1x16xi32>,
        %get3A_894 = vector.shape_cast %get3A_893 : vector<1x16xi32> to vector<16xi32>
        %get3A_895 = arith.index_cast %select_n3A_219 : i32 to index
        %get3A_896 = arith.constant 184 : index
        %get3A_897 = tpu.vector_load %arg15[%get3A_895, %get3A_896] {strides = array<i32>} : memref<32x200xi32, #tpu.memory_space<vmem>>, vector<1x16xi32>,
        %get3A_898 = vector.shape_cast %get3A_897 : vector<1x16xi32> to vector<16xi32>
        %ne3A_899 = arith.constant 0 : i32
        %ne3A_900 = vector.broadcast %ne3A_899 : i32 to vector<16xi32>
        %ne3A_901 = arith.cmpi ne, %get3A_894, %ne3A_900 : vector<16xi32>
        %jit3A_902 = arith.constant 1.000000e+00 : f32
        %jit3A_903 = arith.constant 0.000000e+00 : f32
        %broadcast_in_dim3A_904 = vector.broadcast %jit3A_902 : f32 to vector<16xf32>
        %broadcast_in_dim3A_905 = vector.broadcast %jit3A_903 : f32 to vector<16xf32>
        %select_n3A_906 = arith.select %ne3A_901, %broadcast_in_dim3A_904, %broadcast_in_dim3A_905 : vector<16xi1>, vector<16xf32>
        %add3A_907 = arith.constant 184 : i32
        %add3A_908 = arith.addi %mul3A_241, %add3A_907 : i32
        %swap3A_909 = arith.index_cast %add3A_908 : i32 to index
        %swap3A_910 = tpu.vector_load %arg18[%swap3A_909] {strides = array<i32>} : memref<448xf32, #tpu.memory_space<vmem>>, vector<16xf32>,
        %swap3A_911 = vector.shape_cast %swap3A_910 : vector<16xf32> to vector<16xf32>
        %swap3A_912 = vector.shape_cast %select_n3A_906 : vector<16xf32> to vector<16xf32>
        tpu.vector_store %arg18[%swap3A_909], %swap3A_912 {strides = array<i32>} : memref<448xf32, #tpu.memory_space<vmem>>, vector<16xf32>,
        %ne3A_913 = arith.constant 0 : i32
        %ne3A_914 = vector.broadcast %ne3A_913 : i32 to vector<16xi32>
        %ne3A_915 = arith.cmpi ne, %get3A_898, %ne3A_914 : vector<16xi32>
        %ne3A_916 = arith.constant 6 : i32
        %ne3A_917 = vector.broadcast %ne3A_916 : i32 to vector<16xi32>
        %ne3A_918 = arith.cmpi ne, %get3A_898, %ne3A_917 : vector<16xi32>
        %and3A_919 = arith.andi %ne3A_915, %ne3A_918 : vector<16xi1>
        %jit3A_920 = arith.constant 1.000000e+00 : f32
        %jit3A_921 = arith.constant 0.000000e+00 : f32
        %broadcast_in_dim3A_922 = vector.broadcast %jit3A_920 : f32 to vector<16xf32>
        %broadcast_in_dim3A_923 = vector.broadcast %jit3A_921 : f32 to vector<16xf32>
        %select_n3A_924 = arith.select %and3A_919, %broadcast_in_dim3A_922, %broadcast_in_dim3A_923 : vector<16xi1>, vector<16xf32>
        %add3A_925 = arith.constant 184 : i32
        %add3A_926 = arith.addi %mul3A_241, %add3A_925 : i32
        %swap3A_927 = arith.index_cast %add3A_926 : i32 to index
        %swap3A_928 = tpu.vector_load %arg19[%swap3A_927] {strides = array<i32>} : memref<448xf32, #tpu.memory_space<vmem>>, vector<16xf32>,
        %swap3A_929 = vector.shape_cast %swap3A_928 : vector<16xf32> to vector<16xf32>
        %swap3A_930 = vector.shape_cast %select_n3A_924 : vector<16xf32> to vector<16xf32>
        tpu.vector_store %arg19[%swap3A_927], %swap3A_930 {strides = array<i32>} : memref<448xf32, #tpu.memory_space<vmem>>, vector<16xf32>,
        %add3A_931 = arith.constant 184 : i32
        %add3A_932 = arith.addi %mul3A_241, %add3A_931 : i32
        %swap3A_933 = arith.index_cast %add3A_932 : i32 to index
        %swap3A_934 = tpu.vector_load %arg20[%swap3A_933] {strides = array<i32>} : memref<448xi32, #tpu.memory_space<vmem>>, vector<16xi32>,
        %swap3A_935 = vector.shape_cast %swap3A_934 : vector<16xi32> to vector<16xi32>
        %swap3A_936 = vector.shape_cast %get3A_898 : vector<16xi32> to vector<16xi32>
        tpu.vector_store %arg20[%swap3A_933], %swap3A_936 {strides = array<i32>} : memref<448xi32, #tpu.memory_space<vmem>>, vector<16xi32>,
      } else {
      }
      %parallel_loop3A = arith.constant 0 : i32
      %parallel_loop3A_253 = arith.constant 40 : i32
      %parallel_loop3A_254 = arith.constant 1 : i32
      scf.for %parallel_loop3A_340 = %parallel_loop3A to %parallel_loop3A_253 step %parallel_loop3A_254  : i32 {
        %parallel_loop3A_341 = arith.addi %mul3A_241, %mul3A_237 : i32
        %parallel_loop3A_342 = arith.addi %parallel_loop3A_341, %parallel_loop3A_340 : i32
        %parallel_loop3A_343 = arith.index_cast %parallel_loop3A_342 : i32 to index
        %parallel_loop3A_344 = tpu.vector_load %arg18[%parallel_loop3A_343] {strides = array<i32>} : memref<448xf32, #tpu.memory_space<vmem>>, vector<16xf32>,
        %parallel_loop3A_345 = vector.shape_cast %parallel_loop3A_344 : vector<16xf32> to vector<16xf32>
        %parallel_loop3A_346 = vector.extract_strided_slice %parallel_loop3A_345 {offsets = [0], sizes = [1], strides = [1]} : vector<16xf32> to vector<1xf32>
        %parallel_loop3A_347 = vector.extract %parallel_loop3A_346[0] : f32 from vector<1xf32>
        %parallel_loop3A_348 = vector.broadcast %parallel_loop3A_347 : f32 to vector<16xf32>
        %parallel_loop3A_349 = arith.addi %mul3A_241, %mul3A_237 : i32
        %parallel_loop3A_350 = arith.addi %parallel_loop3A_349, %parallel_loop3A_340 : i32
        %parallel_loop3A_351 = arith.index_cast %parallel_loop3A_350 : i32 to index
        %parallel_loop3A_352 = tpu.vector_load %arg19[%parallel_loop3A_351] {strides = array<i32>} : memref<448xf32, #tpu.memory_space<vmem>>, vector<16xf32>,
        %parallel_loop3A_353 = vector.shape_cast %parallel_loop3A_352 : vector<16xf32> to vector<16xf32>
        %parallel_loop3A_354 = vector.extract_strided_slice %parallel_loop3A_353 {offsets = [0], sizes = [1], strides = [1]} : vector<16xf32> to vector<1xf32>
        %parallel_loop3A_355 = vector.extract %parallel_loop3A_354[0] : f32 from vector<1xf32>
        %parallel_loop3A_356 = vector.broadcast %parallel_loop3A_355 : f32 to vector<16xf32>
        %parallel_loop3A_357 = arith.addi %mul3A_241, %mul3A_237 : i32
        %parallel_loop3A_358 = arith.addi %parallel_loop3A_357, %parallel_loop3A_340 : i32
        %parallel_loop3A_359 = arith.index_cast %parallel_loop3A_358 : i32 to index
        %parallel_loop3A_360 = tpu.vector_load %arg20[%parallel_loop3A_359] {strides = array<i32>} : memref<448xi32, #tpu.memory_space<vmem>>, vector<16xi32>,
        %parallel_loop3A_361 = vector.shape_cast %parallel_loop3A_360 : vector<16xi32> to vector<16xi32>
        %parallel_loop3A_362 = vector.extract_strided_slice %parallel_loop3A_361 {offsets = [0], sizes = [1], strides = [1]} : vector<16xi32> to vector<1xi32>
        %parallel_loop3A_363 = vector.extract %parallel_loop3A_362[0] : i32 from vector<1xi32>
        %parallel_loop3A_364 = arith.addi %mul3A_243, %parallel_loop3A_340 : i32
        %parallel_loop3A_365 = arith.index_cast %parallel_loop3A_364 : i32 to index
        %parallel_loop3A_366 = arith.constant 0 : index
        %parallel_loop3A_367 = tpu.vector_load %arg16[%parallel_loop3A_365, %parallel_loop3A_366] {strides = array<i32>} : memref<80x128xf32, #tpu.memory_space<vmem>>, vector<1x16xf32>,
        %parallel_loop3A_368 = vector.shape_cast %parallel_loop3A_367 : vector<1x16xf32> to vector<16xf32>
        %parallel_loop3A_369 = arith.constant 11.3137083 : f32
        %parallel_loop3A_370 = vector.broadcast %parallel_loop3A_369 : f32 to vector<16xf32>
        %parallel_loop3A_371 = arith.mulf %parallel_loop3A_368, %parallel_loop3A_370 : vector<16xf32>
        %parallel_loop3A_372 = arith.addi %mul3A_237, %parallel_loop3A_340 : i32
        %parallel_loop3A_373 = arith.index_cast %parallel_loop3A_372 : i32 to index
        %parallel_loop3A_374 = arith.constant 0 : index
        %parallel_loop3A_375 = tpu.vector_load %arg12[%parallel_loop3A_373, %parallel_loop3A_374] {strides = array<i32>} : memref<200x256xf32, #tpu.memory_space<vmem>>, vector<1x16xf32>,
        %parallel_loop3A_376 = vector.shape_cast %parallel_loop3A_375 : vector<1x16xf32> to vector<16xf32>
        %parallel_loop3A_377 = arith.addf %parallel_loop3A_371, %parallel_loop3A_376 : vector<16xf32>
        %parallel_loop3A_378 = arith.mulf %parallel_loop3A_377, %parallel_loop3A_348 : vector<16xf32>
        %parallel_loop3A_379 = arith.constant 2 : i32
        %parallel_loop3A_380 = arith.muli %parallel_loop3A_379, %parallel_loop3A_340 : i32
        %parallel_loop3A_381 = arith.addi %mul3A_247, %parallel_loop3A_380 : i32
        %parallel_loop3A_382 = arith.index_cast %parallel_loop3A_381 : i32 to index
        %parallel_loop3A_383 = arith.constant 0 : index
        %parallel_loop3A_384 = tpu.vector_load %arg17[%parallel_loop3A_382, %parallel_loop3A_383] {strides = array<i32>} : memref<160x128xf32, #tpu.memory_space<vmem>>, vector<1x16xf32>,
        %parallel_loop3A_385 = vector.shape_cast %parallel_loop3A_384 : vector<1x16xf32> to vector<16xf32>
        %parallel_loop3A_386 = vector.shape_cast %parallel_loop3A_378 : vector<16xf32> to vector<1x16xf32>
        tpu.vector_store %arg17[%parallel_loop3A_382, %parallel_loop3A_383], %parallel_loop3A_386 {strides = array<i32>} : memref<160x128xf32, #tpu.memory_space<vmem>>, vector<1x16xf32>,
        %parallel_loop3A_387 = arith.index_cast %parallel_loop3A_363 : i32 to index
        %parallel_loop3A_388 = arith.constant 0 : index
        %parallel_loop3A_389 = tpu.vector_load %arg13[%parallel_loop3A_387, %parallel_loop3A_388] {strides = array<i32>} : memref<8x128xf32, #tpu.memory_space<vmem>>, vector<1x16xf32>,
        %parallel_loop3A_390 = vector.shape_cast %parallel_loop3A_389 : vector<1x16xf32> to vector<16xf32>
        %parallel_loop3A_391 = arith.addi %mul3A_237, %parallel_loop3A_340 : i32
        %parallel_loop3A_392 = arith.index_cast %parallel_loop3A_391 : i32 to index
        %parallel_loop3A_393 = arith.constant 128 : index
        %parallel_loop3A_394 = tpu.vector_load %arg12[%parallel_loop3A_392, %parallel_loop3A_393] {strides = array<i32>} : memref<200x256xf32, #tpu.memory_space<vmem>>, vector<1x16xf32>,
        %parallel_loop3A_395 = vector.shape_cast %parallel_loop3A_394 : vector<1x16xf32> to vector<16xf32>
        %parallel_loop3A_396 = arith.addf %parallel_loop3A_390, %parallel_loop3A_395 : vector<16xf32>
        %parallel_loop3A_397 = arith.mulf %parallel_loop3A_396, %parallel_loop3A_356 : vector<16xf32>
        %parallel_loop3A_398 = arith.constant 2 : i32
        %parallel_loop3A_399 = arith.muli %parallel_loop3A_398, %parallel_loop3A_340 : i32
        %parallel_loop3A_400 = arith.addi %mul3A_247, %parallel_loop3A_399 : i32
        %parallel_loop3A_401 = arith.constant 1 : i32
        %parallel_loop3A_402 = arith.addi %parallel_loop3A_400, %parallel_loop3A_401 : i32
        %parallel_loop3A_403 = arith.index_cast %parallel_loop3A_402 : i32 to index
        %parallel_loop3A_404 = arith.constant 0 : index
        %parallel_loop3A_405 = tpu.vector_load %arg17[%parallel_loop3A_403, %parallel_loop3A_404] {strides = array<i32>} : memref<160x128xf32, #tpu.memory_space<vmem>>, vector<1x16xf32>,
        %parallel_loop3A_406 = vector.shape_cast %parallel_loop3A_405 : vector<1x16xf32> to vector<16xf32>
        %parallel_loop3A_407 = vector.shape_cast %parallel_loop3A_397 : vector<16xf32> to vector<1x16xf32>
        tpu.vector_store %arg17[%parallel_loop3A_403, %parallel_loop3A_404], %parallel_loop3A_407 {strides = array<i32>} : memref<160x128xf32, #tpu.memory_space<vmem>>, vector<1x16xf32>,
        %parallel_loop3A_408 = arith.addi %mul3A_243, %parallel_loop3A_340 : i32
        %parallel_loop3A_409 = arith.index_cast %parallel_loop3A_408 : i32 to index
        %parallel_loop3A_410 = arith.constant 16 : index
        %parallel_loop3A_411 = tpu.vector_load %arg16[%parallel_loop3A_409, %parallel_loop3A_410] {strides = array<i32>} : memref<80x128xf32, #tpu.memory_space<vmem>>, vector<1x16xf32>,
        %parallel_loop3A_412 = vector.shape_cast %parallel_loop3A_411 : vector<1x16xf32> to vector<16xf32>
        %parallel_loop3A_413 = arith.constant 11.3137083 : f32
        %parallel_loop3A_414 = vector.broadcast %parallel_loop3A_413 : f32 to vector<16xf32>
        %parallel_loop3A_415 = arith.mulf %parallel_loop3A_412, %parallel_loop3A_414 : vector<16xf32>
        %parallel_loop3A_416 = arith.addi %mul3A_237, %parallel_loop3A_340 : i32
        %parallel_loop3A_417 = arith.index_cast %parallel_loop3A_416 : i32 to index
        %parallel_loop3A_418 = arith.constant 16 : index
        %parallel_loop3A_419 = tpu.vector_load %arg12[%parallel_loop3A_417, %parallel_loop3A_418] {strides = array<i32>} : memref<200x256xf32, #tpu.memory_space<vmem>>, vector<1x16xf32>,
        %parallel_loop3A_420 = vector.shape_cast %parallel_loop3A_419 : vector<1x16xf32> to vector<16xf32>
        %parallel_loop3A_421 = arith.addf %parallel_loop3A_415, %parallel_loop3A_420 : vector<16xf32>
        %parallel_loop3A_422 = arith.mulf %parallel_loop3A_421, %parallel_loop3A_348 : vector<16xf32>
        %parallel_loop3A_423 = arith.constant 2 : i32
        %parallel_loop3A_424 = arith.muli %parallel_loop3A_423, %parallel_loop3A_340 : i32
        %parallel_loop3A_425 = arith.addi %mul3A_247, %parallel_loop3A_424 : i32
        %parallel_loop3A_426 = arith.index_cast %parallel_loop3A_425 : i32 to index
        %parallel_loop3A_427 = arith.constant 16 : index
        %parallel_loop3A_428 = tpu.vector_load %arg17[%parallel_loop3A_426, %parallel_loop3A_427] {strides = array<i32>} : memref<160x128xf32, #tpu.memory_space<vmem>>, vector<1x16xf32>,
        %parallel_loop3A_429 = vector.shape_cast %parallel_loop3A_428 : vector<1x16xf32> to vector<16xf32>
        %parallel_loop3A_430 = vector.shape_cast %parallel_loop3A_422 : vector<16xf32> to vector<1x16xf32>
        tpu.vector_store %arg17[%parallel_loop3A_426, %parallel_loop3A_427], %parallel_loop3A_430 {strides = array<i32>} : memref<160x128xf32, #tpu.memory_space<vmem>>, vector<1x16xf32>,
        %parallel_loop3A_431 = arith.index_cast %parallel_loop3A_363 : i32 to index
        %parallel_loop3A_432 = arith.constant 16 : index
        %parallel_loop3A_433 = tpu.vector_load %arg13[%parallel_loop3A_431, %parallel_loop3A_432] {strides = array<i32>} : memref<8x128xf32, #tpu.memory_space<vmem>>, vector<1x16xf32>,
        %parallel_loop3A_434 = vector.shape_cast %parallel_loop3A_433 : vector<1x16xf32> to vector<16xf32>
        %parallel_loop3A_435 = arith.addi %mul3A_237, %parallel_loop3A_340 : i32
        %parallel_loop3A_436 = arith.index_cast %parallel_loop3A_435 : i32 to index
        %parallel_loop3A_437 = arith.constant 144 : index
        %parallel_loop3A_438 = tpu.vector_load %arg12[%parallel_loop3A_436, %parallel_loop3A_437] {strides = array<i32>} : memref<200x256xf32, #tpu.memory_space<vmem>>, vector<1x16xf32>,
        %parallel_loop3A_439 = vector.shape_cast %parallel_loop3A_438 : vector<1x16xf32> to vector<16xf32>
        %parallel_loop3A_440 = arith.addf %parallel_loop3A_434, %parallel_loop3A_439 : vector<16xf32>
        %parallel_loop3A_441 = arith.mulf %parallel_loop3A_440, %parallel_loop3A_356 : vector<16xf32>
        %parallel_loop3A_442 = arith.constant 2 : i32
        %parallel_loop3A_443 = arith.muli %parallel_loop3A_442, %parallel_loop3A_340 : i32
        %parallel_loop3A_444 = arith.addi %mul3A_247, %parallel_loop3A_443 : i32
        %parallel_loop3A_445 = arith.constant 1 : i32
        %parallel_loop3A_446 = arith.addi %parallel_loop3A_444, %parallel_loop3A_445 : i32
        %parallel_loop3A_447 = arith.index_cast %parallel_loop3A_446 : i32 to index
        %parallel_loop3A_448 = arith.constant 16 : index
        %parallel_loop3A_449 = tpu.vector_load %arg17[%parallel_loop3A_447, %parallel_loop3A_448] {strides = array<i32>} : memref<160x128xf32, #tpu.memory_space<vmem>>, vector<1x16xf32>,
        %parallel_loop3A_450 = vector.shape_cast %parallel_loop3A_449 : vector<1x16xf32> to vector<16xf32>
        %parallel_loop3A_451 = vector.shape_cast %parallel_loop3A_441 : vector<16xf32> to vector<1x16xf32>
        tpu.vector_store %arg17[%parallel_loop3A_447, %parallel_loop3A_448], %parallel_loop3A_451 {strides = array<i32>} : memref<160x128xf32, #tpu.memory_space<vmem>>, vector<1x16xf32>,
        %parallel_loop3A_452 = arith.addi %mul3A_243, %parallel_loop3A_340 : i32
        %parallel_loop3A_453 = arith.index_cast %parallel_loop3A_452 : i32 to index
        %parallel_loop3A_454 = arith.constant 32 : index
        %parallel_loop3A_455 = tpu.vector_load %arg16[%parallel_loop3A_453, %parallel_loop3A_454] {strides = array<i32>} : memref<80x128xf32, #tpu.memory_space<vmem>>, vector<1x16xf32>,
        %parallel_loop3A_456 = vector.shape_cast %parallel_loop3A_455 : vector<1x16xf32> to vector<16xf32>
        %parallel_loop3A_457 = arith.constant 11.3137083 : f32
        %parallel_loop3A_458 = vector.broadcast %parallel_loop3A_457 : f32 to vector<16xf32>
        %parallel_loop3A_459 = arith.mulf %parallel_loop3A_456, %parallel_loop3A_458 : vector<16xf32>
        %parallel_loop3A_460 = arith.addi %mul3A_237, %parallel_loop3A_340 : i32
        %parallel_loop3A_461 = arith.index_cast %parallel_loop3A_460 : i32 to index
        %parallel_loop3A_462 = arith.constant 32 : index
        %parallel_loop3A_463 = tpu.vector_load %arg12[%parallel_loop3A_461, %parallel_loop3A_462] {strides = array<i32>} : memref<200x256xf32, #tpu.memory_space<vmem>>, vector<1x16xf32>,
        %parallel_loop3A_464 = vector.shape_cast %parallel_loop3A_463 : vector<1x16xf32> to vector<16xf32>
        %parallel_loop3A_465 = arith.addf %parallel_loop3A_459, %parallel_loop3A_464 : vector<16xf32>
        %parallel_loop3A_466 = arith.mulf %parallel_loop3A_465, %parallel_loop3A_348 : vector<16xf32>
        %parallel_loop3A_467 = arith.constant 2 : i32
        %parallel_loop3A_468 = arith.muli %parallel_loop3A_467, %parallel_loop3A_340 : i32
        %parallel_loop3A_469 = arith.addi %mul3A_247, %parallel_loop3A_468 : i32
        %parallel_loop3A_470 = arith.index_cast %parallel_loop3A_469 : i32 to index
        %parallel_loop3A_471 = arith.constant 32 : index
        %parallel_loop3A_472 = tpu.vector_load %arg17[%parallel_loop3A_470, %parallel_loop3A_471] {strides = array<i32>} : memref<160x128xf32, #tpu.memory_space<vmem>>, vector<1x16xf32>,
        %parallel_loop3A_473 = vector.shape_cast %parallel_loop3A_472 : vector<1x16xf32> to vector<16xf32>
        %parallel_loop3A_474 = vector.shape_cast %parallel_loop3A_466 : vector<16xf32> to vector<1x16xf32>
        tpu.vector_store %arg17[%parallel_loop3A_470, %parallel_loop3A_471], %parallel_loop3A_474 {strides = array<i32>} : memref<160x128xf32, #tpu.memory_space<vmem>>, vector<1x16xf32>,
        %parallel_loop3A_475 = arith.index_cast %parallel_loop3A_363 : i32 to index
        %parallel_loop3A_476 = arith.constant 32 : index
        %parallel_loop3A_477 = tpu.vector_load %arg13[%parallel_loop3A_475, %parallel_loop3A_476] {strides = array<i32>} : memref<8x128xf32, #tpu.memory_space<vmem>>, vector<1x16xf32>,
        %parallel_loop3A_478 = vector.shape_cast %parallel_loop3A_477 : vector<1x16xf32> to vector<16xf32>
        %parallel_loop3A_479 = arith.addi %mul3A_237, %parallel_loop3A_340 : i32
        %parallel_loop3A_480 = arith.index_cast %parallel_loop3A_479 : i32 to index
        %parallel_loop3A_481 = arith.constant 160 : index
        %parallel_loop3A_482 = tpu.vector_load %arg12[%parallel_loop3A_480, %parallel_loop3A_481] {strides = array<i32>} : memref<200x256xf32, #tpu.memory_space<vmem>>, vector<1x16xf32>,
        %parallel_loop3A_483 = vector.shape_cast %parallel_loop3A_482 : vector<1x16xf32> to vector<16xf32>
        %parallel_loop3A_484 = arith.addf %parallel_loop3A_478, %parallel_loop3A_483 : vector<16xf32>
        %parallel_loop3A_485 = arith.mulf %parallel_loop3A_484, %parallel_loop3A_356 : vector<16xf32>
        %parallel_loop3A_486 = arith.constant 2 : i32
        %parallel_loop3A_487 = arith.muli %parallel_loop3A_486, %parallel_loop3A_340 : i32
        %parallel_loop3A_488 = arith.addi %mul3A_247, %parallel_loop3A_487 : i32
        %parallel_loop3A_489 = arith.constant 1 : i32
        %parallel_loop3A_490 = arith.addi %parallel_loop3A_488, %parallel_loop3A_489 : i32
        %parallel_loop3A_491 = arith.index_cast %parallel_loop3A_490 : i32 to index
        %parallel_loop3A_492 = arith.constant 32 : index
        %parallel_loop3A_493 = tpu.vector_load %arg17[%parallel_loop3A_491, %parallel_loop3A_492] {strides = array<i32>} : memref<160x128xf32, #tpu.memory_space<vmem>>, vector<1x16xf32>,
        %parallel_loop3A_494 = vector.shape_cast %parallel_loop3A_493 : vector<1x16xf32> to vector<16xf32>
        %parallel_loop3A_495 = vector.shape_cast %parallel_loop3A_485 : vector<16xf32> to vector<1x16xf32>
        tpu.vector_store %arg17[%parallel_loop3A_491, %parallel_loop3A_492], %parallel_loop3A_495 {strides = array<i32>} : memref<160x128xf32, #tpu.memory_space<vmem>>, vector<1x16xf32>,
        %parallel_loop3A_496 = arith.addi %mul3A_243, %parallel_loop3A_340 : i32
        %parallel_loop3A_497 = arith.index_cast %parallel_loop3A_496 : i32 to index
        %parallel_loop3A_498 = arith.constant 48 : index
        %parallel_loop3A_499 = tpu.vector_load %arg16[%parallel_loop3A_497, %parallel_loop3A_498] {strides = array<i32>} : memref<80x128xf32, #tpu.memory_space<vmem>>, vector<1x16xf32>,
        %parallel_loop3A_500 = vector.shape_cast %parallel_loop3A_499 : vector<1x16xf32> to vector<16xf32>
        %parallel_loop3A_501 = arith.constant 11.3137083 : f32
        %parallel_loop3A_502 = vector.broadcast %parallel_loop3A_501 : f32 to vector<16xf32>
        %parallel_loop3A_503 = arith.mulf %parallel_loop3A_500, %parallel_loop3A_502 : vector<16xf32>
        %parallel_loop3A_504 = arith.addi %mul3A_237, %parallel_loop3A_340 : i32
        %parallel_loop3A_505 = arith.index_cast %parallel_loop3A_504 : i32 to index
        %parallel_loop3A_506 = arith.constant 48 : index
        %parallel_loop3A_507 = tpu.vector_load %arg12[%parallel_loop3A_505, %parallel_loop3A_506] {strides = array<i32>} : memref<200x256xf32, #tpu.memory_space<vmem>>, vector<1x16xf32>,
        %parallel_loop3A_508 = vector.shape_cast %parallel_loop3A_507 : vector<1x16xf32> to vector<16xf32>
        %parallel_loop3A_509 = arith.addf %parallel_loop3A_503, %parallel_loop3A_508 : vector<16xf32>
        %parallel_loop3A_510 = arith.mulf %parallel_loop3A_509, %parallel_loop3A_348 : vector<16xf32>
        %parallel_loop3A_511 = arith.constant 2 : i32
        %parallel_loop3A_512 = arith.muli %parallel_loop3A_511, %parallel_loop3A_340 : i32
        %parallel_loop3A_513 = arith.addi %mul3A_247, %parallel_loop3A_512 : i32
        %parallel_loop3A_514 = arith.index_cast %parallel_loop3A_513 : i32 to index
        %parallel_loop3A_515 = arith.constant 48 : index
        %parallel_loop3A_516 = tpu.vector_load %arg17[%parallel_loop3A_514, %parallel_loop3A_515] {strides = array<i32>} : memref<160x128xf32, #tpu.memory_space<vmem>>, vector<1x16xf32>,
        %parallel_loop3A_517 = vector.shape_cast %parallel_loop3A_516 : vector<1x16xf32> to vector<16xf32>
        %parallel_loop3A_518 = vector.shape_cast %parallel_loop3A_510 : vector<16xf32> to vector<1x16xf32>
        tpu.vector_store %arg17[%parallel_loop3A_514, %parallel_loop3A_515], %parallel_loop3A_518 {strides = array<i32>} : memref<160x128xf32, #tpu.memory_space<vmem>>, vector<1x16xf32>,
        %parallel_loop3A_519 = arith.index_cast %parallel_loop3A_363 : i32 to index
        %parallel_loop3A_520 = arith.constant 48 : index
        %parallel_loop3A_521 = tpu.vector_load %arg13[%parallel_loop3A_519, %parallel_loop3A_520] {strides = array<i32>} : memref<8x128xf32, #tpu.memory_space<vmem>>, vector<1x16xf32>,
        %parallel_loop3A_522 = vector.shape_cast %parallel_loop3A_521 : vector<1x16xf32> to vector<16xf32>
        %parallel_loop3A_523 = arith.addi %mul3A_237, %parallel_loop3A_340 : i32
        %parallel_loop3A_524 = arith.index_cast %parallel_loop3A_523 : i32 to index
        %parallel_loop3A_525 = arith.constant 176 : index
        %parallel_loop3A_526 = tpu.vector_load %arg12[%parallel_loop3A_524, %parallel_loop3A_525] {strides = array<i32>} : memref<200x256xf32, #tpu.memory_space<vmem>>, vector<1x16xf32>,
        %parallel_loop3A_527 = vector.shape_cast %parallel_loop3A_526 : vector<1x16xf32> to vector<16xf32>
        %parallel_loop3A_528 = arith.addf %parallel_loop3A_522, %parallel_loop3A_527 : vector<16xf32>
        %parallel_loop3A_529 = arith.mulf %parallel_loop3A_528, %parallel_loop3A_356 : vector<16xf32>
        %parallel_loop3A_530 = arith.constant 2 : i32
        %parallel_loop3A_531 = arith.muli %parallel_loop3A_530, %parallel_loop3A_340 : i32
        %parallel_loop3A_532 = arith.addi %mul3A_247, %parallel_loop3A_531 : i32
        %parallel_loop3A_533 = arith.constant 1 : i32
        %parallel_loop3A_534 = arith.addi %parallel_loop3A_532, %parallel_loop3A_533 : i32
        %parallel_loop3A_535 = arith.index_cast %parallel_loop3A_534 : i32 to index
        %parallel_loop3A_536 = arith.constant 48 : index
        %parallel_loop3A_537 = tpu.vector_load %arg17[%parallel_loop3A_535, %parallel_loop3A_536] {strides = array<i32>} : memref<160x128xf32, #tpu.memory_space<vmem>>, vector<1x16xf32>,
        %parallel_loop3A_538 = vector.shape_cast %parallel_loop3A_537 : vector<1x16xf32> to vector<16xf32>
        %parallel_loop3A_539 = vector.shape_cast %parallel_loop3A_529 : vector<16xf32> to vector<1x16xf32>
        tpu.vector_store %arg17[%parallel_loop3A_535, %parallel_loop3A_536], %parallel_loop3A_539 {strides = array<i32>} : memref<160x128xf32, #tpu.memory_space<vmem>>, vector<1x16xf32>,
        %parallel_loop3A_540 = arith.addi %mul3A_243, %parallel_loop3A_340 : i32
        %parallel_loop3A_541 = arith.index_cast %parallel_loop3A_540 : i32 to index
        %parallel_loop3A_542 = arith.constant 64 : index
        %parallel_loop3A_543 = tpu.vector_load %arg16[%parallel_loop3A_541, %parallel_loop3A_542] {strides = array<i32>} : memref<80x128xf32, #tpu.memory_space<vmem>>, vector<1x16xf32>,
        %parallel_loop3A_544 = vector.shape_cast %parallel_loop3A_543 : vector<1x16xf32> to vector<16xf32>
        %parallel_loop3A_545 = arith.constant 11.3137083 : f32
        %parallel_loop3A_546 = vector.broadcast %parallel_loop3A_545 : f32 to vector<16xf32>
        %parallel_loop3A_547 = arith.mulf %parallel_loop3A_544, %parallel_loop3A_546 : vector<16xf32>
        %parallel_loop3A_548 = arith.addi %mul3A_237, %parallel_loop3A_340 : i32
        %parallel_loop3A_549 = arith.index_cast %parallel_loop3A_548 : i32 to index
        %parallel_loop3A_550 = arith.constant 64 : index
        %parallel_loop3A_551 = tpu.vector_load %arg12[%parallel_loop3A_549, %parallel_loop3A_550] {strides = array<i32>} : memref<200x256xf32, #tpu.memory_space<vmem>>, vector<1x16xf32>,
        %parallel_loop3A_552 = vector.shape_cast %parallel_loop3A_551 : vector<1x16xf32> to vector<16xf32>
        %parallel_loop3A_553 = arith.addf %parallel_loop3A_547, %parallel_loop3A_552 : vector<16xf32>
        %parallel_loop3A_554 = arith.mulf %parallel_loop3A_553, %parallel_loop3A_348 : vector<16xf32>
        %parallel_loop3A_555 = arith.constant 2 : i32
        %parallel_loop3A_556 = arith.muli %parallel_loop3A_555, %parallel_loop3A_340 : i32
        %parallel_loop3A_557 = arith.addi %mul3A_247, %parallel_loop3A_556 : i32
        %parallel_loop3A_558 = arith.index_cast %parallel_loop3A_557 : i32 to index
        %parallel_loop3A_559 = arith.constant 64 : index
        %parallel_loop3A_560 = tpu.vector_load %arg17[%parallel_loop3A_558, %parallel_loop3A_559] {strides = array<i32>} : memref<160x128xf32, #tpu.memory_space<vmem>>, vector<1x16xf32>,
        %parallel_loop3A_561 = vector.shape_cast %parallel_loop3A_560 : vector<1x16xf32> to vector<16xf32>
        %parallel_loop3A_562 = vector.shape_cast %parallel_loop3A_554 : vector<16xf32> to vector<1x16xf32>
        tpu.vector_store %arg17[%parallel_loop3A_558, %parallel_loop3A_559], %parallel_loop3A_562 {strides = array<i32>} : memref<160x128xf32, #tpu.memory_space<vmem>>, vector<1x16xf32>,
        %parallel_loop3A_563 = arith.index_cast %parallel_loop3A_363 : i32 to index
        %parallel_loop3A_564 = arith.constant 64 : index
        %parallel_loop3A_565 = tpu.vector_load %arg13[%parallel_loop3A_563, %parallel_loop3A_564] {strides = array<i32>} : memref<8x128xf32, #tpu.memory_space<vmem>>, vector<1x16xf32>,
        %parallel_loop3A_566 = vector.shape_cast %parallel_loop3A_565 : vector<1x16xf32> to vector<16xf32>
        %parallel_loop3A_567 = arith.addi %mul3A_237, %parallel_loop3A_340 : i32
        %parallel_loop3A_568 = arith.index_cast %parallel_loop3A_567 : i32 to index
        %parallel_loop3A_569 = arith.constant 192 : index
        %parallel_loop3A_570 = tpu.vector_load %arg12[%parallel_loop3A_568, %parallel_loop3A_569] {strides = array<i32>} : memref<200x256xf32, #tpu.memory_space<vmem>>, vector<1x16xf32>,
        %parallel_loop3A_571 = vector.shape_cast %parallel_loop3A_570 : vector<1x16xf32> to vector<16xf32>
        %parallel_loop3A_572 = arith.addf %parallel_loop3A_566, %parallel_loop3A_571 : vector<16xf32>
        %parallel_loop3A_573 = arith.mulf %parallel_loop3A_572, %parallel_loop3A_356 : vector<16xf32>
        %parallel_loop3A_574 = arith.constant 2 : i32
        %parallel_loop3A_575 = arith.muli %parallel_loop3A_574, %parallel_loop3A_340 : i32
        %parallel_loop3A_576 = arith.addi %mul3A_247, %parallel_loop3A_575 : i32
        %parallel_loop3A_577 = arith.constant 1 : i32
        %parallel_loop3A_578 = arith.addi %parallel_loop3A_576, %parallel_loop3A_577 : i32
        %parallel_loop3A_579 = arith.index_cast %parallel_loop3A_578 : i32 to index
        %parallel_loop3A_580 = arith.constant 64 : index
        %parallel_loop3A_581 = tpu.vector_load %arg17[%parallel_loop3A_579, %parallel_loop3A_580] {strides = array<i32>} : memref<160x128xf32, #tpu.memory_space<vmem>>, vector<1x16xf32>,
        %parallel_loop3A_582 = vector.shape_cast %parallel_loop3A_581 : vector<1x16xf32> to vector<16xf32>
        %parallel_loop3A_583 = vector.shape_cast %parallel_loop3A_573 : vector<16xf32> to vector<1x16xf32>
        tpu.vector_store %arg17[%parallel_loop3A_579, %parallel_loop3A_580], %parallel_loop3A_583 {strides = array<i32>} : memref<160x128xf32, #tpu.memory_space<vmem>>, vector<1x16xf32>,
        %parallel_loop3A_584 = arith.addi %mul3A_243, %parallel_loop3A_340 : i32
        %parallel_loop3A_585 = arith.index_cast %parallel_loop3A_584 : i32 to index
        %parallel_loop3A_586 = arith.constant 80 : index
        %parallel_loop3A_587 = tpu.vector_load %arg16[%parallel_loop3A_585, %parallel_loop3A_586] {strides = array<i32>} : memref<80x128xf32, #tpu.memory_space<vmem>>, vector<1x16xf32>,
        %parallel_loop3A_588 = vector.shape_cast %parallel_loop3A_587 : vector<1x16xf32> to vector<16xf32>
        %parallel_loop3A_589 = arith.constant 11.3137083 : f32
        %parallel_loop3A_590 = vector.broadcast %parallel_loop3A_589 : f32 to vector<16xf32>
        %parallel_loop3A_591 = arith.mulf %parallel_loop3A_588, %parallel_loop3A_590 : vector<16xf32>
        %parallel_loop3A_592 = arith.addi %mul3A_237, %parallel_loop3A_340 : i32
        %parallel_loop3A_593 = arith.index_cast %parallel_loop3A_592 : i32 to index
        %parallel_loop3A_594 = arith.constant 80 : index
        %parallel_loop3A_595 = tpu.vector_load %arg12[%parallel_loop3A_593, %parallel_loop3A_594] {strides = array<i32>} : memref<200x256xf32, #tpu.memory_space<vmem>>, vector<1x16xf32>,
        %parallel_loop3A_596 = vector.shape_cast %parallel_loop3A_595 : vector<1x16xf32> to vector<16xf32>
        %parallel_loop3A_597 = arith.addf %parallel_loop3A_591, %parallel_loop3A_596 : vector<16xf32>
        %parallel_loop3A_598 = arith.mulf %parallel_loop3A_597, %parallel_loop3A_348 : vector<16xf32>
        %parallel_loop3A_599 = arith.constant 2 : i32
        %parallel_loop3A_600 = arith.muli %parallel_loop3A_599, %parallel_loop3A_340 : i32
        %parallel_loop3A_601 = arith.addi %mul3A_247, %parallel_loop3A_600 : i32
        %parallel_loop3A_602 = arith.index_cast %parallel_loop3A_601 : i32 to index
        %parallel_loop3A_603 = arith.constant 80 : index
        %parallel_loop3A_604 = tpu.vector_load %arg17[%parallel_loop3A_602, %parallel_loop3A_603] {strides = array<i32>} : memref<160x128xf32, #tpu.memory_space<vmem>>, vector<1x16xf32>,
        %parallel_loop3A_605 = vector.shape_cast %parallel_loop3A_604 : vector<1x16xf32> to vector<16xf32>
        %parallel_loop3A_606 = vector.shape_cast %parallel_loop3A_598 : vector<16xf32> to vector<1x16xf32>
        tpu.vector_store %arg17[%parallel_loop3A_602, %parallel_loop3A_603], %parallel_loop3A_606 {strides = array<i32>} : memref<160x128xf32, #tpu.memory_space<vmem>>, vector<1x16xf32>,
        %parallel_loop3A_607 = arith.index_cast %parallel_loop3A_363 : i32 to index
        %parallel_loop3A_608 = arith.constant 80 : index
        %parallel_loop3A_609 = tpu.vector_load %arg13[%parallel_loop3A_607, %parallel_loop3A_608] {strides = array<i32>} : memref<8x128xf32, #tpu.memory_space<vmem>>, vector<1x16xf32>,
        %parallel_loop3A_610 = vector.shape_cast %parallel_loop3A_609 : vector<1x16xf32> to vector<16xf32>
        %parallel_loop3A_611 = arith.addi %mul3A_237, %parallel_loop3A_340 : i32
        %parallel_loop3A_612 = arith.index_cast %parallel_loop3A_611 : i32 to index
        %parallel_loop3A_613 = arith.constant 208 : index
        %parallel_loop3A_614 = tpu.vector_load %arg12[%parallel_loop3A_612, %parallel_loop3A_613] {strides = array<i32>} : memref<200x256xf32, #tpu.memory_space<vmem>>, vector<1x16xf32>,
        %parallel_loop3A_615 = vector.shape_cast %parallel_loop3A_614 : vector<1x16xf32> to vector<16xf32>
        %parallel_loop3A_616 = arith.addf %parallel_loop3A_610, %parallel_loop3A_615 : vector<16xf32>
        %parallel_loop3A_617 = arith.mulf %parallel_loop3A_616, %parallel_loop3A_356 : vector<16xf32>
        %parallel_loop3A_618 = arith.constant 2 : i32
        %parallel_loop3A_619 = arith.muli %parallel_loop3A_618, %parallel_loop3A_340 : i32
        %parallel_loop3A_620 = arith.addi %mul3A_247, %parallel_loop3A_619 : i32
        %parallel_loop3A_621 = arith.constant 1 : i32
        %parallel_loop3A_622 = arith.addi %parallel_loop3A_620, %parallel_loop3A_621 : i32
        %parallel_loop3A_623 = arith.index_cast %parallel_loop3A_622 : i32 to index
        %parallel_loop3A_624 = arith.constant 80 : index
        %parallel_loop3A_625 = tpu.vector_load %arg17[%parallel_loop3A_623, %parallel_loop3A_624] {strides = array<i32>} : memref<160x128xf32, #tpu.memory_space<vmem>>, vector<1x16xf32>,
        %parallel_loop3A_626 = vector.shape_cast %parallel_loop3A_625 : vector<1x16xf32> to vector<16xf32>
        %parallel_loop3A_627 = vector.shape_cast %parallel_loop3A_617 : vector<16xf32> to vector<1x16xf32>
        tpu.vector_store %arg17[%parallel_loop3A_623, %parallel_loop3A_624], %parallel_loop3A_627 {strides = array<i32>} : memref<160x128xf32, #tpu.memory_space<vmem>>, vector<1x16xf32>,
        %parallel_loop3A_628 = arith.addi %mul3A_243, %parallel_loop3A_340 : i32
        %parallel_loop3A_629 = arith.index_cast %parallel_loop3A_628 : i32 to index
        %parallel_loop3A_630 = arith.constant 96 : index
        %parallel_loop3A_631 = tpu.vector_load %arg16[%parallel_loop3A_629, %parallel_loop3A_630] {strides = array<i32>} : memref<80x128xf32, #tpu.memory_space<vmem>>, vector<1x16xf32>,
        %parallel_loop3A_632 = vector.shape_cast %parallel_loop3A_631 : vector<1x16xf32> to vector<16xf32>
        %parallel_loop3A_633 = arith.constant 11.3137083 : f32
        %parallel_loop3A_634 = vector.broadcast %parallel_loop3A_633 : f32 to vector<16xf32>
        %parallel_loop3A_635 = arith.mulf %parallel_loop3A_632, %parallel_loop3A_634 : vector<16xf32>
        %parallel_loop3A_636 = arith.addi %mul3A_237, %parallel_loop3A_340 : i32
        %parallel_loop3A_637 = arith.index_cast %parallel_loop3A_636 : i32 to index
        %parallel_loop3A_638 = arith.constant 96 : index
        %parallel_loop3A_639 = tpu.vector_load %arg12[%parallel_loop3A_637, %parallel_loop3A_638] {strides = array<i32>} : memref<200x256xf32, #tpu.memory_space<vmem>>, vector<1x16xf32>,
        %parallel_loop3A_640 = vector.shape_cast %parallel_loop3A_639 : vector<1x16xf32> to vector<16xf32>
        %parallel_loop3A_641 = arith.addf %parallel_loop3A_635, %parallel_loop3A_640 : vector<16xf32>
        %parallel_loop3A_642 = arith.mulf %parallel_loop3A_641, %parallel_loop3A_348 : vector<16xf32>
        %parallel_loop3A_643 = arith.constant 2 : i32
        %parallel_loop3A_644 = arith.muli %parallel_loop3A_643, %parallel_loop3A_340 : i32
        %parallel_loop3A_645 = arith.addi %mul3A_247, %parallel_loop3A_644 : i32
        %parallel_loop3A_646 = arith.index_cast %parallel_loop3A_645 : i32 to index
        %parallel_loop3A_647 = arith.constant 96 : index
        %parallel_loop3A_648 = tpu.vector_load %arg17[%parallel_loop3A_646, %parallel_loop3A_647] {strides = array<i32>} : memref<160x128xf32, #tpu.memory_space<vmem>>, vector<1x16xf32>,
        %parallel_loop3A_649 = vector.shape_cast %parallel_loop3A_648 : vector<1x16xf32> to vector<16xf32>
        %parallel_loop3A_650 = vector.shape_cast %parallel_loop3A_642 : vector<16xf32> to vector<1x16xf32>
        tpu.vector_store %arg17[%parallel_loop3A_646, %parallel_loop3A_647], %parallel_loop3A_650 {strides = array<i32>} : memref<160x128xf32, #tpu.memory_space<vmem>>, vector<1x16xf32>,
        %parallel_loop3A_651 = arith.index_cast %parallel_loop3A_363 : i32 to index
        %parallel_loop3A_652 = arith.constant 96 : index
        %parallel_loop3A_653 = tpu.vector_load %arg13[%parallel_loop3A_651, %parallel_loop3A_652] {strides = array<i32>} : memref<8x128xf32, #tpu.memory_space<vmem>>, vector<1x16xf32>,
        %parallel_loop3A_654 = vector.shape_cast %parallel_loop3A_653 : vector<1x16xf32> to vector<16xf32>
        %parallel_loop3A_655 = arith.addi %mul3A_237, %parallel_loop3A_340 : i32
        %parallel_loop3A_656 = arith.index_cast %parallel_loop3A_655 : i32 to index
        %parallel_loop3A_657 = arith.constant 224 : index
        %parallel_loop3A_658 = tpu.vector_load %arg12[%parallel_loop3A_656, %parallel_loop3A_657] {strides = array<i32>} : memref<200x256xf32, #tpu.memory_space<vmem>>, vector<1x16xf32>,
        %parallel_loop3A_659 = vector.shape_cast %parallel_loop3A_658 : vector<1x16xf32> to vector<16xf32>
        %parallel_loop3A_660 = arith.addf %parallel_loop3A_654, %parallel_loop3A_659 : vector<16xf32>
        %parallel_loop3A_661 = arith.mulf %parallel_loop3A_660, %parallel_loop3A_356 : vector<16xf32>
        %parallel_loop3A_662 = arith.constant 2 : i32
        %parallel_loop3A_663 = arith.muli %parallel_loop3A_662, %parallel_loop3A_340 : i32
        %parallel_loop3A_664 = arith.addi %mul3A_247, %parallel_loop3A_663 : i32
        %parallel_loop3A_665 = arith.constant 1 : i32
        %parallel_loop3A_666 = arith.addi %parallel_loop3A_664, %parallel_loop3A_665 : i32
        %parallel_loop3A_667 = arith.index_cast %parallel_loop3A_666 : i32 to index
        %parallel_loop3A_668 = arith.constant 96 : index
        %parallel_loop3A_669 = tpu.vector_load %arg17[%parallel_loop3A_667, %parallel_loop3A_668] {strides = array<i32>} : memref<160x128xf32, #tpu.memory_space<vmem>>, vector<1x16xf32>,
        %parallel_loop3A_670 = vector.shape_cast %parallel_loop3A_669 : vector<1x16xf32> to vector<16xf32>
        %parallel_loop3A_671 = vector.shape_cast %parallel_loop3A_661 : vector<16xf32> to vector<1x16xf32>
        tpu.vector_store %arg17[%parallel_loop3A_667, %parallel_loop3A_668], %parallel_loop3A_671 {strides = array<i32>} : memref<160x128xf32, #tpu.memory_space<vmem>>, vector<1x16xf32>,
        %parallel_loop3A_672 = arith.addi %mul3A_243, %parallel_loop3A_340 : i32
        %parallel_loop3A_673 = arith.index_cast %parallel_loop3A_672 : i32 to index
        %parallel_loop3A_674 = arith.constant 112 : index
        %parallel_loop3A_675 = tpu.vector_load %arg16[%parallel_loop3A_673, %parallel_loop3A_674] {strides = array<i32>} : memref<80x128xf32, #tpu.memory_space<vmem>>, vector<1x16xf32>,
        %parallel_loop3A_676 = vector.shape_cast %parallel_loop3A_675 : vector<1x16xf32> to vector<16xf32>
        %parallel_loop3A_677 = arith.constant 11.3137083 : f32
        %parallel_loop3A_678 = vector.broadcast %parallel_loop3A_677 : f32 to vector<16xf32>
        %parallel_loop3A_679 = arith.mulf %parallel_loop3A_676, %parallel_loop3A_678 : vector<16xf32>
        %parallel_loop3A_680 = arith.addi %mul3A_237, %parallel_loop3A_340 : i32
        %parallel_loop3A_681 = arith.index_cast %parallel_loop3A_680 : i32 to index
        %parallel_loop3A_682 = arith.constant 112 : index
        %parallel_loop3A_683 = tpu.vector_load %arg12[%parallel_loop3A_681, %parallel_loop3A_682] {strides = array<i32>} : memref<200x256xf32, #tpu.memory_space<vmem>>, vector<1x16xf32>,
        %parallel_loop3A_684 = vector.shape_cast %parallel_loop3A_683 : vector<1x16xf32> to vector<16xf32>
        %parallel_loop3A_685 = arith.addf %parallel_loop3A_679, %parallel_loop3A_684 : vector<16xf32>
        %parallel_loop3A_686 = arith.mulf %parallel_loop3A_685, %parallel_loop3A_348 : vector<16xf32>
        %parallel_loop3A_687 = arith.constant 2 : i32
        %parallel_loop3A_688 = arith.muli %parallel_loop3A_687, %parallel_loop3A_340 : i32
        %parallel_loop3A_689 = arith.addi %mul3A_247, %parallel_loop3A_688 : i32
        %parallel_loop3A_690 = arith.index_cast %parallel_loop3A_689 : i32 to index
        %parallel_loop3A_691 = arith.constant 112 : index
        %parallel_loop3A_692 = tpu.vector_load %arg17[%parallel_loop3A_690, %parallel_loop3A_691] {strides = array<i32>} : memref<160x128xf32, #tpu.memory_space<vmem>>, vector<1x16xf32>,
        %parallel_loop3A_693 = vector.shape_cast %parallel_loop3A_692 : vector<1x16xf32> to vector<16xf32>
        %parallel_loop3A_694 = vector.shape_cast %parallel_loop3A_686 : vector<16xf32> to vector<1x16xf32>
        tpu.vector_store %arg17[%parallel_loop3A_690, %parallel_loop3A_691], %parallel_loop3A_694 {strides = array<i32>} : memref<160x128xf32, #tpu.memory_space<vmem>>, vector<1x16xf32>,
        %parallel_loop3A_695 = arith.index_cast %parallel_loop3A_363 : i32 to index
        %parallel_loop3A_696 = arith.constant 112 : index
        %parallel_loop3A_697 = tpu.vector_load %arg13[%parallel_loop3A_695, %parallel_loop3A_696] {strides = array<i32>} : memref<8x128xf32, #tpu.memory_space<vmem>>, vector<1x16xf32>,
        %parallel_loop3A_698 = vector.shape_cast %parallel_loop3A_697 : vector<1x16xf32> to vector<16xf32>
        %parallel_loop3A_699 = arith.addi %mul3A_237, %parallel_loop3A_340 : i32
        %parallel_loop3A_700 = arith.index_cast %parallel_loop3A_699 : i32 to index
        %parallel_loop3A_701 = arith.constant 240 : index
        %parallel_loop3A_702 = tpu.vector_load %arg12[%parallel_loop3A_700, %parallel_loop3A_701] {strides = array<i32>} : memref<200x256xf32, #tpu.memory_space<vmem>>, vector<1x16xf32>,
        %parallel_loop3A_703 = vector.shape_cast %parallel_loop3A_702 : vector<1x16xf32> to vector<16xf32>
        %parallel_loop3A_704 = arith.addf %parallel_loop3A_698, %parallel_loop3A_703 : vector<16xf32>
        %parallel_loop3A_705 = arith.mulf %parallel_loop3A_704, %parallel_loop3A_356 : vector<16xf32>
        %parallel_loop3A_706 = arith.constant 2 : i32
        %parallel_loop3A_707 = arith.muli %parallel_loop3A_706, %parallel_loop3A_340 : i32
        %parallel_loop3A_708 = arith.addi %mul3A_247, %parallel_loop3A_707 : i32
        %parallel_loop3A_709 = arith.constant 1 : i32
        %parallel_loop3A_710 = arith.addi %parallel_loop3A_708, %parallel_loop3A_709 : i32
        %parallel_loop3A_711 = arith.index_cast %parallel_loop3A_710 : i32 to index
        %parallel_loop3A_712 = arith.constant 112 : index
        %parallel_loop3A_713 = tpu.vector_load %arg17[%parallel_loop3A_711, %parallel_loop3A_712] {strides = array<i32>} : memref<160x128xf32, #tpu.memory_space<vmem>>, vector<1x16xf32>,
        %parallel_loop3A_714 = vector.shape_cast %parallel_loop3A_713 : vector<1x16xf32> to vector<16xf32>
        %parallel_loop3A_715 = vector.shape_cast %parallel_loop3A_705 : vector<16xf32> to vector<1x16xf32>
        tpu.vector_store %arg17[%parallel_loop3A_711, %parallel_loop3A_712], %parallel_loop3A_715 {strides = array<i32>} : memref<160x128xf32, #tpu.memory_space<vmem>>, vector<1x16xf32>,
      } {sc.loop_unroll_factor = 4 : i64, sc.parallel_access}
      %jit3A_255 = arith.constant 5 : i32
      %div3A_256 = arith.divsi %scan3A_134, %jit3A_255 : i32
      %sign3A_257 = arith.constant 0 : i32
      %sign3A_258 = arith.cmpi sgt, %scan3A_134, %sign3A_257 : i32
      %sign3A_259 = arith.extui %sign3A_258 : i1 to i32
      %sign3A_260 = arith.constant 0 : i32
      %sign3A_261 = arith.cmpi slt, %scan3A_134, %sign3A_260 : i32
      %sign3A_262 = arith.extui %sign3A_261 : i1 to i32
      %sign3A_263 = arith.subi %sign3A_259, %sign3A_262 : i32
      %sign3A_264 = arith.constant 0 : i32
      %sign3A_265 = arith.cmpi sgt, %jit3A_255, %sign3A_264 : i32
      %sign3A_266 = arith.extui %sign3A_265 : i1 to i32
      %sign3A_267 = arith.constant 0 : i32
      %sign3A_268 = arith.cmpi slt, %jit3A_255, %sign3A_267 : i32
      %sign3A_269 = arith.extui %sign3A_268 : i1 to i32
      %sign3A_270 = arith.subi %sign3A_266, %sign3A_269 : i32
      %ne3A_271 = arith.cmpi ne, %sign3A_263, %sign3A_270 : i32
      %rem3A_272 = arith.remsi %scan3A_134, %jit3A_255 : i32
      %ne3A_273 = arith.constant 0 : i32
      %ne3A_274 = arith.cmpi ne, %rem3A_272, %ne3A_273 : i32
      %and3A_275 = arith.andi %ne3A_271, %ne3A_274 : i1
      %sub3A_276 = arith.constant 1 : i32
      %sub3A_277 = arith.subi %div3A_256, %sub3A_276 : i32
      %select_n3A_278 = arith.select %and3A_275, %sub3A_277, %div3A_256 : i32
      %add3A_279 = arith.addi %multiple_of3A, %select_n3A_278 : i32
      %jit3A_280 = arith.constant 5 : i32
      %eq3A_281 = arith.constant 0 : i32
      %eq3A_282 = arith.cmpi eq, %jit3A_280, %eq3A_281 : i32
      %jit3A_283 = arith.constant 1 : i32
      %select_n3A_284 = arith.select %eq3A_282, %jit3A_283, %jit3A_280 : i32
      %rem3A_285 = arith.remsi %scan3A_134, %select_n3A_284 : i32
      %ne3A_286 = arith.constant 0 : i32
      %ne3A_287 = arith.cmpi ne, %rem3A_285, %ne3A_286 : i32
      %lt3A_288 = arith.constant 0 : i32
      %lt3A_289 = arith.cmpi slt, %rem3A_285, %lt3A_288 : i32
      %lt3A_290 = arith.constant 0 : i32
      %lt3A_291 = arith.cmpi slt, %select_n3A_284, %lt3A_290 : i32
      %ne3A_292 = arith.xori %lt3A_289, %lt3A_291 : i1
      %and3A_293 = arith.andi %ne3A_292, %ne3A_287 : i1
      %add3A_294 = arith.addi %rem3A_285, %select_n3A_284 : i32
      %select_n3A_295 = arith.select %and3A_293, %add3A_294, %rem3A_285 : i32
      %mul3A_296 = arith.constant 40 : i32
      %mul3A_297 = arith.muli %select_n3A_295, %mul3A_296 : i32
      %multiple_of3A_298 = tpu.assume_multiple %mul3A_297, 8 : i32
      %mul3A_299 = arith.constant 200 : i32
      %mul3A_300 = arith.muli %add3A_279, %mul3A_299 : i32
      %add3A_301 = arith.addi %mul3A_300, %multiple_of3A_298 : i32
      %multiple_of3A_302 = tpu.assume_multiple %add3A_301, 8 : i32
      %rem3A_303 = arith.constant 2 : i32
      %rem3A_304 = arith.remsi %select_n3A_278, %rem3A_303 : i32
      %mul3A_305 = arith.constant 224 : i32
      %mul3A_306 = arith.muli %rem3A_304, %mul3A_305 : i32
      %add3A_307 = arith.addi %mul3A_306, %multiple_of3A_298 : i32
      %multiple_of3A_308 = tpu.assume_multiple %add3A_307, 8 : i32
      %mul3A_309 = arith.constant 2 : i32
      %mul3A_310 = arith.muli %rem3A_136, %mul3A_309 : i32
      %mul3A_311 = arith.constant 40 : i32
      %mul3A_312 = arith.muli %mul3A_310, %mul3A_311 : i32
      %multiple_of3A_313 = tpu.assume_multiple %mul3A_312, 8 : i32
      %mul3A_314 = arith.constant 2 : i32
      %mul3A_315 = arith.muli %mul3A_314, %multiple_of3A_298 : i32
      %dma_start3A_316 = arith.constant 0 : i32
      %dma_start3A_317 = tpu.memref_slice %arg17[%multiple_of3A_313, %dma_start3A_316] : memref<160x128xf32, #tpu.memory_space<vmem>> -> memref<80x128xf32, #tpu.memory_space<vmem>>
      %dma_start3A_318 = arith.constant 0 : i32
      %dma_start3A_319 = tpu.memref_slice %arg9[%add3A_279, %mul3A_315, %dma_start3A_318] : memref<1024x400x128xf32, #tpu.memory_space<hbm>> -> memref<1x80x128xf32, #tpu.memory_space<hbm>>
      %dma_start3A_320 = tpu.memref_squeeze %dma_start3A_319 : memref<1x80x128xf32, #tpu.memory_space<hbm>> -> memref<80x128xf32, #tpu.memory_space<hbm>>
      %dma_start3A_321 = tpu.memref_slice %arg23[%rem3A_136] : memref<2x!tpu.dma_semaphore, #tpu.memory_space<semaphore_mem>> -> memref<1x!tpu.dma_semaphore, #tpu.memory_space<semaphore_mem>>
      %dma_start3A_322 = tpu.memref_squeeze %dma_start3A_321 : memref<1x!tpu.dma_semaphore, #tpu.memory_space<semaphore_mem>> -> memref<!tpu.dma_semaphore, #tpu.memory_space<semaphore_mem>>
      %dma_start3A_323 = arith.constant 0 : i32
      %dma_start3A_324 = tpu.memref_slice %arg9[%add3A_279, %mul3A_315, %dma_start3A_323] : memref<1024x400x128xf32, #tpu.memory_space<hbm>> -> memref<1x80x128xf32, #tpu.memory_space<hbm>>
      %dma_start3A_325 = tpu.memref_squeeze %dma_start3A_324 : memref<1x80x128xf32, #tpu.memory_space<hbm>> -> memref<80x128xf32, #tpu.memory_space<hbm>>
      %dma_start3A_326 = arith.constant 0 : i32
      %dma_start3A_327 = tpu.memref_slice %arg17[%multiple_of3A_313, %dma_start3A_326] : memref<160x128xf32, #tpu.memory_space<vmem>> -> memref<80x128xf32, #tpu.memory_space<vmem>>
      tpu.enqueue_dma source(%dma_start3A_327 : memref<80x128xf32, #tpu.memory_space<vmem>>) target(%dma_start3A_325 : memref<80x128xf32, #tpu.memory_space<hbm>>) target_semaphore(%dma_start3A_322 : memref<!tpu.dma_semaphore, #tpu.memory_space<semaphore_mem>>)
      %dma_start3A_328 = tpu.memref_slice %arg18[%multiple_of3A_308] : memref<448xf32, #tpu.memory_space<vmem>> -> memref<40xf32, #tpu.memory_space<vmem>>
      %dma_start3A_329 = tpu.memref_slice %arg10[%multiple_of3A_302] : memref<204800xf32, #tpu.memory_space<hbm>> -> memref<40xf32, #tpu.memory_space<hbm>>
      %dma_start3A_330 = tpu.memref_slice %arg23[%rem3A_136] : memref<2x!tpu.dma_semaphore, #tpu.memory_space<semaphore_mem>> -> memref<1x!tpu.dma_semaphore, #tpu.memory_space<semaphore_mem>>
      %dma_start3A_331 = tpu.memref_squeeze %dma_start3A_330 : memref<1x!tpu.dma_semaphore, #tpu.memory_space<semaphore_mem>> -> memref<!tpu.dma_semaphore, #tpu.memory_space<semaphore_mem>>
      %dma_start3A_332 = tpu.memref_slice %arg10[%multiple_of3A_302] : memref<204800xf32, #tpu.memory_space<hbm>> -> memref<40xf32, #tpu.memory_space<hbm>>
      %dma_start3A_333 = tpu.memref_slice %arg18[%multiple_of3A_308] : memref<448xf32, #tpu.memory_space<vmem>> -> memref<40xf32, #tpu.memory_space<vmem>>
      tpu.enqueue_dma source(%dma_start3A_333 : memref<40xf32, #tpu.memory_space<vmem>>) target(%dma_start3A_332 : memref<40xf32, #tpu.memory_space<hbm>>) target_semaphore(%dma_start3A_331 : memref<!tpu.dma_semaphore, #tpu.memory_space<semaphore_mem>>)
      %dma_start3A_334 = tpu.memref_slice %arg19[%multiple_of3A_308] : memref<448xf32, #tpu.memory_space<vmem>> -> memref<40xf32, #tpu.memory_space<vmem>>
      %dma_start3A_335 = tpu.memref_slice %arg11[%multiple_of3A_302] : memref<204800xf32, #tpu.memory_space<hbm>> -> memref<40xf32, #tpu.memory_space<hbm>>
      %dma_start3A_336 = tpu.memref_slice %arg23[%rem3A_136] : memref<2x!tpu.dma_semaphore, #tpu.memory_space<semaphore_mem>> -> memref<1x!tpu.dma_semaphore, #tpu.memory_space<semaphore_mem>>
      %dma_start3A_337 = tpu.memref_squeeze %dma_start3A_336 : memref<1x!tpu.dma_semaphore, #tpu.memory_space<semaphore_mem>> -> memref<!tpu.dma_semaphore, #tpu.memory_space<semaphore_mem>>
      %dma_start3A_338 = tpu.memref_slice %arg11[%multiple_of3A_302] : memref<204800xf32, #tpu.memory_space<hbm>> -> memref<40xf32, #tpu.memory_space<hbm>>
      %dma_start3A_339 = tpu.memref_slice %arg19[%multiple_of3A_308] : memref<448xf32, #tpu.memory_space<vmem>> -> memref<40xf32, #tpu.memory_space<vmem>>
      tpu.enqueue_dma source(%dma_start3A_339 : memref<40xf32, #tpu.memory_space<vmem>>) target(%dma_start3A_338 : memref<40xf32, #tpu.memory_space<hbm>>) target_semaphore(%dma_start3A_337 : memref<!tpu.dma_semaphore, #tpu.memory_space<semaphore_mem>>)
    }
    %scan3A_43 = arith.constant 160 : i32
    %add3A_44 = arith.constant 31 : i32
    %add3A_45 = arith.addi %multiple_of3A, %add3A_44 : i32
    %multiple_of3A_46 = arith.constant 120 : i32
    %multiple_of3A_47 = tpu.assume_multiple %multiple_of3A_46, 8 : i32
    %mul3A_48 = arith.constant 200 : i32
    %mul3A_49 = arith.muli %add3A_45, %mul3A_48 : i32
    %add3A_50 = arith.addi %mul3A_49, %multiple_of3A_47 : i32
    %multiple_of3A_51 = tpu.assume_multiple %add3A_50, 8 : i32
    %rem3A = arith.constant 31 : i32
    %rem3A_52 = arith.constant 2 : i32
    %rem3A_53 = arith.remsi %rem3A, %rem3A_52 : i32
    %mul3A_54 = arith.constant 224 : i32
    %mul3A_55 = arith.muli %rem3A_53, %mul3A_54 : i32
    %add3A_56 = arith.addi %mul3A_55, %multiple_of3A_47 : i32
    %multiple_of3A_57 = tpu.assume_multiple %add3A_56, 8 : i32
    %multiple_of3A_58 = arith.constant 0 : i32
    %multiple_of3A_59 = tpu.assume_multiple %multiple_of3A_58, 8 : i32
    %mul3A_60 = arith.constant 2 : i32
    %mul3A_61 = arith.muli %mul3A_60, %multiple_of3A_47 : i32
    %dma_wait3A = arith.constant 0 : i32
    %dma_wait3A_62 = arith.constant 0 : i32
    %dma_wait3A_63 = tpu.memref_slice %arg17[%multiple_of3A_59, %dma_wait3A_62] : memref<160x128xf32, #tpu.memory_space<vmem>> -> memref<80x128xf32, #tpu.memory_space<vmem>>
    %dma_wait3A_64 = arith.constant 0 : i32
    %dma_wait3A_65 = tpu.memref_slice %arg9[%add3A_45, %mul3A_61, %dma_wait3A_64] : memref<1024x400x128xf32, #tpu.memory_space<hbm>> -> memref<1x80x128xf32, #tpu.memory_space<hbm>>
    %dma_wait3A_66 = tpu.memref_squeeze %dma_wait3A_65 : memref<1x80x128xf32, #tpu.memory_space<hbm>> -> memref<80x128xf32, #tpu.memory_space<hbm>>
    %dma_wait3A_67 = tpu.memref_slice %arg23[%dma_wait3A] : memref<2x!tpu.dma_semaphore, #tpu.memory_space<semaphore_mem>> -> memref<1x!tpu.dma_semaphore, #tpu.memory_space<semaphore_mem>>
    %dma_wait3A_68 = tpu.memref_squeeze %dma_wait3A_67 : memref<1x!tpu.dma_semaphore, #tpu.memory_space<semaphore_mem>> -> memref<!tpu.dma_semaphore, #tpu.memory_space<semaphore_mem>>
    %dma_wait3A_69 = arith.constant 0 : i32
    %dma_wait3A_70 = tpu.memref_slice %arg9[%add3A_45, %mul3A_61, %dma_wait3A_69] : memref<1024x400x128xf32, #tpu.memory_space<hbm>> -> memref<1x80x128xf32, #tpu.memory_space<hbm>>
    %dma_wait3A_71 = tpu.memref_squeeze %dma_wait3A_70 : memref<1x80x128xf32, #tpu.memory_space<hbm>> -> memref<80x128xf32, #tpu.memory_space<hbm>>
    %dma_wait3A_72 = arith.constant 0 : i32
    %dma_wait3A_73 = tpu.memref_slice %arg17[%multiple_of3A_59, %dma_wait3A_72] : memref<160x128xf32, #tpu.memory_space<vmem>> -> memref<80x128xf32, #tpu.memory_space<vmem>>
    tpu.wait_dma2 semaphore(%dma_wait3A_68 : memref<!tpu.dma_semaphore, #tpu.memory_space<semaphore_mem>>) src(%dma_wait3A_73 : memref<80x128xf32, #tpu.memory_space<vmem>>) dst(%dma_wait3A_71 : memref<80x128xf32, #tpu.memory_space<hbm>>)
    %dma_wait3A_74 = arith.constant 0 : i32
    %dma_wait3A_75 = tpu.memref_slice %arg18[%multiple_of3A_57] : memref<448xf32, #tpu.memory_space<vmem>> -> memref<40xf32, #tpu.memory_space<vmem>>
    %dma_wait3A_76 = tpu.memref_slice %arg10[%multiple_of3A_51] : memref<204800xf32, #tpu.memory_space<hbm>> -> memref<40xf32, #tpu.memory_space<hbm>>
    %dma_wait3A_77 = tpu.memref_slice %arg23[%dma_wait3A_74] : memref<2x!tpu.dma_semaphore, #tpu.memory_space<semaphore_mem>> -> memref<1x!tpu.dma_semaphore, #tpu.memory_space<semaphore_mem>>
    %dma_wait3A_78 = tpu.memref_squeeze %dma_wait3A_77 : memref<1x!tpu.dma_semaphore, #tpu.memory_space<semaphore_mem>> -> memref<!tpu.dma_semaphore, #tpu.memory_space<semaphore_mem>>
    %dma_wait3A_79 = tpu.memref_slice %arg10[%multiple_of3A_51] : memref<204800xf32, #tpu.memory_space<hbm>> -> memref<40xf32, #tpu.memory_space<hbm>>
    %dma_wait3A_80 = tpu.memref_slice %arg18[%multiple_of3A_57] : memref<448xf32, #tpu.memory_space<vmem>> -> memref<40xf32, #tpu.memory_space<vmem>>
    tpu.wait_dma2 semaphore(%dma_wait3A_78 : memref<!tpu.dma_semaphore, #tpu.memory_space<semaphore_mem>>) src(%dma_wait3A_80 : memref<40xf32, #tpu.memory_space<vmem>>) dst(%dma_wait3A_79 : memref<40xf32, #tpu.memory_space<hbm>>)
    %dma_wait3A_81 = arith.constant 0 : i32
    %dma_wait3A_82 = tpu.memref_slice %arg19[%multiple_of3A_57] : memref<448xf32, #tpu.memory_space<vmem>> -> memref<40xf32, #tpu.memory_space<vmem>>
    %dma_wait3A_83 = tpu.memref_slice %arg11[%multiple_of3A_51] : memref<204800xf32, #tpu.memory_space<hbm>> -> memref<40xf32, #tpu.memory_space<hbm>>
    %dma_wait3A_84 = tpu.memref_slice %arg23[%dma_wait3A_81] : memref<2x!tpu.dma_semaphore, #tpu.memory_space<semaphore_mem>> -> memref<1x!tpu.dma_semaphore, #tpu.memory_space<semaphore_mem>>
    %dma_wait3A_85 = tpu.memref_squeeze %dma_wait3A_84 : memref<1x!tpu.dma_semaphore, #tpu.memory_space<semaphore_mem>> -> memref<!tpu.dma_semaphore, #tpu.memory_space<semaphore_mem>>
    %dma_wait3A_86 = tpu.memref_slice %arg11[%multiple_of3A_51] : memref<204800xf32, #tpu.memory_space<hbm>> -> memref<40xf32, #tpu.memory_space<hbm>>
    %dma_wait3A_87 = tpu.memref_slice %arg19[%multiple_of3A_57] : memref<448xf32, #tpu.memory_space<vmem>> -> memref<40xf32, #tpu.memory_space<vmem>>
    tpu.wait_dma2 semaphore(%dma_wait3A_85 : memref<!tpu.dma_semaphore, #tpu.memory_space<semaphore_mem>>) src(%dma_wait3A_87 : memref<40xf32, #tpu.memory_space<vmem>>) dst(%dma_wait3A_86 : memref<40xf32, #tpu.memory_space<hbm>>)
    %add3A_88 = arith.constant 31 : i32
    %add3A_89 = arith.addi %multiple_of3A, %add3A_88 : i32
    %multiple_of3A_90 = arith.constant 160 : i32
    %multiple_of3A_91 = tpu.assume_multiple %multiple_of3A_90, 8 : i32
    %mul3A_92 = arith.constant 200 : i32
    %mul3A_93 = arith.muli %add3A_89, %mul3A_92 : i32
    %add3A_94 = arith.addi %mul3A_93, %multiple_of3A_91 : i32
    %multiple_of3A_95 = tpu.assume_multiple %add3A_94, 8 : i32
    %rem3A_96 = arith.constant 31 : i32
    %rem3A_97 = arith.constant 2 : i32
    %rem3A_98 = arith.remsi %rem3A_96, %rem3A_97 : i32
    %mul3A_99 = arith.constant 224 : i32
    %mul3A_100 = arith.muli %rem3A_98, %mul3A_99 : i32
    %add3A_101 = arith.addi %mul3A_100, %multiple_of3A_91 : i32
    %multiple_of3A_102 = tpu.assume_multiple %add3A_101, 8 : i32
    %multiple_of3A_103 = arith.constant 80 : i32
    %multiple_of3A_104 = tpu.assume_multiple %multiple_of3A_103, 8 : i32
    %mul3A_105 = arith.constant 2 : i32
    %mul3A_106 = arith.muli %mul3A_105, %multiple_of3A_91 : i32
    %dma_wait3A_107 = arith.constant 1 : i32
    %dma_wait3A_108 = arith.constant 0 : i32
    %dma_wait3A_109 = tpu.memref_slice %arg17[%multiple_of3A_104, %dma_wait3A_108] : memref<160x128xf32, #tpu.memory_space<vmem>> -> memref<80x128xf32, #tpu.memory_space<vmem>>
    %dma_wait3A_110 = arith.constant 0 : i32
    %dma_wait3A_111 = tpu.memref_slice %arg9[%add3A_89, %mul3A_106, %dma_wait3A_110] : memref<1024x400x128xf32, #tpu.memory_space<hbm>> -> memref<1x80x128xf32, #tpu.memory_space<hbm>>
    %dma_wait3A_112 = tpu.memref_squeeze %dma_wait3A_111 : memref<1x80x128xf32, #tpu.memory_space<hbm>> -> memref<80x128xf32, #tpu.memory_space<hbm>>
    %dma_wait3A_113 = tpu.memref_slice %arg23[%dma_wait3A_107] : memref<2x!tpu.dma_semaphore, #tpu.memory_space<semaphore_mem>> -> memref<1x!tpu.dma_semaphore, #tpu.memory_space<semaphore_mem>>
    %dma_wait3A_114 = tpu.memref_squeeze %dma_wait3A_113 : memref<1x!tpu.dma_semaphore, #tpu.memory_space<semaphore_mem>> -> memref<!tpu.dma_semaphore, #tpu.memory_space<semaphore_mem>>
    %dma_wait3A_115 = arith.constant 0 : i32
    %dma_wait3A_116 = tpu.memref_slice %arg9[%add3A_89, %mul3A_106, %dma_wait3A_115] : memref<1024x400x128xf32, #tpu.memory_space<hbm>> -> memref<1x80x128xf32, #tpu.memory_space<hbm>>
    %dma_wait3A_117 = tpu.memref_squeeze %dma_wait3A_116 : memref<1x80x128xf32, #tpu.memory_space<hbm>> -> memref<80x128xf32, #tpu.memory_space<hbm>>
    %dma_wait3A_118 = arith.constant 0 : i32
    %dma_wait3A_119 = tpu.memref_slice %arg17[%multiple_of3A_104, %dma_wait3A_118] : memref<160x128xf32, #tpu.memory_space<vmem>> -> memref<80x128xf32, #tpu.memory_space<vmem>>
    tpu.wait_dma2 semaphore(%dma_wait3A_114 : memref<!tpu.dma_semaphore, #tpu.memory_space<semaphore_mem>>) src(%dma_wait3A_119 : memref<80x128xf32, #tpu.memory_space<vmem>>) dst(%dma_wait3A_117 : memref<80x128xf32, #tpu.memory_space<hbm>>)
    %dma_wait3A_120 = arith.constant 1 : i32
    %dma_wait3A_121 = tpu.memref_slice %arg18[%multiple_of3A_102] : memref<448xf32, #tpu.memory_space<vmem>> -> memref<40xf32, #tpu.memory_space<vmem>>
    %dma_wait3A_122 = tpu.memref_slice %arg10[%multiple_of3A_95] : memref<204800xf32, #tpu.memory_space<hbm>> -> memref<40xf32, #tpu.memory_space<hbm>>
    %dma_wait3A_123 = tpu.memref_slice %arg23[%dma_wait3A_120] : memref<2x!tpu.dma_semaphore, #tpu.memory_space<semaphore_mem>> -> memref<1x!tpu.dma_semaphore, #tpu.memory_space<semaphore_mem>>
    %dma_wait3A_124 = tpu.memref_squeeze %dma_wait3A_123 : memref<1x!tpu.dma_semaphore, #tpu.memory_space<semaphore_mem>> -> memref<!tpu.dma_semaphore, #tpu.memory_space<semaphore_mem>>
    %dma_wait3A_125 = tpu.memref_slice %arg10[%multiple_of3A_95] : memref<204800xf32, #tpu.memory_space<hbm>> -> memref<40xf32, #tpu.memory_space<hbm>>
    %dma_wait3A_126 = tpu.memref_slice %arg18[%multiple_of3A_102] : memref<448xf32, #tpu.memory_space<vmem>> -> memref<40xf32, #tpu.memory_space<vmem>>
    tpu.wait_dma2 semaphore(%dma_wait3A_124 : memref<!tpu.dma_semaphore, #tpu.memory_space<semaphore_mem>>) src(%dma_wait3A_126 : memref<40xf32, #tpu.memory_space<vmem>>) dst(%dma_wait3A_125 : memref<40xf32, #tpu.memory_space<hbm>>)
    %dma_wait3A_127 = arith.constant 1 : i32
    %dma_wait3A_128 = tpu.memref_slice %arg19[%multiple_of3A_102] : memref<448xf32, #tpu.memory_space<vmem>> -> memref<40xf32, #tpu.memory_space<vmem>>
    %dma_wait3A_129 = tpu.memref_slice %arg11[%multiple_of3A_95] : memref<204800xf32, #tpu.memory_space<hbm>> -> memref<40xf32, #tpu.memory_space<hbm>>
    %dma_wait3A_130 = tpu.memref_slice %arg23[%dma_wait3A_127] : memref<2x!tpu.dma_semaphore, #tpu.memory_space<semaphore_mem>> -> memref<1x!tpu.dma_semaphore, #tpu.memory_space<semaphore_mem>>
    %dma_wait3A_131 = tpu.memref_squeeze %dma_wait3A_130 : memref<1x!tpu.dma_semaphore, #tpu.memory_space<semaphore_mem>> -> memref<!tpu.dma_semaphore, #tpu.memory_space<semaphore_mem>>
    %dma_wait3A_132 = tpu.memref_slice %arg11[%multiple_of3A_95] : memref<204800xf32, #tpu.memory_space<hbm>> -> memref<40xf32, #tpu.memory_space<hbm>>
    %dma_wait3A_133 = tpu.memref_slice %arg19[%multiple_of3A_102] : memref<448xf32, #tpu.memory_space<vmem>> -> memref<40xf32, #tpu.memory_space<vmem>>
    tpu.wait_dma2 semaphore(%dma_wait3A_131 : memref<!tpu.dma_semaphore, #tpu.memory_space<semaphore_mem>>) src(%dma_wait3A_133 : memref<40xf32, #tpu.memory_space<vmem>>) dst(%dma_wait3A_132 : memref<40xf32, #tpu.memory_space<hbm>>)
    return
  }
}

</mosaic_0001>

<sc_bundles>
// kernel: _run_sc.3.cloned.1.call-start
scs
__scs_entry_jumppad:
0x0: {  	(pc) =	sbr.rel $0x88, $3  }
0x1: {  	(tag) =	ssettag $0x0;
	lr =	simm.s32 $0x1  }
0x2: {  	[smem:$0x3F9B] =	sst lr;
	_ =	strace $0xD0000000  }
0x3: {  	_ = 	snop  }
0x4: {  	_ = 	snop  }
0x5: {  	_ = 	snop  }
0x6: {  	_ = 	snop  }
0x7: {  	_ = 	snop  }
__scs_overlays_trampoline_lowered:
0x8: {  	[smem:$0x3FAA] =	sst s0  }
0x9: {  	[smem:$0x3FAB] =	sst s1  }
0xa: {  	[smem:$0x3FAC] =	sst s2  }
0xb: {  	[smem:$0x3FAD] =	sst s3  }
0xc: {  	[smem:$0x3FAE] =	sst s4  }
0xd: {  	[smem:$0x3FAF] =	sst s5  }
0xe: {  	[smem:$0x3FB0] =	sst s6  }
0xf: {  	[smem:$0x3FB1] =	sst s7  }
0x10: {  	[smem:$0x3FB2] =	sst s8  }
0x11: {  	[smem:$0x3FB3] =	sst s9;
	s0 =	simm.s32 @!p0 $0x0  }
0x12: {  	s1 =	sld [smem:$0x3F99];
	s0 =	simm.s32 @p0 $0x1  }
0x13: {  	[smem:$0x3FB4] =	sst s0;
	s0 =	simm.s32 @!p1 $0x0  }
0x14: {  	s2 =	sld [smem:$0x3F98];
	s0 =	simm.s32 @p1 $0x1  }
0x15: {  	[smem:$0x3FB5] =	sst s0;
	s0 =	simm.s32 @!p2 $0x0  }
0x16: {  	s3 =	sld [smem:$0x3FDB];
	s0 =	simm.s32 @p2 $0x1  }
0x17: {  	s4 =	simm.s32 $0x1BF5;
	[smem:$0x3FB7] =	sst s0  }
0x18: {  	s0 =	sld [smem:$0x3F9A];
	_ =	swait.ge [sflag:s4], $0x0  }
0x19: {  	s7 =	sld [smem:$0x3F9B]  }
0x1a: {  	s8 =	sadd.s32 $0xFFFFE003, lr  }
0x1b: {  	s9 =	sadd.s32 $0xFFFFFEF7, lr;
	s5 =	simm.s32 $0xFFFFFFFF;
	p2 =	slt.u32 s8, $0xFFFFF086  }
0x1c: {  	p1 =	slt.u32 s9, $0xF7A;
	s5 =	simm.s32 @!p2 $0x0  }
0x1d: {  	s5 =	simm.s32 @p1 $0x1;
	p0 =	seq.s32 s7, s2  }
0x1e: {  	s7 =	smul.u32 @!p0 $0xF7A, s2;
	p2 =	seq.s32 @!p0 s5, $0x0  }
0x1f: {  	s9 =	smul.u32 $0xF7A, s1;
	s8 =	simm.s32 @!p0 $0x1BF5;
	p2 =	por !p2, p0  }
0x20: {  	[sflag:s8] =	ssyncset.s32 @!p0 $0xFFFFF086;
	s6 =	sadd.s32 @!p0 s3, s7;
	s7 =	simm.s32 @!p0 $0x108  }
0x21: {  	s3 =	sadd.s32 s3, s9;
	s6 =	sadd.s32 @!p0 $0x88, s6;
	s7 =	simm.s32 @p2 $0x1082  }
0x22: {  	[simem:s7], [sflag:s8] =	dma.local @!p0 [hbm:s6], $0xF7A  }
0x23: {  	s9 =	sor.u32 $0xD0000000, s2;
	s6 =	simm.s32 $0x108;
	_ =	swait.ge @!p0 [sflag:s8], $0x0  }
0x24: {  	s3 =	sadd.s32 $0x88, s3;
	s6 =	simm.s32 @!p1 $0x1082;
	[sflag:s4] =	ssyncset.s32 $0xFFFFF086  }
0x25: {  	[simem:s6], [sflag:s4] =	dma.local [hbm:s3], $0xF7A  }
0x26: {  	[smem:$0x3F9B] =	sst s1;
	(tag) =	ssettag s2;
	_ =	strace s9  }
0x27: {  	s1 =	sld [smem:$0x3FAB]  }
0x28: {  	s2 =	sld [smem:$0x3FAC]  }
0x29: {  	s4 =	sld [smem:$0x3FAE]  }
0x2a: {  	p0 =	seq.s32 s5, $0x0;
	s5 =	sld [smem:$0x3FAF]  }
0x2b: {  	s6 =	sld [smem:$0x3FB0]  }
0x2c: {  	s7 =	sld [smem:$0x3FB1]  }
0x2d: {  	s3 =	simm.s32 $0x108;
	s8 =	sld [smem:$0x3FB2]  }
0x2e: {  	s3 =	simm.s32 @!p0 $0x1082;
	s9 =	sld [smem:$0x3FB3]  }
0x2f: {  	lr =	sadd.s32 s0, s3;
	s0 =	sld [smem:$0x3FAA]  }
0x30: {  	s3 =	sld [smem:$0x3FAD]  }
0x31: {  	[smem:$0x3FB6] =	sst s10  }
0x32: {  	s10 =	sld [smem:$0x3FB4];
	_ =	sdelay $0x3  }
0x33: {  	p0 =	seq.s32 s10, $0x1;
	s10 =	sld [smem:$0x3FB6];
	_ =	sdelay $0x3  }
0x34: {  	[smem:$0x3FB6] =	sst s10  }
0x35: {  	s10 =	sld [smem:$0x3FB5];
	_ =	sdelay $0x3  }
0x36: {  	p1 =	seq.s32 s10, $0x1;
	s10 =	sld [smem:$0x3FB6];
	_ =	sdelay $0x3  }
0x37: {  	[smem:$0x3FB6] =	sst s10  }
0x38: {  	s10 =	sld [smem:$0x3FB7]  }
0x39: {  	_ = 	snop;
	(pc) =	sbr.ind lr, $3  }
0x3a: {  	_ = 	snop  }
0x3b: {  	_ = 	snop  }
0x3c: {  	p2 =	seq.s32 s10, $0x1;
	s10 =	sld [smem:$0x3FB6]  }
0x3d: {  	_ =	shalt  }
0x3e: {  	_ =	shalt  }
0x3f: {  	_ =	shalt  }
0x40: {  	_ =	shalt  }
0x41: {  	_ =	shalt  }
0x42: {  	_ =	shalt  }
0x43: {  	_ =	shalt  }
0x44: {  	_ =	shalt  }
0x45: {  	_ =	shalt  }
0x46: {  	_ =	shalt  }
0x47: {  	_ =	shalt  }
0x48: {  	_ =	shalt  }
0x49: {  	_ =	shalt  }
0x4a: {  	_ =	shalt  }
0x4b: {  	_ =	shalt  }
0x4c: {  	_ =	shalt  }
0x4d: {  	_ =	shalt  }
0x4e: {  	_ =	shalt  }
0x4f: {  	_ =	shalt  }
0x50: {  	_ =	shalt  }
0x51: {  	_ =	shalt  }
0x52: {  	_ =	shalt  }
0x53: {  	_ =	shalt  }
0x54: {  	_ =	shalt  }
0x55: {  	_ =	shalt  }
0x56: {  	_ =	shalt  }
0x57: {  	_ =	shalt  }
0x58: {  	_ =	shalt  }
0x59: {  	_ =	shalt  }
0x5a: {  	_ =	shalt  }
0x5b: {  	_ =	shalt  }
0x5c: {  	_ =	shalt  }
0x5d: {  	_ =	shalt  }
0x5e: {  	_ =	shalt  }
0x5f: {  	_ =	shalt  }
0x60: {  	_ =	shalt  }
0x61: {  	_ =	shalt  }
0x62: {  	_ =	shalt  }
0x63: {  	_ =	shalt  }
0x64: {  	_ =	shalt  }
0x65: {  	_ =	shalt  }
0x66: {  	_ =	shalt  }
0x67: {  	_ =	shalt  }
0x68: {  	_ =	shalt  }
0x69: {  	_ =	shalt  }
0x6a: {  	_ =	shalt  }
0x6b: {  	_ =	shalt  }
0x6c: {  	_ =	shalt  }
0x6d: {  	_ =	shalt  }
0x6e: {  	_ =	shalt  }
0x6f: {  	_ =	shalt  }
0x70: {  	_ =	shalt  }
0x71: {  	_ =	shalt  }
0x72: {  	_ =	shalt  }
0x73: {  	_ =	shalt  }
0x74: {  	_ =	shalt  }
0x75: {  	_ =	shalt  }
0x76: {  	_ =	shalt  }
0x77: {  	_ =	shalt  }
0x78: {  	_ =	shalt  }
0x79: {  	_ =	shalt  }
0x7a: {  	_ =	shalt  }
0x7b: {  	_ =	shalt  }
0x7c: {  	_ =	shalt  }
0x7d: {  	_ =	shalt  }
0x7e: {  	_ =	shalt  }
0x7f: {  	_ =	shalt  }
0x80: {  	_ =	shalt  }
0x81: {  	_ =	shalt  }
0x82: {  	_ =	shalt  }
0x83: {  	_ =	shalt  }
0x84: {  	_ =	shalt  }
0x85: {  	_ =	shalt  }
0x86: {  	_ =	shalt  }
0x87: {  	_ =	shalt  }
.Lfunc_end0:
.L_simem_size_0:
called_computation_lowered:
.L_overlay_start_0:
0x88: {  	s2 =	sld [smem:$0x3FD9]  }
0x89: {  	s3 =	sld [smem:$0x3FFE];
	_ =	sdelay $0x1  }
0x8a: {  	s1 =	srdreg.scid  }
0x8b: {  	s0 =	sand.u32 $0x1, s1  }
0x8c: {  	s14 =	sshll.u32 s0, $0xA;
	s2 =	sadd.s32 s3, s2  }
0x8d: {  	s2 =	sadd.s32 s2, s14  }
0x8e: {  	[smem:$0x3FC2] =	sst s2  }
0x8f: {  	_ = 	snop  }
0x90: {  	s2 =	sld [smem:$0x3FC9]  }
0x91: {  	s15 =	sld [smem:$0x3FD0]  }
0x92: {  	s4 =	sld [smem:$0x3FC6]  }
0x93: {  	s5 =	sld [smem:$0x3FC5]  }
0x94: {  	s7 =	simm.s32 $0xA;
	s8 =	simm.s32 $0x10;
	s6 =	sld [smem:$0x3FC4]  }
0x95: {  	[smem:s8], [sflag:s7] =	dma.local [hbm:s15], $0x1  }
0x96: {  	_ =	swait.eq [sflag:s7], $0x1  }
0x97: {  	s16 =	sld [smem:$0x10]  }
0x98: {  	s17 =	sld [smem:$0x11];
	[sflag:s7] =	ssyncset.done $0x0  }
0x99: {  	s9 =	sld [smem:$0x12];
	[sflag:s7] =	ssyncadd.s32 $0xFFFFFFFF  }
0x9a: {  	s18 =	sld [smem:$0x13];
	(tm) =	ssettm $0x1  }
0x9b: {  	s10 =	sld [smem:$0x3FFB];
	_ =	sdelay $0x3  }
0x9c: {  	_ =	strace s10  }
0x9d: {  	s10 =	sld [smem:$0x3FFC];
	_ =	sdelay $0x3  }
0x9e: {  	_ =	strace s10  }
0x9f: {  	s10 =	sld [smem:$0x3FFD];
	_ =	sdelay $0x3  }
0xa0: {  	_ =	strace s10  }
0xa1: {  	_ =	strace $0x8FFFFFFF  }
0xa2: {  	s19 =	sld [smem:$0x3FDB];
	_ =	sdelay $0x1  }
0xa3: {  	s11 =	simm.s32 $_scs_section_size  }
0xa4: {  	s12 =	simm.s32 $_size__tile_overlayer_lowered;
	s13 =	simm.s32 $_tile_overlayer_lowered  }
0xa5: {  	s22 =	simm.s32 $0x1BFF;
	s21 =	sshll.u32 s13, $0x1;
	s10 =	sadd.s32 s11, s19  }
0xa6: {  	s20 =	sshll.u32 s12, $0x1;
	s14 =	simm.s32 $0x0;
	s12 =	sadd.s32 s21, s10  }
0xa7: {  	[timem:s14], [sflag:s22] =	dma.local [hbm:s12], s20  }
0xa8: {  	_ =	swait.ge [sflag:s22], s20  }
0xa9: {  	s11 =	ssub.s32 $0x0, s20;
	[sflag:s22] =	ssyncset.done $0x0  }
0xaa: {  	[sflag:s22] =	ssyncadd.s32 s11;
	_ =	sdelay $0x1  }
0xab: {  	s23 =	simm.s32 $0x1B8B  }
0xac: {  	_ =	swait.ge [sflag:s23], $0x1  }
0xad: {  	[sflag:s23] =	ssyncset.done $0x0  }
0xae: {  	s25 =	simm.s32 $0x1B8E;
	s24 =	sld [smem:$0x3FFE];
	[sflag:s23] =	ssyncadd.s32 $0xFFFFFFFF  }
0xaf: {  	s26 =	simm.s32 $execute0_lowered;
	[smem:$0x3FD2] =	sst s25  }
0xb0: {  	s12 =	sshll.u32 s26, $0x1;
	_ =	strace $0x80000046;
	[dreg:$0x1] =	wrdreg $0xFFFFFFFF  }
0xb1: {  	s28 =	simm.s32 $_size_execute0_lowered;
	s10 =	sadd.s32 s10, s12;
	[dreg:$0x0] =	wrdreg $0x0  }
0xb2: {  	s12 =	sshll.u32 s28, $0x1;
	[dreg:$0x2] =	wrdreg s10  }
0xb3: {  	[dreg:$0x3] =	wrdreg s12  }
0xb4: {  	[dreg:$0x4] =	wrdreg $0xC0  }
0xb5: {  	_ =	task [dreg:s14], $0x5FFFF  }
0xb6: {  	[dreg:$0x1] =	wrdreg $0xFFFFFFFF  }
0xb7: {  	[dreg:$0x0] =	wrdreg $0x60  }
0xb8: {  	[dreg:$0x2] =	wrdreg s2  }
0xb9: {  	[dreg:$0x3] =	wrdreg s24  }
0xba: {  	[dreg:$0x4] =	wrdreg s4  }
0xbb: {  	[dreg:$0x5] =	wrdreg s5  }
0xbc: {  	[dreg:$0x6] =	wrdreg s6  }
0xbd: {  	[dreg:$0x7] =	wrdreg s16  }
0xbe: {  	[dreg:$0x8] =	wrdreg s17  }
0xbf: {  	[dreg:$0x9] =	wrdreg s9  }
0xc0: {  	[dreg:$0xa] =	wrdreg s18  }
0xc1: {  	[dreg:$0xb] =	wrdreg $0x9  }
0xc2: {  	_ =	task.clear_ibuf [dreg:s14], $0xCFFFF;
	_ =	strace $0x90000046  }
0xc3: {  	s29 =	simm.s32 $0x9;
	_ =	strace $0x80000048  }
0xc4: {  	_ =	swait.ge [sflag:s29], $0x1  }
0xc5: {  	[sflag:s29] =	ssyncadd.s32 $0xFFFFFFFF  }
0xc6: {  	_ =	strace $0x90000048  }
0xc7: {  	_ =	sfence  }
0xc8: {  	s30 =	sld [smem:$0x0];
	_ =	sdelay $0x2  }
0xc9: {  	s31 =	sshll.u32 s1, $0xD;
	s1 =	sshrl.u32 s1, $0x2  }
0xca: {  	s3 =	sand.u32 $0x4000, s31;
	s1 =	sadd.s32 s1, s30  }
0xcb: {  	s0 =	sor.u32 s3, s0;
	s1 =	sshll.u32 s1, $0x11  }
0xcc: {  	s0 =	sor.u32 s1, s0  }
0xcd: {  	s0 =	sadd.s32 $0x8F2B, s0  }
0xce: {  	[sflag:s0] =	ssyncadd.remote.s32 $0x1  }
0xcf: {  	_ =	sfence.sel $0xFFFF  }
0xd0: {  	[dreg:$0x0] =	wrdreg $0xFFFFFFFF;
	(pc) =	sbr.abs _section_cstart, $3  }
0xd1: {  	[dreg:$0x1] =	wrdreg $0xFFFFFFFF  }
0xd2: {  	_ =	task.clear_ibuf [dreg:s14], $0x2FFFF;
	_ =	strace $0x9FFFFFFF  }
0xd3: {  	(tm) =	ssettm $0x7FFFFFFF  }
tec
execute0_lowered:
.L_overlay_start_1:
0x0: {  	(tag) =	ssettag $0x1  }
0x1: {  	s0 =	rddreg [dreg:$0x0]  }
0x2: {  	s1 =	rddreg [dreg:$0x1]  }
0x3: {  	s6 =	rddreg [dreg:$0x2];
	s3 =	srdreg.scid  }
0x4: {  	s2 =	rddreg [dreg:$0x5];
	s4 =	stileid.u32;
	s3 =	sand.u32 $0x1, s3  }
0x5: {  	s7 =	simm.s32 $0x0;
	s4 =	sshll.u32 s4, $0x6;
	s5 =	sshll.u32 s3, $0x5  }
0x6: {  	[smem:$0x7FF] =	sst s7;
	s3 =	ssub.s32 $0x2, s3;
	s18 =	sor.u32 s5, s4  }
0x7: {  	_ =	strace $0x80000047;
	s25 =	sshrl.u32 s3, $0x1;
	s26 =	sshrl.u32 s18, $0x3  }
0x8: {  	v0 =	vimm.s32 $0xFEDCBA98;
	s4 =	sshll.u32 s18, $0x5;
	[dreg:$0x13] =	wrdreg s18;
	s0 =	sadd.s32 s0, s26  }
0x9: {  	v1 =	vimm.s32 $0x76543210;
	v0 =	vunpack.c.l.s4.s8 v0;
	s3 =	ssub.s32 s3, s25;
	s29 =	sadd.s32 s2, s26;
	[dreg:$0x16] =	wrdreg s0  }
0xa: {  	v1 =	vunpack.c.l.s4.s8 v1;
	s1 =	sadd.s32 s4, s1;
	s31 =	smax.u32 s3, $0x1;
	[dreg:$0x17] =	wrdreg s29  }
0xb: {  	v3 =	vunpack.c.0.s8.s32 v0;
	s5 =	smul.u32 $0xC80, s18;
	s28 =	sadd.s32 $0x600, s1;
	[dreg:$0x19] =	wrdreg s31  }
0xc: {  	v2 =	vimm.f32 $0.0e+00;
	v4 =	vunpack.c.0.s8.s32 v1;
	s1 =	sadd.s32 $0x8600, s1;
	[dreg:$0x14] =	wrdreg s28  }
0xd: {  	vm0 =	vmmov $0xff;
	v0 =	vimm.s32 $0x0;
	v3 =	vand.u32 $0xF, v3;
	s30 =	sadd.s32 s6, s5;
	[dreg:$0x15] =	wrdreg s1  }
0xe: {  	v1 =	vimm.f32 $1.000000000e+00;
	s2 =	simm.s32 $0x0;
	v3 =	vcombine.low v3, v4;
	v4 =	vimm.s32 $0x3F800000;
	[dreg:$0x18] =	wrdreg s30  }
.LBB2_1:
0xf: {  	[dreg:$0x1a] =	wrdreg s2  }
0x10: {  	s0 =	rddreg [dreg:$0x3];
	s1 =	simm.s32 $0x0;
	s20 =	simm.s32 $0x5  }
0x11: {  	[tilespmem:s1], [sflag:$0x5] =	stream.linear.gather [hbm4b:s0+s1], $0xC800, $0x38;
	[tilespmem:$0x18A80] =	vst v63  }
0x12: {  	_ =	swait.ge [sflag:s20], $0xC800  }
0x13: {  	[sflag:s20] =	ssyncset.done $0x0  }
0x14: {  	[sflag:s20] =	ssyncadd.s32 $0xFFFF3800  }
0x15: {  	s3 =	simm.s32 $0xC800;
	s21 =	rddreg [dreg:$0x4]  }
0x16: {  	[tilespmem:s3], [sflag:$0x5] =	stream.linear.gather [hbm4b:s21+s1], $0x400, $0x38;
	[tilespmem:$0x18A80] =	vst v63  }
0x17: {  	_ =	swait.ge [sflag:s20], $0x400  }
0x18: {  	[sflag:s20] =	ssyncset.done $0x0  }
0x19: {  	s23 =	simm.s32 $0xCC00;
	s22 =	rddreg [dreg:$0x14];
	[sflag:s20] =	ssyncadd.s32 $0xFFFFFC00  }
0x1a: {  	[tilespmem:s23], [sflag:$0x5] =	stream.linear.gather [hbm4b:s22+s1], $0x2000, $0x38;
	[tilespmem:$0x18A80] =	vst v63  }
0x1b: {  	_ =	swait.ge [sflag:s20], $0x2000  }
0x1c: {  	[sflag:s20] =	ssyncset.done $0x0  }
0x1d: {  	s25 =	simm.s32 $0xEC00;
	s24 =	rddreg [dreg:$0x15];
	[sflag:s20] =	ssyncadd.s32 $0xFFFFE000  }
0x1e: {  	[tilespmem:s25], [sflag:$0x5] =	stream.linear.gather [hbm4b:s24+s1], $0x2000, $0x38;
	[tilespmem:$0x18A80] =	vst v63  }
0x1f: {  	_ =	swait.ge [sflag:s20], $0x2000  }
0x20: {  	[sflag:s20] =	ssyncset.done $0x0  }
0x21: {  	s28 =	simm.s32 $0x18A00;
	s26 =	rddreg [dreg:$0x16];
	[sflag:s20] =	ssyncadd.s32 $0xFFFFE000  }
0x22: {  	[tilespmem:s28], [sflag:$0x5] =	stream.linear.gather [hbm4b:s26+s1], $0x20, $0x38;
	[tilespmem:$0x18A80] =	vst v63  }
0x23: {  	_ =	swait.ge [sflag:s20], $0x20  }
0x24: {  	[sflag:s20] =	ssyncset.done $0x0  }
0x25: {  	[sflag:s20] =	ssyncadd.s32 $0xFFFFFFE0  }
0x26: {  	v5 =	vld [tilespmem:$0x18A00]  }
0x27: {  	v6 =	vld [tilespmem:$0x18A10];
	_ =	sdelay $0x3  }
0x28: {  	v5 =	vshll.u32 v5, $0x1  }
0x29: {  	[tilespmem:$0x18A00] =	vst v5;
	v5 =	vshll.u32 v6, $0x1  }
0x2a: {  	s29 =	rddreg [dreg:$0x17];
	[tilespmem:$0x18A10] =	vst v5  }
0x2b: {  	[hbm4b:s29+s1] =	stream.linear.scatter [tilespmem:s28], [sflag:$0x5], $0x20, $0x38;
	[tilespmem:$0x18A80] =	vst v63  }
0x2c: {  	s31 =	simm.s32 $0x10C00;
	p0 =	por $0x0, $0x0;
	_ =	swait.ge [sflag:s20], $0x20  }
0x2d: {  	s5 =	simm.s32 $0x3;
	s6 =	simm.s32 $0x0;
	[sflag:s20] =	ssyncset.done $0x0  }
0x2e: {  	s0 =	simm.s32 $0x0;
	s30 =	rddreg [dreg:$0x18];
	[sflag:s20] =	ssyncadd.s32 $0xFFFFFFE0  }
0x2f: {  	[tilespmem:s31], [sflag:$0x1] =	stream.linear.gather [hbm4b:s30+s1], $0x1400, $0x38;
	[tilespmem:$0x18A80] =	vst v63  }
.LBB2_2:
0x30: {  	s3 =	sadd.s32 $0x1, s0;
	p1 =	seq.s32 s0, $0x9F  }
0x31: {  	s1 =	sand.u32 @!p1 $0xFF, s3  }
0x32: {  	s1 =	smul.u32 @!p1 $0xCD, s1;
	_ =	sdelay $0x1  }
0x33: {  	s1 =	sshrl.u32 @!p1 s1, $0xA  }
0x34: {  	s2 =	smul.u32 @!p1 $0x5, s1;
	_ =	sdelay $0x1  }
0x35: {  	s30 =	smul.u32 $0xCD, s0;
	s1 =	sadd.s32 @!p1 s1, s18;
	s2 =	ssub.s32 @!p1 s3, s2  }
0x36: {  	s25 =	sand.u32 $0x1, s0;
	s1 =	smul.u32 @!p1 $0x6400, s1;
	s2 =	sand.u32 @!p1 $0xFF, s2  }
0x37: {  	[dreg:$0x1d] =	wrdreg s3;
	s3 =	sxor.u32 @!p1 $0x1, s25;
	s2 =	smul.u32 @!p1 $0x1400, s2  }
0x38: {  	s4 =	smul.u32 @!p1 $0x5000, s3  }
0x39: {  	s29 =	sadd.s32 $0x1, s25;
	s3 =	sadd.s32 @!p1 $0x1, s3;
	s1 =	sadd.s32 @!p1 s2, s1  }
0x3a: {  	s2 =	sshrl.u32 @!p1 s4, $0x2;
	s4 =	rddreg [dreg:$0x2];
	s1 =	sshrl.u32 @!p1 s1, $0x3  }
0x3b: {  	s2 =	sadd.s32 @!p1 $0x10C00, s2;
	s1 =	sadd.s32 @!p1 s4, s1;
	s4 =	simm.s32 @!p1 $0x0  }
0x3c: {  	[tilespmem:s2], [sflag:s3] =	stream.linear.gather @!p1 [hbm4b:s1+s4], $0x1400, $0x38;
	[tilespmem:$0x18A80] =	vst v63  }
0x3d: {  	s2 =	sshrl.u32 s30, $0xA;
	_ =	swait.ge [sflag:s29], $0x1400  }
0x3e: {  	p1 =	slt.u32 s0, $0x2;
	s14 =	sand.u32 $0x3F, s2;
	[sflag:s29] =	ssyncset.done $0x0  }
0x3f: {  	s1 =	sadd.s32 @!p1 $0x3, s25;
	s2 =	smul.u32 $0x5, s14;
	[sflag:s29] =	ssyncadd.s32 $0xFFFFEC00  }
0x40: {  	_ =	swait.ge @!p1 [sflag:s1], $0x2800  }
0x41: {  	s2 =	ssub.s32 s0, s2;
	[sflag:s1] =	ssyncset.done @!p1 $0x0  }
0x42: {  	s26 =	sand.u32 $0xFF, s2;
	[sflag:s1] =	ssyncadd.s32 @!p1 $0xFFFFD800  }
0x43: {  	p3 =	sne.s32 s26, $0x0;
	_ =	swait.ge @!p1 [sflag:s1], $0x28  }
.Ltmp0:
0x44: {  	[sflag:s1] =	ssyncset.done @!p1 $0x0;
	(pc) =	sbr.rel @p3 .LBB2_4-.Ltmp0, $4  }
0x45: {  	[sflag:s1] =	ssyncadd.s32 @!p1 $0xFFFFFFD8  }
0x46: {  	s31 =	sand.u32 $0x1, s14;
	_ =	swait.ge @!p1 [sflag:s1], $0x28  }
0x47: {  	s15 =	simm.s32 $0xE0;
	p2 =	seq.s32 s31, $0x1;
	[sflag:s1] =	ssyncset.done @!p1 $0x0  }
0x48: {  	s15 =	simm.s32 @!p2 $0x0;
	[sflag:s1] =	ssyncadd.s32 @!p1 $0xFFFFFFD8  }
0x49: {  	s1 =	sshll.u32 s14, $0x8;
	s2 =	sshll.u32 s14, $0x7  }
0x4a: {  	s1 =	sand.u32 $0x3800, s1;
	s2 =	sand.u32 $0x380, s2  }
0x4b: {  	s1 =	sor.u32 s2, s1  }
0x4c: {  	v5 =	vld [tilespmem:s1+$0xCC00]  }
0x4d: {  	v6 =	vld [tilespmem:s1+$0xEC00];
	_ =	sdelay $0x4  }
0x4e: {  	vm1 =	veq.s32 v5, $0x0;
	vm2 =	vne.s32 v6, $0x0;
	vm3 =	vne.s32 v6, $0x6  }
0x4f: {  	[tilespmem:s15+$0x18800] =	vst v6;
	v5 =	vsel vm1, $0x0, v1;
	vm1 =	vmand vm2, vm3  }
0x50: {  	[tilespmem:s15+$0x18400] =	vst v5;
	v5 =	vsel vm1, $0x3F800000, v2  }
0x51: {  	[tilespmem:s15+$0x18600] =	vst v5  }
0x52: {  	v5 =	vld [tilespmem:s1+$0xCC10]  }
0x53: {  	v6 =	vld [tilespmem:s1+$0xEC10];
	_ =	sdelay $0x4  }
0x54: {  	vm1 =	veq.s32 v5, $0x0;
	vm2 =	vne.s32 v6, $0x0;
	vm3 =	vne.s32 v6, $0x6  }
0x55: {  	s28 =	sor.u32 $0x18410, s15;
	v5 =	vsel vm1, $0x0, v1;
	vm1 =	vmand vm2, vm3  }
0x56: {  	s29 =	sor.u32 $0x18610, s15;
	[tilespmem:s28+$0x0] =	vst v5;
	v5 =	vsel vm1, $0x3F800000, v2  }
0x57: {  	s30 =	sor.u32 $0x18810, s15;
	[tilespmem:s29+$0x0] =	vst v5  }
0x58: {  	[tilespmem:s30+$0x0] =	vst v6  }
0x59: {  	v5 =	vld [tilespmem:s1+$0xCC20]  }
0x5a: {  	v6 =	vld [tilespmem:s1+$0xEC20];
	_ =	sdelay $0x4  }
0x5b: {  	vm1 =	veq.s32 v5, $0x0;
	vm2 =	vne.s32 v6, $0x0;
	vm3 =	vne.s32 v6, $0x6  }
0x5c: {  	[tilespmem:s15+$0x18820] =	vst v6;
	v5 =	vsel vm1, $0x0, v1;
	vm1 =	vmand vm2, vm3  }
0x5d: {  	[tilespmem:s15+$0x18420] =	vst v5;
	v5 =	vsel vm1, $0x3F800000, v2  }
0x5e: {  	[tilespmem:s15+$0x18620] =	vst v5  }
0x5f: {  	v5 =	vld [tilespmem:s1+$0xCC30]  }
0x60: {  	v6 =	vld [tilespmem:s1+$0xEC30];
	_ =	sdelay $0x4  }
0x61: {  	vm1 =	veq.s32 v5, $0x0;
	vm2 =	vne.s32 v6, $0x0;
	vm3 =	vne.s32 v6, $0x6  }
0x62: {  	[tilespmem:s15+$0x18830] =	vst v6;
	v5 =	vsel vm1, $0x0, v1;
	vm1 =	vmand vm2, vm3  }
0x63: {  	[tilespmem:s15+$0x18430] =	vst v5;
	v5 =	vsel vm1, $0x3F800000, v2  }
0x64: {  	[tilespmem:s15+$0x18630] =	vst v5  }
0x65: {  	v5 =	vld [tilespmem:s1+$0xCC40]  }
0x66: {  	v6 =	vld [tilespmem:s1+$0xEC40];
	_ =	sdelay $0x4  }
0x67: {  	vm1 =	veq.s32 v5, $0x0;
	vm2 =	vne.s32 v6, $0x0;
	vm3 =	vne.s32 v6, $0x6  }
0x68: {  	[tilespmem:s15+$0x18840] =	vst v6;
	v5 =	vsel vm1, $0x0, v1;
	vm1 =	vmand vm2, vm3  }
0x69: {  	[tilespmem:s15+$0x18440] =	vst v5;
	v5 =	vsel vm1, $0x3F800000, v2  }
0x6a: {  	[tilespmem:s15+$0x18640] =	vst v5  }
0x6b: {  	v5 =	vld [tilespmem:s1+$0xCC50]  }
0x6c: {  	v6 =	vld [tilespmem:s1+$0xEC50];
	_ =	sdelay $0x4  }
0x6d: {  	vm1 =	veq.s32 v5, $0x0;
	vm2 =	vne.s32 v6, $0x0;
	vm3 =	vne.s32 v6, $0x6  }
0x6e: {  	[tilespmem:s15+$0x18850] =	vst v6;
	v5 =	vsel vm1, $0x0, v1;
	vm1 =	vmand vm2, vm3  }
0x6f: {  	[tilespmem:s15+$0x18450] =	vst v5;
	v5 =	vsel vm1, $0x3F800000, v2  }
0x70: {  	[tilespmem:s15+$0x18650] =	vst v5  }
0x71: {  	v5 =	vld [tilespmem:s1+$0xCC60]  }
0x72: {  	v6 =	vld [tilespmem:s1+$0xEC60];
	_ =	sdelay $0x4  }
0x73: {  	vm1 =	veq.s32 v5, $0x0;
	vm2 =	vne.s32 v6, $0x0;
	vm3 =	vne.s32 v6, $0x6  }
0x74: {  	[tilespmem:s15+$0x18860] =	vst v6;
	v5 =	vsel vm1, $0x0, v1;
	vm1 =	vmand vm2, vm3  }
0x75: {  	[tilespmem:s15+$0x18460] =	vst v5;
	v5 =	vsel vm1, $0x3F800000, v2  }
0x76: {  	[tilespmem:s15+$0x18660] =	vst v5  }
0x77: {  	v5 =	vld [tilespmem:s1+$0xCC70]  }
0x78: {  	v6 =	vld [tilespmem:s1+$0xEC70];
	_ =	sdelay $0x4  }
0x79: {  	vm1 =	veq.s32 v5, $0x0;
	vm2 =	vne.s32 v6, $0x0;
	vm3 =	vne.s32 v6, $0x6  }
0x7a: {  	[tilespmem:s15+$0x18870] =	vst v6;
	v5 =	vsel vm1, $0x0, v1;
	vm1 =	vmand vm2, vm3  }
0x7b: {  	[tilespmem:s15+$0x18470] =	vst v5;
	v5 =	vsel vm1, $0x3F800000, v2  }
0x7c: {  	[tilespmem:s15+$0x18670] =	vst v5  }
0x7d: {  	v5 =	vld [tilespmem:s1+$0xD000]  }
0x7e: {  	v6 =	vld [tilespmem:s1+$0xF000];
	_ =	sdelay $0x4  }
0x7f: {  	s31 =	sand.u32 $0xE0, s15;
	vm1 =	veq.s32 v5, $0x0;
	vm2 =	vne.s32 v6, $0x0;
	vm3 =	vne.s32 v6, $0x6  }
0x80: {  	[tilespmem:s31+$0x18880] =	vst v6;
	v5 =	vsel vm1, $0x0, v1;
	vm1 =	vmand vm2, vm3  }
0x81: {  	[tilespmem:s31+$0x18480] =	vst v5;
	v5 =	vsel vm1, $0x3F800000, v2  }
0x82: {  	[tilespmem:s31+$0x18680] =	vst v5  }
0x83: {  	v5 =	vld [tilespmem:s1+$0xD010]  }
0x84: {  	v6 =	vld [tilespmem:s1+$0xF010];
	_ =	sdelay $0x4  }
0x85: {  	vm1 =	veq.s32 v5, $0x0;
	vm2 =	vne.s32 v6, $0x0;
	vm3 =	vne.s32 v6, $0x6  }
0x86: {  	[tilespmem:s15+$0x18890] =	vst v6;
	v5 =	vsel vm1, $0x0, v1;
	vm1 =	vmand vm2, vm3  }
0x87: {  	[tilespmem:s15+$0x18490] =	vst v5;
	v5 =	vsel vm1, $0x3F800000, v2  }
0x88: {  	[tilespmem:s15+$0x18690] =	vst v5  }
0x89: {  	v5 =	vld [tilespmem:s1+$0xD020]  }
0x8a: {  	v6 =	vld [tilespmem:s1+$0xF020];
	_ =	sdelay $0x4  }
0x8b: {  	vm1 =	veq.s32 v5, $0x0;
	vm2 =	vne.s32 v6, $0x0;
	vm3 =	vne.s32 v6, $0x6  }
0x8c: {  	[tilespmem:s15+$0x188A0] =	vst v6;
	v5 =	vsel vm1, $0x0, v1;
	vm1 =	vmand vm2, vm3  }
0x8d: {  	[tilespmem:s15+$0x184A0] =	vst v5;
	v5 =	vsel vm1, $0x3F800000, v2  }
0x8e: {  	[tilespmem:s15+$0x186A0] =	vst v5  }
0x8f: {  	v5 =	vld [tilespmem:s1+$0xD030]  }
0x90: {  	v6 =	vld [tilespmem:s1+$0xF030];
	_ =	sdelay $0x4  }
0x91: {  	vm1 =	veq.s32 v5, $0x0;
	vm2 =	vne.s32 v6, $0x0;
	vm3 =	vne.s32 v6, $0x6  }
0x92: {  	[tilespmem:s15+$0x188B0] =	vst v6;
	v5 =	vsel vm1, $0x0, v1;
	vm1 =	vmand vm2, vm3  }
0x93: {  	[tilespmem:s15+$0x184B0] =	vst v5;
	v5 =	vsel vm1, $0x3F800000, v2  }
0x94: {  	[tilespmem:s15+$0x186B0] =	vst v5  }
0x95: {  	v5 =	vld [tilespmem:s1+$0xD030]  }
0x96: {  	v6 =	vld.msk [tilespmem:s1+$0xD040], $0xff  }
0x97: {  	v7 =	vld [tilespmem:s1+$0xF030]  }
0x98: {  	v8 =	vld.msk [tilespmem:s1+$0xF040], $0xff;
	_ =	sdelay $0x3  }
0x99: {  	vm1 =	veq.s32 v5, $0x0  }
0x9a: {  	vm2 =	veq.s32 v6, $0x0;
	vm3 =	vne.s32 v7, $0x6;
	vm4 =	vne.s32 v8, $0x0  }
0x9b: {  	v5 =	vsel vm1, $0x0, v4;
	vm1 =	vne.s32 v7, $0x0;
	v6 =	vsel vm2, $0x0, v4  }
0x9c: {  	v7 =	vperm.xlane v7, v3;
	vm1 =	vmand vm1, vm3;
	vm3 =	vne.s32 v8, $0x6  }
0x9d: {  	v5 =	vperm.xlane v5, v3;
	v6 =	vperm.xlane v6, v3;
	vm3 =	vmand vm4, vm3  }
0x9e: {  	v8 =	vperm.xlane v8, v3;
	v9 =	vsel vm1, $0x3F800000, v0;
	v10 =	vsel vm3, $0x3F800000, v0  }
0x9f: {  	v9 =	vperm.xlane v9, v3;
	v5 =	vsel vm0, v5, v6;
	v10 =	vperm.xlane v10, v3  }
0xa0: {  	v6 =	vsel vm0, v7, v8;
	[tilespmem:s15+$0x184B8] =	vst v5  }
0xa1: {  	[tilespmem:s15+$0x188B8] =	vst v6;
	v5 =	vsel vm0, v9, v10  }
0xa2: {  	[tilespmem:s15+$0x186B8] =	vst v5  }
.LBB2_4:
0xa3: {  	s0 =	smulhi.u32 $0xCCCCCCCD, s0;
	_ =	sdelay $0x1  }
0xa4: {  	s0 =	sshrl.u32 s0, $0x2  }
0xa5: {  	s1 =	smul.u32 $0xC8, s0  }
0xa6: {  	s2 =	sadd.s32 s5, s15  }
0xa7: {  	s1 =	ssub.s32 s2, s1  }
0xa8: {  	s1 =	sshll.u32 s1, $0x2  }
0xa9: {  	s20 =	sshra.s32 s1, $0x2  }
0xaa: {  	v6 =	vmov s20;
	_ =	sdelay $0x3  }
0xab: {  	[dreg:$0x1b] =	wrdreg s5;
	s3 =	simm.s32 $0x18800  }
0xac: {  	v5 =	vld.idx.msk [tilespmem:v6+s3+$0x0 ss:$0x1], $0xffff;
	_ =	sdelay $0x3  }
0xad: {  	s2 =	simm.s32 $0x1  }
0xae: {  	s2 =	simm.s32 @!p0 $0x0;
	(v2sf) =	vpush v5, $0x0  }
0xaf: {  	s12 =	smul.u32 $0x5000, s2  }
0xb0: {  	s0 =	smul.u32 $0xC800, s0  }
0xb1: {  	s13 =	simm.s32 $0x180;
	s4 =	sshrl.u32 s12, $0x2  }
0xb2: {  	s1 =	ssub.s32 s6, s0;
	s0 =	sadd.s32 $0x10D00, s4;
	[dreg:$0x1c] =	wrdreg s6  }
0xb3: {  	s16 =	sand.u32 $0x3F800, s1;
	s4 =	sand.u32 $0x380, s13;
	v5 =	vld [tilespmem:s0+$0x80]  }
0xb4: {  	s22 =	sor.u32 s4, s16  }
0xb5: {  	v7 =	vld [tilespmem:s22+$0x0]  }
0xb6: {  	s8 =	sadd.s32 $0x18400, s20  }
0xb7: {  	v21 =	vld.msk [tilespmem:s8+$0x0 ss:$0x0], $0xffff  }
0xb8: {  	v5 =	vmul.f32 $1.131370830e+01, v5;
	_ =	sdelay $0x1  }
0xb9: {  	s2 =	smul.u32 $0xA000, s2;
	v5 =	vadd.f32 v7, v5;
	_ =	sdelay $0x1  }
0xba: {  	s19 =	sadd.s32 $0x18600, s20;
	s17 =	sshrl.u32 s2, $0x2;
	v5 =	vmul.f32 v5, v21  }
0xbb: {  	s31 =	sadd.s32 $0x13600, s17;
	v15 =	vld.msk [tilespmem:s19+$0x0 ss:$0x0], $0xffff;
	s21 =	spop (v2sf)  }
0xbc: {  	v7 =	vld.idx.msk [tilespmem:v6+s3+$0xFFFFFFFD ss:$0x1], $0xffff;
	[tilespmem:s31+$0x100] =	vst v5;
	s4 =	sshll.u32 s21, $0x9  }
0xbd: {  	v5 =	vld [tilespmem:s22+$0x400];
	s10 =	sshra.s32 s4, $0x2  }
0xbe: {  	v8 =	vld [tilespmem:s10+$0xC800];
	_ =	sdelay $0x2  }
0xbf: {  	(v2sf) =	vpush v7, $0x0;
	v7 =	vld.idx.msk [tilespmem:v6+s3+$0xFFFFFFFE ss:$0x1], $0xffff;
	_ =	sdelay $0x1  }
0xc0: {  	v9 =	vld.idx.msk [tilespmem:v6+s3+$0xFFFFFFFF ss:$0x1], $0xffff;
	v5 =	vadd.f32 v5, v8  }
0xc1: {  	s23 =	simm.s32 $0x0  }
0xc2: {  	s3 =	sand.u32 $0x200, s23;
	v5 =	vmul.f32 v5, v15  }
0xc3: {  	s9 =	sor.u32 s3, s16;
	(v2sf) =	vpush v7, $0x0;
	v7 =	vld [tilespmem:s0+$0xFFFFFF00]  }
0xc4: {  	v8 =	vld [tilespmem:s9+$0x0];
	[tilespmem:s31+$0x180] =	vst v5  }
0xc5: {  	(v2sf) =	vpush v9, $0x0;
	v5 =	vld [tilespmem:s0+$0x90]  }
0xc6: {  	v19 =	vld.msk [tilespmem:s8+$0xFFFFFFFD ss:$0x0], $0xffff  }
0xc7: {  	v9 =	vld [tilespmem:s22+$0x10]  }
0xc8: {  	s24 =	simm.s32 $0x80;
	v10 =	vld [tilespmem:s0+$0xFFFFFF80];
	v7 =	vmul.f32 $1.131370830e+01, v7  }
0xc9: {  	s29 =	simm.s32 $0x100;
	p1 =	por $0x0, $0x0;
	v11 =	vld [tilespmem:s0+$0x0];
	s3 =	sand.u32 $0x280, s24  }
0xca: {  	s6 =	sand.u32 $0x300, s29;
	v20 =	vld.msk [tilespmem:s8+$0xFFFFFFFE ss:$0x0], $0xffff;
	s4 =	sor.u32 s3, s16;
	s3 =	simm.s32 $0x1;
	v7 =	vadd.f32 v8, v7;
	v5 =	vmul.f32 $1.131370830e+01, v5  }
0xcb: {  	s16 =	sor.u32 s6, s16;
	v12 =	vld [tilespmem:s4+$0x0];
	s3 =	simm.s32 @!p1 $0x0  }
0xcc: {  	s3 =	sshll.u32 s3, $0x9;
	v8 =	vld [tilespmem:s16+$0x0];
	v7 =	vmul.f32 v7, v19;
	v5 =	vadd.f32 v9, v5  }
0xcd: {  	v16 =	vld.msk [tilespmem:s19+$0xFFFFFFFD ss:$0x0], $0xffff;
	s6 =	sadd.s32 s3, s1;
	s7 =	spop (v2sf)  }
0xce: {  	v17 =	vld.msk [tilespmem:s8+$0xFFFFFFFF ss:$0x0], $0xffff;
	s3 =	sor.u32 $0x400, s6;
	s5 =	sshll.u32 s7, $0x9;
	[tilespmem:s31+$0xFFFFFE00] =	vst v7;
	v9 =	vmul.f32 $1.131370830e+01, v10;
	v5 =	vmul.f32 v5, v21  }
0xcf: {  	s7 =	sshra.s32 s5, $0x2;
	v7 =	vmul.f32 $1.131370830e+01, v11;
	v11 =	vld [tilespmem:s3+$0x0]  }
0xd0: {  	v10 =	vld [tilespmem:s7+$0xC800];
	v9 =	vadd.f32 v12, v9;
	[tilespmem:s31+$0x110] =	vst v5  }
0xd1: {  	v5 =	vadd.f32 v8, v7;
	v7 =	vld [tilespmem:s10+$0xC810]  }
0xd2: {  	s8 =	spop (v2sf);
	v8 =	vmul.f32 v9, v20;
	v9 =	vld [tilespmem:s22+$0x410]  }
0xd3: {  	v18 =	vld.msk [tilespmem:s19+$0xFFFFFFFE ss:$0x0], $0xffff;
	s3 =	sshll.u32 s8, $0x9  }
0xd4: {  	s11 =	spop (v2sf);
	s8 =	sshra.s32 s3, $0x2;
	v12 =	vmul.f32 v5, v17;
	v5 =	vld.msk [tilespmem:s19+$0xFFFFFFFF ss:$0x0], $0xffff;
	[tilespmem:s31+$0xFFFFFF00] =	vst v8  }
0xd5: {  	s12 =	sshll.u32 s11, $0x9;
	v8 =	vadd.f32 v11, v10;
	v10 =	vld [tilespmem:s8+$0xC800]  }
0xd6: {  	s12 =	sshra.s32 s12, $0x2;
	[tilespmem:s31+$0x0] =	vst v12;
	v12 =	vld [tilespmem:s4+$0x400]  }
0xd7: {  	v8 =	vmul.f32 v8, v16;
	v11 =	vld [tilespmem:s12+$0xC800];
	v7 =	vadd.f32 v9, v7  }
0xd8: {  	v9 =	vld [tilespmem:s16+$0x400]  }
0xd9: {  	[tilespmem:s31+$0xFFFFFE80] =	vst v8;
	v7 =	vmul.f32 v7, v15  }
0xda: {  	v8 =	vld [tilespmem:s0+$0xFFFFFF10]  }
0xdb: {  	v13 =	vld [tilespmem:s9+$0x10];
	[tilespmem:s31+$0x190] =	vst v7  }
0xdc: {  	v7 =	vadd.f32 v12, v10;
	v10 =	vld [tilespmem:s0+$0xA0]  }
0xdd: {  	v9 =	vadd.f32 v9, v11  }
0xde: {  	v11 =	vld [tilespmem:s22+$0x20];
	v7 =	vmul.f32 v7, v18  }
0xdf: {  	v8 =	vmul.f32 $1.131370830e+01, v8;
	v9 =	vmul.f32 v9, v5  }
0xe0: {  	[tilespmem:s31+$0xFFFFFF80] =	vst v7  }
0xe1: {  	v7 =	vadd.f32 v13, v8;
	v8 =	vld [tilespmem:s0+$0xFFFFFF90];
	[tilespmem:s31+$0x80] =	vst v9;
	v9 =	vmul.f32 $1.131370830e+01, v10  }
0xe2: {  	v12 =	vld [tilespmem:s4+$0x10]  }
0xe3: {  	v10 =	vld [tilespmem:s0+$0x10];
	v7 =	vmul.f32 v7, v19;
	v9 =	vadd.f32 v11, v9;
	_ =	sdelay $0x1  }
0xe4: {  	[tilespmem:s31+$0xFFFFFE10] =	vst v7;
	v7 =	vld [tilespmem:s16+$0x10];
	v9 =	vmul.f32 v9, v21  }
0xe5: {  	s13 =	sor.u32 $0x410, s6;
	v11 =	vld [tilespmem:s7+$0xC810];
	v8 =	vmul.f32 $1.131370830e+01, v8  }
0xe6: {  	v13 =	vld [tilespmem:s13+$0x0];
	[tilespmem:s31+$0x120] =	vst v9  }
0xe7: {  	v9 =	vmul.f32 $1.131370830e+01, v10;
	v8 =	vadd.f32 v12, v8;
	v10 =	vld [tilespmem:s10+$0xC820]  }
0xe8: {  	v12 =	vld [tilespmem:s22+$0x420]  }
0xe9: {  	v7 =	vadd.f32 v7, v9;
	v8 =	vmul.f32 v8, v20;
	_ =	sdelay $0x1  }
0xea: {  	v9 =	vadd.f32 v13, v11;
	v7 =	vmul.f32 v7, v17;
	[tilespmem:s31+$0xFFFFFF10] =	vst v8  }
0xeb: {  	v8 =	vld [tilespmem:s8+$0xC810]  }
0xec: {  	v9 =	vmul.f32 v9, v16;
	[tilespmem:s31+$0x10] =	vst v7;
	v7 =	vld [tilespmem:s4+$0x410];
	v10 =	vadd.f32 v12, v10  }
0xed: {  	v11 =	vld [tilespmem:s12+$0xC810]  }
0xee: {  	[tilespmem:s31+$0xFFFFFE90] =	vst v9;
	v9 =	vld [tilespmem:s16+$0x410];
	v10 =	vmul.f32 v10, v15  }
0xef: {  	v12 =	vld [tilespmem:s0+$0xFFFFFF20]  }
0xf0: {  	v13 =	vld [tilespmem:s9+$0x20];
	[tilespmem:s31+$0x1A0] =	vst v10  }
0xf1: {  	v7 =	vadd.f32 v7, v8;
	v8 =	vld [tilespmem:s0+$0xB0];
	_ =	sdelay $0x1  }
0xf2: {  	v10 =	vld [tilespmem:s22+$0x30];
	v9 =	vadd.f32 v9, v11;
	v7 =	vmul.f32 v7, v18  }
0xf3: {  	v11 =	vmul.f32 $1.131370830e+01, v12  }
0xf4: {  	[tilespmem:s31+$0xFFFFFF90] =	vst v7;
	v7 =	vmul.f32 v9, v5  }
0xf5: {  	v9 =	vadd.f32 v13, v11;
	v11 =	vld [tilespmem:s0+$0xFFFFFFA0];
	v8 =	vmul.f32 $1.131370830e+01, v8  }
0xf6: {  	v12 =	vld [tilespmem:s4+$0x20];
	[tilespmem:s31+$0x90] =	vst v7  }
0xf7: {  	v7 =	vmul.f32 v9, v19;
	v9 =	vld [tilespmem:s0+$0x20];
	v8 =	vadd.f32 v10, v8;
	_ =	sdelay $0x1  }
0xf8: {  	v10 =	vld [tilespmem:s16+$0x20];
	[tilespmem:s31+$0xFFFFFE20] =	vst v7;
	v7 =	vmul.f32 v8, v21  }
0xf9: {  	s17 =	sor.u32 $0x420, s6;
	v8 =	vld [tilespmem:s7+$0xC820];
	v11 =	vmul.f32 $1.131370830e+01, v11  }
0xfa: {  	v13 =	vld [tilespmem:s17+$0x0];
	[tilespmem:s31+$0x130] =	vst v7  }
0xfb: {  	v7 =	vadd.f32 v12, v11;
	v9 =	vmul.f32 $1.131370830e+01, v9;
	v11 =	vld [tilespmem:s10+$0xC830]  }
0xfc: {  	v12 =	vld [tilespmem:s22+$0x430]  }
0xfd: {  	v7 =	vmul.f32 v7, v20;
	v9 =	vadd.f32 v10, v9;
	_ =	sdelay $0x1  }
0xfe: {  	v8 =	vadd.f32 v13, v8;
	[tilespmem:s31+$0xFFFFFF20] =	vst v7;
	v7 =	vmul.f32 v9, v17  }
0xff: {  	v9 =	vld [tilespmem:s8+$0xC820]  }
0x100: {  	v8 =	vmul.f32 v8, v16;
	v10 =	vld [tilespmem:s4+$0x420];
	[tilespmem:s31+$0x20] =	vst v7;
	v7 =	vadd.f32 v12, v11  }
0x101: {  	v11 =	vld [tilespmem:s12+$0xC820]  }
0x102: {  	[tilespmem:s31+$0xFFFFFEA0] =	vst v8;
	v8 =	vld [tilespmem:s16+$0x420];
	v7 =	vmul.f32 v7, v15  }
0x103: {  	v12 =	vld [tilespmem:s0+$0xFFFFFF30]  }
0x104: {  	v13 =	vld [tilespmem:s9+$0x30];
	[tilespmem:s31+$0x1B0] =	vst v7  }
0x105: {  	v7 =	vadd.f32 v10, v9;
	v9 =	vld [tilespmem:s0+$0xC0];
	_ =	sdelay $0x1  }
0x106: {  	v10 =	vld [tilespmem:s22+$0x40];
	v7 =	vmul.f32 v7, v18;
	v8 =	vadd.f32 v8, v11  }
0x107: {  	v11 =	vmul.f32 $1.131370830e+01, v12  }
0x108: {  	[tilespmem:s31+$0xFFFFFFA0] =	vst v7;
	v7 =	vmul.f32 v8, v5  }
0x109: {  	v8 =	vadd.f32 v13, v11;
	v11 =	vld [tilespmem:s0+$0xFFFFFFB0];
	v9 =	vmul.f32 $1.131370830e+01, v9  }
0x10a: {  	v12 =	vld [tilespmem:s4+$0x30];
	[tilespmem:s31+$0xA0] =	vst v7  }
0x10b: {  	v7 =	vmul.f32 v8, v19;
	v8 =	vld [tilespmem:s0+$0x30];
	v9 =	vadd.f32 v10, v9;
	_ =	sdelay $0x1  }
0x10c: {  	s19 =	sor.u32 $0x430, s6;
	v10 =	vld [tilespmem:s16+$0x30];
	[tilespmem:s31+$0xFFFFFE30] =	vst v7;
	v7 =	vmul.f32 v9, v21  }
0x10d: {  	v13 =	vld [tilespmem:s19+$0x0];
	v11 =	vmul.f32 $1.131370830e+01, v11  }
0x10e: {  	v9 =	vld [tilespmem:s7+$0xC830];
	[tilespmem:s31+$0x140] =	vst v7  }
0x10f: {  	v7 =	vadd.f32 v12, v11;
	v8 =	vmul.f32 $1.131370830e+01, v8;
	v11 =	vld [tilespmem:s10+$0xC840]  }
0x110: {  	v12 =	vld [tilespmem:s22+$0x440]  }
0x111: {  	v7 =	vmul.f32 v7, v20;
	v8 =	vadd.f32 v10, v8;
	_ =	sdelay $0x1  }
0x112: {  	v9 =	vadd.f32 v13, v9;
	[tilespmem:s31+$0xFFFFFF30] =	vst v7;
	v7 =	vmul.f32 v8, v17  }
0x113: {  	v8 =	vld [tilespmem:s8+$0xC830]  }
0x114: {  	v9 =	vmul.f32 v9, v16;
	v10 =	vld [tilespmem:s4+$0x430];
	[tilespmem:s31+$0x30] =	vst v7;
	v7 =	vadd.f32 v12, v11  }
0x115: {  	v11 =	vld [tilespmem:s12+$0xC830]  }
0x116: {  	[tilespmem:s31+$0xFFFFFEB0] =	vst v9;
	v9 =	vld [tilespmem:s16+$0x430];
	v7 =	vmul.f32 v7, v15  }
0x117: {  	v12 =	vld [tilespmem:s0+$0xFFFFFF40]  }
0x118: {  	v13 =	vld [tilespmem:s9+$0x40];
	[tilespmem:s31+$0x1C0] =	vst v7  }
0x119: {  	v8 =	vadd.f32 v10, v8;
	v7 =	vld [tilespmem:s0+$0xD0];
	_ =	sdelay $0x1  }
0x11a: {  	v10 =	vld [tilespmem:s22+$0x50];
	v8 =	vmul.f32 v8, v18  }
0x11b: {  	v9 =	vadd.f32 v9, v11;
	v11 =	vmul.f32 $1.131370830e+01, v12  }
0x11c: {  	[tilespmem:s31+$0xFFFFFFB0] =	vst v8  }
0x11d: {  	s23 =	simm.s32 $0x18804;
	v8 =	vmul.f32 v9, v5;
	v9 =	vadd.f32 v13, v11;
	v11 =	vld [tilespmem:s0+$0xFFFFFFC0];
	v7 =	vmul.f32 $1.131370830e+01, v7  }
0x11e: {  	v22 =	vld.idx.msk [tilespmem:v6+s23+$0xFFFFFFFE ss:$0x1], $0xffff  }
0x11f: {  	v12 =	vld [tilespmem:s4+$0x40];
	[tilespmem:s31+$0xB0] =	vst v8;
	v8 =	vmul.f32 v9, v19;
	v7 =	vadd.f32 v10, v7  }
0x120: {  	v9 =	vld [tilespmem:s0+$0x40]  }
0x121: {  	v10 =	vld [tilespmem:s16+$0x40];
	[tilespmem:s31+$0xFFFFFE40] =	vst v8;
	v7 =	vmul.f32 v7, v21  }
0x122: {  	s21 =	sor.u32 $0x440, s6;
	v8 =	vld [tilespmem:s7+$0xC840];
	v11 =	vmul.f32 $1.131370830e+01, v11  }
0x123: {  	v13 =	vld [tilespmem:s21+$0x0];
	[tilespmem:s31+$0x150] =	vst v7  }
0x124: {  	v11 =	vadd.f32 v12, v11;
	v7 =	vld [tilespmem:s10+$0xC850]  }
0x125: {  	s11 =	sadd.s32 $0x200, s0;
	v9 =	vmul.f32 $1.131370830e+01, v9;
	v12 =	vld [tilespmem:s22+$0x450]  }
0x126: {  	v25 =	vld [tilespmem:s11+$0xFFFFFF00];
	v11 =	vmul.f32 v11, v20  }
0x127: {  	v26 =	vld [tilespmem:s11+$0xFFFFFF80];
	v9 =	vadd.f32 v10, v9  }
0x128: {  	v27 =	vld [tilespmem:s11+$0x0];
	[tilespmem:s31+$0xFFFFFF40] =	vst v11  }
0x129: {  	v8 =	vadd.f32 v13, v8;
	v9 =	vmul.f32 v9, v17;
	v10 =	vld [tilespmem:s8+$0xC840]  }
0x12a: {  	v11 =	vld [tilespmem:s4+$0x440];
	v7 =	vadd.f32 v12, v7  }
0x12b: {  	s30 =	sadd.s32 $0x400, s1;
	s13 =	simm.s32 $0x380;
	s19 =	simm.s32 $0x200;
	v8 =	vmul.f32 v8, v16;
	[tilespmem:s31+$0x40] =	vst v9;
	v12 =	vld.idx.msk [tilespmem:v6+s23+$0x0 ss:$0x1], $0xffff  }
0x12c: {  	s29 =	sand.u32 $0x3F800, s30;
	s17 =	sand.u32 $0x380, s13;
	s2 =	sand.u32 $0x200, s19;
	v9 =	vld [tilespmem:s12+$0xC840];
	v7 =	vmul.f32 v7, v15  }
0x12d: {  	s1 =	sor.u32 s17, s29;
	s17 =	simm.s32 $0x280;
	s28 =	sor.u32 s2, s29;
	[tilespmem:s31+$0xFFFFFEC0] =	vst v8;
	v8 =	vld [tilespmem:s16+$0x440]  }
0x12e: {  	s17 =	sand.u32 $0x280, s17;
	v28 =	vld [tilespmem:s28+$0x0];
	[tilespmem:s31+$0x1D0] =	vst v7  }
0x12f: {  	s2 =	sor.u32 s17, s29;
	v7 =	vld [tilespmem:s0+$0xE0]  }
0x130: {  	v29 =	vld [tilespmem:s2+$0x0];
	v10 =	vadd.f32 v11, v10  }
0x131: {  	v11 =	vld [tilespmem:s22+$0x60];
	(v2sf) =	vpush v12, $0x0  }
0x132: {  	v8 =	vadd.f32 v8, v9;
	v9 =	vmul.f32 v10, v18;
	v10 =	vld.idx.msk [tilespmem:v6+s23+$0xFFFFFFFD ss:$0x1], $0xffff  }
0x133: {  	v13 =	vld [tilespmem:s0+$0xFFFFFF50]  }
0x134: {  	v14 =	vld [tilespmem:s9+$0x50];
	v8 =	vmul.f32 v8, v5;
	v7 =	vmul.f32 $1.131370830e+01, v7  }
0x135: {  	v12 =	vld [tilespmem:s1+$0x0]  }
0x136: {  	[tilespmem:s31+$0xC0] =	vst v8;
	v8 =	vld [tilespmem:s11+$0x80];
	v7 =	vadd.f32 v11, v7  }
0x137: {  	[tilespmem:s31+$0xFFFFFFC0] =	vst v9;
	v9 =	vld.idx.msk [tilespmem:v6+s23+$0xFFFFFFFF ss:$0x1], $0xffff;
	(v2sf) =	vpush v10, $0x0  }
0x138: {  	v24 =	vld [tilespmem:s0+$0xFFFFFFD0];
	v11 =	vmul.f32 v7, v21  }
0x139: {  	s24 =	sadd.s32 $0x18404, s20;
	v23 =	vld [tilespmem:s0+$0x50]  }
0x13a: {  	s19 =	simm.s32 $0x300;
	v7 =	vld.msk [tilespmem:s24+$0x0 ss:$0x0], $0xffff;
	[tilespmem:s31+$0x160] =	vst v11  }
0x13b: {  	s21 =	sand.u32 $0x300, s19;
	v8 =	vmul.f32 $1.131370830e+01, v8;
	v11 =	vld [tilespmem:s10+$0xC860]  }
0x13c: {  	s17 =	sor.u32 s21, s29;
	v44 =	vmul.f32 $1.131370830e+01, v13;
	(v2sf) =	vpush v22, $0x0;
	v10 =	vld [tilespmem:s22+$0x460]  }
0x13d: {  	v22 =	vld [tilespmem:s17+$0x0];
	(v2sf) =	vpush v9, $0x0;
	v9 =	vmul.f32 $1.131370830e+01, v25;
	v8 =	vadd.f32 v12, v8;
	[dreg:$0xa] =	wrdreg s20  }
0x13e: {  	s20 =	sadd.s32 $0x18604, s20;
	v13 =	vld.msk [tilespmem:s24+$0xFFFFFFFF ss:$0x0], $0xffff  }
0x13f: {  	v9 =	vadd.f32 v28, v9;
	v28 =	vadd.f32 v14, v44;
	v14 =	vld.msk [tilespmem:s20+$0xFFFFFFFF ss:$0x0], $0xffff;
	v12 =	vmul.f32 v8, v7  }
0x140: {  	s3 =	sadd.s32 $0x400, s31;
	v8 =	vld.msk [tilespmem:s20+$0x0 ss:$0x0], $0xffff;
	s23 =	spop (v2sf)  }
0x141: {  	[tilespmem:s3+$0x100] =	vst v12;
	s19 =	sshll.u32 s23, $0x9;
	v10 =	vadd.f32 v10, v11;
	v11 =	vld.msk [tilespmem:s24+$0xFFFFFFFD ss:$0x0], $0xffff  }
0x142: {  	v30 =	vld [tilespmem:s1+$0x400];
	s19 =	sshra.s32 s19, $0x2  }
0x143: {  	v43 =	vld [tilespmem:s19+$0xC800]  }
0x144: {  	v27 =	vmul.f32 $1.131370830e+01, v27;
	v47 =	vld [tilespmem:s4+$0x50];
	v10 =	vmul.f32 v10, v15  }
0x145: {  	p1 =	por !p1, !p1;
	s21 =	simm.s32 $0x1;
	v55 =	vld [tilespmem:s16+$0x50]  }
0x146: {  	s21 =	simm.s32 @!p1 $0x0;
	v22 =	vadd.f32 v22, v27;
	v12 =	vld.msk [tilespmem:s24+$0xFFFFFFFE ss:$0x0], $0xffff;
	[tilespmem:s31+$0x1E0] =	vst v10;
	s24 =	spop (v2sf);
	v32 =	vmul.f32 v9, v11  }
0x147: {  	s21 =	sshll.u32 s21, $0x9;
	v10 =	vld [tilespmem:s0+$0xF0];
	s5 =	sshll.u32 s24, $0x9  }
0x148: {  	s23 =	sadd.s32 s21, s30;
	v22 =	vmul.f32 v22, v13;
	v9 =	vld.msk [tilespmem:s20+$0xFFFFFFFD ss:$0x0], $0xffff;
	s21 =	sshra.s32 s5, $0x2;
	v25 =	vadd.f32 v30, v43;
	[tilespmem:s3+$0xFFFFFE00] =	vst v32  }
0x149: {  	v26 =	vmul.f32 $1.131370830e+01, v26;
	s29 =	sor.u32 $0x400, s23;
	v45 =	vld [tilespmem:s21+$0xC800]  }
0x14a: {  	[tilespmem:s3+$0x0] =	vst v22;
	v46 =	vld [tilespmem:s29+$0x0];
	v25 =	vmul.f32 v25, v8  }
0x14b: {  	v26 =	vadd.f32 v29, v26;
	v28 =	vmul.f32 v28, v19;
	v53 =	vld [tilespmem:s17+$0x400]  }
0x14c: {  	v33 =	vmul.f32 $1.131370830e+01, v10;
	v10 =	vld.msk [tilespmem:s20+$0xFFFFFFFE ss:$0x0], $0xffff;
	[tilespmem:s3+$0x180] =	vst v25  }
0x14d: {  	[tilespmem:s31+$0xFFFFFE50] =	vst v28;
	v26 =	vmul.f32 v26, v12;
	s20 =	sor.u32 $0x450, s6;
	v25 =	vld [tilespmem:s11+$0x90]  }
0x14e: {  	s24 =	spop (v2sf);
	v48 =	vld [tilespmem:s20+$0x0]  }
0x14f: {  	s5 =	sshll.u32 s24, $0x9;
	s29 =	spop (v2sf);
	[tilespmem:s3+$0xFFFFFF00] =	vst v26;
	v22 =	vld [tilespmem:s1+$0x10];
	v49 =	vadd.f32 v46, v45  }
0x150: {  	v24 =	vmul.f32 $1.131370830e+01, v24;
	s24 =	sshll.u32 s29, $0x9;
	s20 =	sshra.s32 s5, $0x2;
	v52 =	vld [tilespmem:s2+$0x400]  }
0x151: {  	s24 =	sshra.s32 s24, $0x2;
	v50 =	vld [tilespmem:s20+$0xC800];
	v26 =	vmul.f32 v49, v9  }
0x152: {  	v24 =	vadd.f32 v47, v24;
	v51 =	vld [tilespmem:s24+$0xC800];
	v25 =	vmul.f32 $1.131370830e+01, v25  }
0x153: {  	v57 =	vld [tilespmem:s7+$0xC850];
	[tilespmem:s3+$0xFFFFFE80] =	vst v26  }
0x154: {  	v24 =	vmul.f32 v24, v20;
	v54 =	vld [tilespmem:s11+$0xFFFFFF10];
	v22 =	vadd.f32 v22, v25  }
0x155: {  	v31 =	vld [tilespmem:s22+$0x70]  }
0x156: {  	[tilespmem:s31+$0xFFFFFF50] =	vst v24;
	v29 =	vadd.f32 v52, v50;
	v56 =	vld [tilespmem:s28+$0x10];
	v22 =	vmul.f32 v22, v7  }
0x157: {  	v23 =	vmul.f32 $1.131370830e+01, v23;
	v58 =	vld [tilespmem:s8+$0xC850];
	v26 =	vadd.f32 v53, v51  }
0x158: {  	v37 =	vld [tilespmem:s4+$0x450];
	v29 =	vmul.f32 v29, v10;
	[tilespmem:s3+$0x110] =	vst v22  }
0x159: {  	v23 =	vadd.f32 v55, v23;
	v26 =	vmul.f32 v26, v14;
	v28 =	vmul.f32 $1.131370830e+01, v54;
	v59 =	vld [tilespmem:s19+$0xC810]  }
0x15a: {  	[tilespmem:s3+$0xFFFFFF80] =	vst v29;
	v60 =	vld [tilespmem:s1+$0x410]  }
0x15b: {  	v23 =	vmul.f32 v23, v17;
	[tilespmem:s3+$0x80] =	vst v26;
	v29 =	vld [tilespmem:s11+$0xFFFFFF90];
	v25 =	vadd.f32 v56, v28  }
0x15c: {  	v26 =	vld [tilespmem:s11+$0x10]  }
0x15d: {  	[tilespmem:s31+$0x50] =	vst v23;
	v31 =	vadd.f32 v31, v33;
	v61 =	vld [tilespmem:s2+$0x10];
	v25 =	vmul.f32 v25, v11  }
0x15e: {  	v38 =	vld [tilespmem:s12+$0xC850]  }
0x15f: {  	v21 =	vmul.f32 v31, v21;
	v62 =	vld [tilespmem:s17+$0x10];
	v28 =	vadd.f32 v60, v59;
	[tilespmem:s3+$0xFFFFFE10] =	vst v25  }
0x160: {  	s29 =	sor.u32 $0x410, s23;
	v24 =	vadd.f32 v48, v57;
	v29 =	vmul.f32 $1.131370830e+01, v29;
	v63 =	vld [tilespmem:s21+$0xC810]  }
0x161: {  	[tilespmem:s31+$0x170] =	vst v21;
	v36 =	vld [tilespmem:s29+$0x0];
	v23 =	vmul.f32 v28, v8  }
0x162: {  	v21 =	vld [tilespmem:s10+$0xC870];
	v24 =	vmul.f32 v24, v16;
	v26 =	vmul.f32 $1.131370830e+01, v26;
	v29 =	vadd.f32 v61, v29  }
0x163: {  	[tilespmem:s3+$0x190] =	vst v23;
	v23 =	vld [tilespmem:s16+$0x450]  }
0x164: {  	[tilespmem:s31+$0xFFFFFED0] =	vst v24;
	v39 =	vadd.f32 v62, v26;
	v40 =	vmul.f32 v29, v12;
	v41 =	vld [tilespmem:s11+$0xA0]  }
0x165: {  	v42 =	vld [tilespmem:s0+$0xFFFFFF60]  }
0x166: {  	v24 =	vmul.f32 v39, v13;
	[tilespmem:s3+$0xFFFFFF10] =	vst v40;
	v43 =	vld [tilespmem:s1+$0x20];
	v27 =	vadd.f32 v36, v63  }
0x167: {  	v44 =	vld [tilespmem:s20+$0xC810]  }
0x168: {  	[tilespmem:s3+$0x10] =	vst v24;
	v45 =	vld [tilespmem:s2+$0x410];
	v27 =	vmul.f32 v27, v9  }
0x169: {  	v46 =	vld [tilespmem:s24+$0xC810];
	v23 =	vadd.f32 v23, v38;
	v26 =	vmul.f32 $1.131370830e+01, v41  }
0x16a: {  	v28 =	vadd.f32 v37, v58;
	v47 =	vld [tilespmem:s17+$0x410];
	[tilespmem:s3+$0xFFFFFE90] =	vst v27  }
0x16b: {  	v23 =	vmul.f32 v23, v5;
	v48 =	vld [tilespmem:s11+$0xFFFFFF20];
	v25 =	vadd.f32 v43, v26  }
0x16c: {  	v53 =	vld [tilespmem:s9+$0x60];
	v28 =	vmul.f32 v28, v18  }
0x16d: {  	v49 =	vld [tilespmem:s28+$0x20];
	[tilespmem:s31+$0xD0] =	vst v23;
	v23 =	vadd.f32 v45, v44;
	v50 =	vmul.f32 v25, v7  }
0x16e: {  	v22 =	vld [tilespmem:s22+$0x470];
	[tilespmem:s31+$0xFFFFFFD0] =	vst v28  }
0x16f: {  	v51 =	vld [tilespmem:s0+$0xFFFFFFE0];
	v27 =	vadd.f32 v47, v46;
	v23 =	vmul.f32 v23, v10;
	[tilespmem:s3+$0x120] =	vst v50  }
0x170: {  	v54 =	vmul.f32 $1.131370830e+01, v48;
	v55 =	vld [tilespmem:s19+$0xC820]  }
0x171: {  	[tilespmem:s3+$0xFFFFFF90] =	vst v23;
	v23 =	vmul.f32 v27, v14;
	v56 =	vld [tilespmem:s1+$0x420]  }
0x172: {  	v29 =	vmul.f32 $1.131370830e+01, v42;
	v57 =	vld [tilespmem:s11+$0xFFFFFFA0];
	v26 =	vadd.f32 v49, v54  }
0x173: {  	v58 =	vld [tilespmem:s2+$0x20];
	[tilespmem:s3+$0x90] =	vst v23  }
0x174: {  	v24 =	vadd.f32 v53, v29;
	v59 =	vld [tilespmem:s11+$0x20];
	v23 =	vmul.f32 v26, v11  }
0x175: {  	v61 =	vld [tilespmem:s4+$0x60]  }
0x176: {  	v24 =	vmul.f32 v24, v19;
	v60 =	vld [tilespmem:s17+$0x20];
	[tilespmem:s3+$0xFFFFFE20] =	vst v23;
	v23 =	vadd.f32 v56, v55  }
0x177: {  	s10 =	sor.u32 $0x420, s23;
	v30 =	vmul.f32 $1.131370830e+01, v57;
	v62 =	vld [tilespmem:s21+$0xC820]  }
0x178: {  	s22 =	sor.u32 $0x460, s6;
	[tilespmem:s31+$0xFFFFFE60] =	vst v24;
	v63 =	vld [tilespmem:s10+$0x0];
	v23 =	vmul.f32 v23, v8  }
0x179: {  	v39 =	vld [tilespmem:s22+$0x0];
	v36 =	vadd.f32 v58, v30;
	v26 =	vmul.f32 $1.131370830e+01, v59  }
0x17a: {  	v52 =	vld [tilespmem:s0+$0x60];
	[tilespmem:s3+$0x1A0] =	vst v23  }
0x17b: {  	v24 =	vmul.f32 v36, v12;
	v26 =	vadd.f32 v60, v26;
	v38 =	vld [tilespmem:s11+$0xB0]  }
0x17c: {  	v37 =	vld [tilespmem:s16+$0x60];
	v25 =	vmul.f32 $1.131370830e+01, v51  }
0x17d: {  	v41 =	vld [tilespmem:s1+$0x30];
	v31 =	vadd.f32 v63, v62;
	[tilespmem:s3+$0xFFFFFF20] =	vst v24;
	v40 =	vmul.f32 v26, v13  }
0x17e: {  	v25 =	vadd.f32 v61, v25;
	v42 =	vld [tilespmem:s20+$0xC820]  }
0x17f: {  	v44 =	vld [tilespmem:s2+$0x420];
	v43 =	vmul.f32 v31, v9;
	[tilespmem:s3+$0x20] =	vst v40  }
0x180: {  	v25 =	vmul.f32 v25, v20;
	v24 =	vld [tilespmem:s24+$0xC820];
	v29 =	vmul.f32 $1.131370830e+01, v38  }
0x181: {  	v45 =	vld [tilespmem:s17+$0x420];
	[tilespmem:s3+$0xFFFFFEA0] =	vst v43  }
0x182: {  	[tilespmem:s31+$0xFFFFFF60] =	vst v25;
	v46 =	vld [tilespmem:s11+$0xFFFFFF30];
	v26 =	vadd.f32 v41, v29  }
0x183: {  	v50 =	vld [tilespmem:s8+$0xC860]  }
0x184: {  	v48 =	vld [tilespmem:s28+$0x30];
	v49 =	vadd.f32 v44, v42;
	v26 =	vmul.f32 v26, v7  }
0x185: {  	v28 =	vmul.f32 $1.131370830e+01, v52;
	v51 =	vld [tilespmem:s4+$0x460]  }
0x186: {  	v23 =	vld [tilespmem:s7+$0xC860];
	v29 =	vmul.f32 v49, v10;
	v24 =	vadd.f32 v45, v24;
	[tilespmem:s3+$0x130] =	vst v26  }
0x187: {  	v28 =	vadd.f32 v37, v28;
	v53 =	vmul.f32 $1.131370830e+01, v46;
	v54 =	vld [tilespmem:s19+$0xC830]  }
0x188: {  	[tilespmem:s3+$0xFFFFFFA0] =	vst v29;
	v24 =	vmul.f32 v24, v14;
	v55 =	vld [tilespmem:s1+$0x430]  }
0x189: {  	v47 =	vmul.f32 v28, v17;
	v56 =	vld [tilespmem:s11+$0xFFFFFFB0];
	v27 =	vadd.f32 v48, v53  }
0x18a: {  	v57 =	vld [tilespmem:s2+$0x30];
	[tilespmem:s3+$0xA0] =	vst v24  }
0x18b: {  	[tilespmem:s31+$0x60] =	vst v47;
	v23 =	vadd.f32 v39, v23;
	v59 =	vld [tilespmem:s11+$0x30];
	v58 =	vmul.f32 v27, v11  }
0x18c: {  	v52 =	vld [tilespmem:s12+$0xC860];
	v25 =	vadd.f32 v51, v50  }
0x18d: {  	v23 =	vmul.f32 v23, v16;
	v60 =	vld [tilespmem:s17+$0x30];
	[tilespmem:s3+$0xFFFFFE30] =	vst v58;
	v61 =	vadd.f32 v55, v54  }
0x18e: {  	s29 =	sor.u32 $0x430, s23;
	v25 =	vmul.f32 v25, v18;
	v28 =	vmul.f32 $1.131370830e+01, v56;
	v63 =	vld [tilespmem:s21+$0xC830]  }
0x18f: {  	[tilespmem:s31+$0xFFFFFEE0] =	vst v23;
	v23 =	vld [tilespmem:s29+$0x0];
	v24 =	vmul.f32 v61, v8  }
0x190: {  	v62 =	vld [tilespmem:s16+$0x460];
	[tilespmem:s31+$0xFFFFFFE0] =	vst v25;
	v36 =	vadd.f32 v57, v28;
	v27 =	vmul.f32 $1.131370830e+01, v59  }
0x191: {  	v38 =	vld [tilespmem:s0+$0xFFFFFFF0];
	[tilespmem:s3+$0x1B0] =	vst v24  }
0x192: {  	v25 =	vmul.f32 v36, v12;
	v27 =	vadd.f32 v60, v27;
	v39 =	vld [tilespmem:s11+$0xC0]  }
0x193: {  	v37 =	vld [tilespmem:s0+$0xFFFFFF70]  }
0x194: {  	v42 =	vld [tilespmem:s1+$0x40];
	v23 =	vadd.f32 v23, v63;
	[tilespmem:s3+$0xFFFFFF30] =	vst v25;
	v41 =	vmul.f32 v27, v13  }
0x195: {  	v43 =	vld [tilespmem:s20+$0xC830]  }
0x196: {  	v44 =	vld [tilespmem:s2+$0x430];
	v23 =	vmul.f32 v23, v9;
	[tilespmem:s3+$0x30] =	vst v41  }
0x197: {  	v25 =	vld [tilespmem:s24+$0xC830];
	v31 =	vmul.f32 $1.131370830e+01, v39  }
0x198: {  	v26 =	vadd.f32 v62, v52;
	[tilespmem:s3+$0xFFFFFEB0] =	vst v23;
	v23 =	vld [tilespmem:s17+$0x430]  }
0x199: {  	v40 =	vld [tilespmem:s9+$0x70];
	v27 =	vadd.f32 v42, v31  }
0x19a: {  	v26 =	vmul.f32 v26, v5;
	v45 =	vld [tilespmem:s11+$0xFFFFFF40]  }
0x19b: {  	v48 =	vld [tilespmem:s4+$0x70];
	v29 =	vadd.f32 v44, v43;
	v27 =	vmul.f32 v27, v7  }
0x19c: {  	[tilespmem:s31+$0xE0] =	vst v26;
	v46 =	vld [tilespmem:s28+$0x40]  }
0x19d: {  	v47 =	vld [tilespmem:s0+$0x70];
	v28 =	vmul.f32 $1.131370830e+01, v37;
	v29 =	vmul.f32 v29, v10;
	v23 =	vadd.f32 v23, v25;
	[tilespmem:s3+$0x140] =	vst v27  }
0x19e: {  	v51 =	vld [tilespmem:s19+$0xC840]  }
0x19f: {  	v28 =	vadd.f32 v40, v28;
	v50 =	vmul.f32 $1.131370830e+01, v45;
	[tilespmem:s3+$0xFFFFFFB0] =	vst v29;
	v23 =	vmul.f32 v23, v14;
	v52 =	vld [tilespmem:s1+$0x440]  }
0x1a0: {  	v53 =	vld [tilespmem:s11+$0xFFFFFFC0]  }
0x1a1: {  	v24 =	vmul.f32 $1.131370830e+01, v38;
	v19 =	vmul.f32 v28, v19;
	v54 =	vld [tilespmem:s2+$0x40];
	v26 =	vadd.f32 v46, v50;
	[tilespmem:s3+$0xB0] =	vst v23  }
0x1a2: {  	v55 =	vld [tilespmem:s11+$0x40]  }
0x1a3: {  	v49 =	vld [tilespmem:s16+$0x70];
	[tilespmem:s31+$0xFFFFFE70] =	vst v19;
	v19 =	vadd.f32 v48, v24;
	v23 =	vmul.f32 v26, v11  }
0x1a4: {  	v56 =	vld [tilespmem:s17+$0x40]  }
0x1a5: {  	v57 =	vld [tilespmem:s7+$0xC870];
	v19 =	vmul.f32 v19, v20;
	[tilespmem:s3+$0xFFFFFE40] =	vst v23;
	v27 =	vmul.f32 $1.131370830e+01, v53  }
0x1a6: {  	s10 =	sor.u32 $0x440, s23;
	v23 =	vadd.f32 v52, v51;
	v20 =	vld [tilespmem:s21+$0xC840]  }
0x1a7: {  	s22 =	sor.u32 $0x470, s6;
	[tilespmem:s31+$0xFFFFFF70] =	vst v19;
	v58 =	vld [tilespmem:s10+$0x0];
	v19 =	vadd.f32 v54, v27;
	v26 =	vmul.f32 $1.131370830e+01, v55  }
0x1a8: {  	v59 =	vld [tilespmem:s22+$0x0];
	v23 =	vmul.f32 v23, v8  }
0x1a9: {  	v61 =	vld [tilespmem:s4+$0x470];
	v19 =	vmul.f32 v19, v12;
	v24 =	vadd.f32 v56, v26  }
0x1aa: {  	[tilespmem:s3+$0x1C0] =	vst v23;
	v23 =	vld [tilespmem:s8+$0xC870]  }
0x1ab: {  	v60 =	vld [tilespmem:s11+$0xD0];
	[tilespmem:s3+$0xFFFFFF40] =	vst v19;
	v19 =	vmul.f32 v24, v13  }
0x1ac: {  	v62 =	vld [tilespmem:s1+$0x50];
	v20 =	vadd.f32 v58, v20  }
0x1ad: {  	v21 =	vadd.f32 v22, v21;
	v22 =	vld [tilespmem:s20+$0xC840];
	[tilespmem:s3+$0x40] =	vst v19  }
0x1ae: {  	v63 =	vld [tilespmem:s2+$0x440];
	v20 =	vmul.f32 v20, v9;
	[dreg:$0x1e] =	wrdreg s25  }
0x1af: {  	v30 =	vmul.f32 $1.131370830e+01, v47;
	v19 =	vld [tilespmem:s24+$0xC840];
	[dreg:$0x1f] =	wrdreg s26  }
0x1b0: {  	v15 =	vmul.f32 v21, v15;
	s29 =	sadd.s32 s14, s18;
	s25 =	smul.u32 $0xA000, s25;
	[tilespmem:s3+$0xFFFFFEC0] =	vst v20  }
0x1b1: {  	v25 =	vadd.f32 v49, v30;
	s26 =	smul.u32 $0x28, s26;
	v21 =	vld [tilespmem:s17+$0x440];
	[smem:$0x7FA] =	sst s29  }
0x1b2: {  	[tilespmem:s31+$0x1F0] =	vst v15  }
0x1b3: {  	v25 =	vmul.f32 v25, v17;
	v27 =	vadd.f32 v59, v57;
	s0 =	sshrl.u32 s25, $0x2;
	s4 =	sadd.s32 s26, s15;
	v17 =	vld [tilespmem:s11+$0xFFFFFF50];
	[smem:$0x7FB] =	sst s26  }
0x1b4: {  	v23 =	vadd.f32 v61, v23;
	v26 =	vmul.f32 $1.131370830e+01, v60;
	s0 =	sadd.s32 $0x13400, s0;
	[smem:$0x7FC] =	sst s4  }
0x1b5: {  	v15 =	vmul.f32 v27, v16;
	[smem:$0x7FD] =	sst s0  }
0x1b6: {  	s6 =	simm.s32 $0x18404;
	s9 =	simm.s32 $0x18808;
	v23 =	vmul.f32 v23, v18;
	v16 =	vadd.f32 v62, v26;
	[tilespmem:s31+$0x70] =	vst v25;
	v20 =	vld [tilespmem:s28+$0x50]  }
0x1b7: {  	s18 =	sor.u32 $0x450, s23;
	s7 =	simm.s32 $0x4;
	s8 =	simm.s32 $0x18604;
	[tilespmem:s31+$0xFFFFFEF0] =	vst v15;
	v15 =	vld [tilespmem:s12+$0xC870]  }
0x1b8: {  	v22 =	vadd.f32 v63, v22;
	s4 =	sor.u32 $0x460, s23;
	s0 =	sor.u32 $0x470, s23;
	v18 =	vmul.f32 v16, v7;
	[tilespmem:s31+$0xFFFFFFF0] =	vst v23;
	v16 =	vld [tilespmem:s16+$0x470];
	s16 =	smov.u32 s11  }
.LBB2_5:
0x1b9: {  	_ = 	snop  }
0x1ba: {  	v23 =	vld.idx.msk [tilespmem:v6+s9+$0x0 ss:$0x1], $0xffff;
	v22 =	vmul.f32 v22, v10;
	[tilespmem:s3+$0x150] =	vst v18  }
0x1bb: {  	v18 =	vld [tilespmem:s19+$0xC850];
	v17 =	vmul.f32 $1.131370830e+01, v17;
	v19 =	vadd.f32 v21, v19  }
0x1bc: {  	[tilespmem:s3+$0xFFFFFFC0] =	vst v22;
	v22 =	vld.idx.msk [tilespmem:v6+s9+$0xFFFFFFFD ss:$0x1], $0xffff  }
0x1bd: {  	v21 =	vld [tilespmem:s1+$0x450];
	v17 =	vadd.f32 v20, v17;
	v19 =	vmul.f32 v19, v14  }
0x1be: {  	v15 =	vadd.f32 v16, v15;
	v20 =	vld.idx.msk [tilespmem:v6+s9+$0xFFFFFFFE ss:$0x1], $0xffff  }
0x1bf: {  	v17 =	vmul.f32 v17, v11;
	[tilespmem:s3+$0xC0] =	vst v19;
	v19 =	vld [tilespmem:s11+$0xFFFFFFD0]  }
0x1c0: {  	v15 =	vmul.f32 v15, v5;
	v16 =	vld.idx.msk [tilespmem:v6+s9+$0xFFFFFFFF ss:$0x1], $0xffff  }
0x1c1: {  	v5 =	vmov v14;
	[tilespmem:s3+$0xFFFFFE50] =	vst v17;
	v14 =	vld [tilespmem:s11+$0x50]  }
0x1c2: {  	[dreg:$0x10] =	wrdreg s4;
	v17 =	vadd.f32 v21, v18;
	v18 =	vld [tilespmem:s2+$0x50];
	[tilespmem:s31+$0xF0] =	vst v15  }
0x1c3: {  	s6 =	sadd.s32 $0x4, s6;
	s4 =	rddreg [dreg:$0xa];
	(v2sf) =	vpush v23, $0x0;
	s11 =	sadd.s32 $0x200, s11;
	v15 =	vld [tilespmem:s17+$0x50]  }
0x1c4: {  	s22 =	sadd.s32 s4, s6;
	(v2sf) =	vpush v22, $0x0;
	v21 =	vld [tilespmem:s11+$0x80]  }
0x1c5: {  	(v2sf) =	vpush v20, $0x0;
	v20 =	vld.msk [tilespmem:s22+$0x0 ss:$0x0], $0xffff;
	v17 =	vmul.f32 v17, v8  }
0x1c6: {  	s30 =	sadd.s32 $0x400, s30;
	s13 =	sadd.s32 $0x200, s13;
	v22 =	vld [tilespmem:s11+$0xFFFFFF80]  }
0x1c7: {  	s5 =	sand.u32 $0x3F800, s30;
	s10 =	sand.u32 $0x380, s13;
	v23 =	vld [tilespmem:s11+$0x0];
	[tilespmem:s3+$0x1D0] =	vst v17  }
0x1c8: {  	s29 =	sor.u32 s10, s5;
	(v2sf) =	vpush v16, $0x0;
	v16 =	vmul.f32 $1.131370830e+01, v19;
	v14 =	vmul.f32 $1.131370830e+01, v14;
	v17 =	vld [tilespmem:s16+$0xE0]  }
0x1c9: {  	[dreg:$0xc] =	wrdreg s0;
	p1 =	por !p1, !p1;
	s0 =	simm.s32 $0x1;
	v19 =	vld [tilespmem:s29+$0x0]  }
0x1ca: {  	s8 =	sadd.s32 $0x4, s8;
	s0 =	simm.s32 @!p1 $0x0;
	v16 =	vadd.f32 v18, v16;
	v14 =	vadd.f32 v15, v14;
	v15 =	vld [tilespmem:s1+$0x60]  }
0x1cb: {  	[dreg:$0xb] =	wrdreg s30;
	s14 =	sadd.s32 $0xFFFFFE80, s13;
	s15 =	sadd.s32 $0xFFFFFF00, s13;
	v18 =	vld [tilespmem:s11+$0xFFFFFF00]  }
0x1cc: {  	s23 =	sadd.s32 $0xFFFFFF80, s13;
	s4 =	sadd.s32 s4, s8;
	s25 =	sand.u32 $0x200, s14;
	v21 =	vmul.f32 $1.131370830e+01, v21;
	v16 =	vmul.f32 v16, v12  }
0x1cd: {  	s0 =	sshll.u32 s0, $0x9;
	s26 =	sand.u32 $0x280, s15;
	s25 =	sor.u32 s25, s5;
	v14 =	vmul.f32 v14, v13;
	v17 =	vmul.f32 $1.131370830e+01, v17  }
0x1ce: {  	s12 =	sand.u32 $0x300, s23;
	s15 =	sor.u32 s26, s5;
	s0 =	sadd.s32 s0, s30;
	v24 =	vld [tilespmem:s25+$0x0];
	v19 =	vadd.f32 v19, v21;
	[tilespmem:s3+$0xFFFFFF50] =	vst v16  }
0x1cf: {  	s30 =	sor.u32 s12, s5;
	s5 =	smov.u32 s28;
	s26 =	sor.u32 $0x400, s0;
	v21 =	vmul.f32 $1.131370830e+01, v22;
	v22 =	vmul.f32 $1.131370830e+01, v23;
	v23 =	vld.msk [tilespmem:s4+$0x0 ss:$0x0], $0xffff;
	[tilespmem:s3+$0x50] =	vst v14;
	v14 =	vadd.f32 v15, v17  }
0x1d0: {  	s28 =	sor.u32 $0x410, s0;
	s14 =	sor.u32 $0x420, s0;
	s12 =	sor.u32 $0x440, s0;
	v16 =	vld [tilespmem:s15+$0x0];
	v15 =	vmul.f32 $1.131370830e+01, v18;
	v18 =	vmul.f32 v19, v20  }
0x1d1: {  	[dreg:$0x12] =	wrdreg s14;
	s31 =	smov.u32 s3;
	s3 =	sadd.s32 $0x400, s3;
	v17 =	vld [tilespmem:s30+$0x0];
	v14 =	vmul.f32 v14, v7  }
0x1d2: {  	s23 =	sor.u32 $0x430, s0;
	s10 =	sor.u32 $0x450, s0;
	[dreg:$0xd] =	wrdreg s12;
	v19 =	vld.msk [tilespmem:s22+$0xFFFFFFFD ss:$0x0], $0xffff;
	[tilespmem:s3+$0x100] =	vst v18  }
0x1d3: {  	s12 =	sor.u32 $0x460, s0;
	s0 =	sor.u32 $0x470, s0;
	s14 =	spop (v2sf);
	v62 =	vld [tilespmem:s29+$0x400];
	[tilespmem:s31+$0x160] =	vst v14  }
0x1d4: {  	[dreg:$0xe] =	wrdreg s0;
	s0 =	sshll.u32 s14, $0x9;
	v14 =	vld [tilespmem:s19+$0xC860]  }
0x1d5: {  	s0 =	sshra.s32 s0, $0x2;
	v25 =	vld [tilespmem:s1+$0x460]  }
0x1d6: {  	v26 =	vld [tilespmem:s0+$0xC800]  }
0x1d7: {  	v15 =	vadd.f32 v24, v15  }
0x1d8: {  	v18 =	vld.msk [tilespmem:s22+$0xFFFFFFFE ss:$0x0], $0xffff  }
0x1d9: {  	[dreg:$0xf] =	wrdreg s23;
	s23 =	spop (v2sf);
	v22 =	vadd.f32 v17, v22;
	v15 =	vmul.f32 v15, v19;
	v17 =	vld.msk [tilespmem:s22+$0xFFFFFFFF ss:$0x0], $0xffff  }
0x1da: {  	s14 =	sshll.u32 s23, $0x9;
	v21 =	vadd.f32 v16, v21;
	v16 =	vld.msk [tilespmem:s4+$0xFFFFFFFD ss:$0x0], $0xffff;
	v25 =	vadd.f32 v25, v14  }
0x1db: {  	s23 =	sshra.s32 s14, $0x2;
	[tilespmem:s3+$0xFFFFFE00] =	vst v15;
	v15 =	vld.msk [tilespmem:s4+$0xFFFFFFFE ss:$0x0], $0xffff;
	v24 =	vadd.f32 v62, v26  }
0x1dc: {  	v63 =	vld [tilespmem:s23+$0xC800];
	v25 =	vmul.f32 v25, v8  }
0x1dd: {  	v27 =	vld [tilespmem:s26+$0x0];
	v24 =	vmul.f32 v24, v23  }
0x1de: {  	v28 =	vld [tilespmem:s21+$0xC850];
	[tilespmem:s31+$0x1E0] =	vst v25  }
0x1df: {  	v21 =	vmul.f32 v21, v18;
	v14 =	vld.msk [tilespmem:s4+$0xFFFFFFFF ss:$0x0], $0xffff;
	[tilespmem:s3+$0x180] =	vst v24  }
0x1e0: {  	v22 =	vmul.f32 v22, v17;
	v24 =	vld [tilespmem:s16+$0xF0]  }
0x1e1: {  	[dreg:$0x11] =	wrdreg s12;
	s12 =	smov.u32 s18;
	s18 =	spop (v2sf);
	[tilespmem:s3+$0xFFFFFF00] =	vst v21;
	v21 =	vld [tilespmem:s11+$0x90]  }
0x1e2: {  	s14 =	sshll.u32 s18, $0x9;
	[tilespmem:s3+$0x0] =	vst v22;
	v22 =	vld [tilespmem:s1+$0x70]  }
0x1e3: {  	s14 =	sshra.s32 s14, $0x2;
	v34 =	vld [tilespmem:s29+$0x10]  }
0x1e4: {  	s18 =	spop (v2sf);
	v33 =	vld [tilespmem:s14+$0xC800];
	v32 =	vadd.f32 v27, v63  }
0x1e5: {  	s18 =	sshll.u32 s18, $0x9;
	v30 =	vld [tilespmem:s15+$0x400];
	v24 =	vmul.f32 $1.131370830e+01, v24  }
0x1e6: {  	s22 =	sshra.s32 s18, $0x2;
	v37 =	vld [tilespmem:s20+$0xC850];
	v25 =	vmul.f32 v32, v16;
	v21 =	vmul.f32 $1.131370830e+01, v21  }
0x1e7: {  	v29 =	vld [tilespmem:s22+$0xC800];
	v22 =	vadd.f32 v22, v24  }
0x1e8: {  	v35 =	vld [tilespmem:s30+$0x400];
	[tilespmem:s3+$0xFFFFFE80] =	vst v25;
	v21 =	vadd.f32 v34, v21  }
0x1e9: {  	v36 =	vld [tilespmem:s11+$0xFFFFFF10];
	v22 =	vmul.f32 v22, v7;
	v7 =	vmov v20  }
0x1ea: {  	v31 =	vld [tilespmem:s25+$0x10];
	v21 =	vmul.f32 v21, v7  }
0x1eb: {  	v26 =	vadd.f32 v30, v33;
	v20 =	vld [tilespmem:s12+$0x0];
	[tilespmem:s31+$0x170] =	vst v22  }
0x1ec: {  	v38 =	vld [tilespmem:s19+$0xC870];
	[tilespmem:s3+$0x110] =	vst v21  }
0x1ed: {  	v26 =	vmul.f32 v26, v15;
	v22 =	vadd.f32 v35, v29;
	s19 =	smov.u32 s0;
	v21 =	vld [tilespmem:s1+$0x470]  }
0x1ee: {  	v24 =	vmul.f32 $1.131370830e+01, v36;
	s1 =	smov.u32 s29;
	v39 =	vld [tilespmem:s19+$0xC810]  }
0x1ef: {  	[tilespmem:s3+$0xFFFFFF80] =	vst v26;
	v22 =	vmul.f32 v22, v14;
	v40 =	vld [tilespmem:s1+$0x410]  }
0x1f0: {  	v41 =	vld [tilespmem:s11+$0xFFFFFF90];
	v24 =	vadd.f32 v31, v24  }
0x1f1: {  	v43 =	vld [tilespmem:s15+$0x10];
	v20 =	vadd.f32 v20, v28;
	[tilespmem:s3+$0x80] =	vst v22  }
0x1f2: {  	v22 =	vmul.f32 v24, v19;
	v42 =	vld [tilespmem:s11+$0x10]  }
0x1f3: {  	v45 =	vld [tilespmem:s2+$0x450];
	v20 =	vmul.f32 v20, v9;
	v21 =	vadd.f32 v21, v38  }
0x1f4: {  	[tilespmem:s3+$0xFFFFFE10] =	vst v22;
	v22 =	vld [tilespmem:s30+$0x10];
	v26 =	vadd.f32 v40, v39  }
0x1f5: {  	v44 =	vld [tilespmem:s23+$0xC810];
	[tilespmem:s31+$0xFFFFFED0] =	vst v20;
	v20 =	vmul.f32 v21, v8;
	v8 =	vmov v23;
	v23 =	vmul.f32 $1.131370830e+01, v41  }
0x1f6: {  	v21 =	vld [tilespmem:s28+$0x0];
	v26 =	vmul.f32 v26, v8  }
0x1f7: {  	v46 =	vld [tilespmem:s17+$0x450];
	v24 =	vmul.f32 $1.131370830e+01, v42;
	[tilespmem:s31+$0x1F0] =	vst v20;
	v20 =	vadd.f32 v43, v23  }
0x1f8: {  	v23 =	vld [tilespmem:s24+$0xC850];
	[tilespmem:s3+$0x190] =	vst v26  }
0x1f9: {  	v22 =	vadd.f32 v22, v24;
	v20 =	vmul.f32 v20, v18;
	v26 =	vld [tilespmem:s11+$0xA0]  }
0x1fa: {  	v47 =	vld [tilespmem:s16+$0xFFFFFF60]  }
0x1fb: {  	v21 =	vadd.f32 v21, v44;
	v22 =	vmul.f32 v22, v17;
	[tilespmem:s3+$0xFFFFFF10] =	vst v20;
	v20 =	vld [tilespmem:s1+$0x20]  }
0x1fc: {  	v48 =	vld [tilespmem:s14+$0xC810]  }
0x1fd: {  	v27 =	vadd.f32 v45, v37;
	v21 =	vmul.f32 v21, v16;
	[tilespmem:s3+$0x10] =	vst v22;
	v22 =	vld [tilespmem:s15+$0x410]  }
0x1fe: {  	v23 =	vadd.f32 v46, v23;
	v50 =	vld [tilespmem:s30+$0x410];
	v49 =	vmul.f32 $1.131370830e+01, v26  }
0x1ff: {  	v27 =	vmul.f32 v27, v10;
	[tilespmem:s3+$0xFFFFFE90] =	vst v21;
	v21 =	vld [tilespmem:s22+$0xC810]  }
0x200: {  	v23 =	vmul.f32 v23, v5;
	v51 =	vld [tilespmem:s11+$0xFFFFFF20];
	v20 =	vadd.f32 v20, v49  }
0x201: {  	[tilespmem:s31+$0xFFFFFFD0] =	vst v27;
	v52 =	vld [tilespmem:s25+$0x20]  }
0x202: {  	[tilespmem:s31+$0xD0] =	vst v23;
	v23 =	vld [tilespmem:s16+$0xFFFFFFE0];
	v22 =	vadd.f32 v22, v48;
	v20 =	vmul.f32 v20, v7  }
0x203: {  	v53 =	vld [tilespmem:s16+$0x60]  }
0x204: {  	v22 =	vmul.f32 v22, v15;
	v21 =	vadd.f32 v50, v21;
	[tilespmem:s3+$0x120] =	vst v20;
	v20 =	vld [tilespmem:s5+$0x60]  }
0x205: {  	v54 =	vmul.f32 $1.131370830e+01, v51;
	v55 =	vld [tilespmem:s19+$0xC820]  }
0x206: {  	[tilespmem:s3+$0xFFFFFF90] =	vst v22;
	v21 =	vmul.f32 v21, v14;
	v22 =	vld [tilespmem:s1+$0x420]  }
0x207: {  	v24 =	vadd.f32 v52, v54;
	v56 =	vld [tilespmem:s11+$0xFFFFFFA0]  }
0x208: {  	v25 =	vmul.f32 $1.131370830e+01, v47;
	v57 =	vld [tilespmem:s15+$0x20];
	[tilespmem:s3+$0x90] =	vst v21  }
0x209: {  	v24 =	vmul.f32 v24, v19;
	v58 =	vld [tilespmem:s11+$0x20]  }
0x20a: {  	v60 =	vld [tilespmem:s2+$0x60];
	v20 =	vadd.f32 v20, v25  }
0x20b: {  	v59 =	vld [tilespmem:s30+$0x20];
	[tilespmem:s3+$0xFFFFFE20] =	vst v24;
	v22 =	vadd.f32 v22, v55  }
0x20c: {  	s29 =	rddreg [dreg:$0x12];
	v20 =	vmul.f32 v20, v11;
	v61 =	vld [tilespmem:s23+$0xC820];
	v26 =	vmul.f32 $1.131370830e+01, v56  }
0x20d: {  	v62 =	vld [tilespmem:s29+$0x0];
	v22 =	vmul.f32 v22, v8  }
0x20e: {  	v32 =	vld [tilespmem:s17+$0x60];
	[tilespmem:s31+$0xFFFFFE60] =	vst v20;
	v20 =	vadd.f32 v57, v26;
	v63 =	vmul.f32 $1.131370830e+01, v58  }
0x20f: {  	v23 =	vmul.f32 $1.131370830e+01, v23;
	[tilespmem:s3+$0x1A0] =	vst v22;
	v22 =	vld [tilespmem:s21+$0xC860]  }
0x210: {  	s4 =	rddreg [dreg:$0x10];
	v20 =	vmul.f32 v20, v18;
	v25 =	vadd.f32 v59, v63;
	v33 =	vld [tilespmem:s11+$0xB0]  }
0x211: {  	v23 =	vadd.f32 v60, v23;
	v34 =	vld [tilespmem:s4+$0x0]  }
0x212: {  	v35 =	vld [tilespmem:s1+$0x30];
	v27 =	vadd.f32 v62, v61;
	[tilespmem:s3+$0xFFFFFF20] =	vst v20;
	v20 =	vmul.f32 v25, v17  }
0x213: {  	v21 =	vmul.f32 $1.131370830e+01, v53;
	v23 =	vmul.f32 v23, v12;
	v36 =	vld [tilespmem:s14+$0xC820]  }
0x214: {  	v27 =	vmul.f32 v27, v16;
	v37 =	vld [tilespmem:s15+$0x420];
	[tilespmem:s3+$0x20] =	vst v20  }
0x215: {  	v21 =	vadd.f32 v32, v21;
	[tilespmem:s31+$0xFFFFFF60] =	vst v23;
	v20 =	vld [tilespmem:s22+$0xC820];
	v26 =	vmul.f32 $1.131370830e+01, v33  }
0x216: {  	v22 =	vadd.f32 v34, v22;
	[tilespmem:s3+$0xFFFFFEA0] =	vst v27;
	v23 =	vld [tilespmem:s30+$0x420]  }
0x217: {  	v21 =	vmul.f32 v21, v13;
	v38 =	vld [tilespmem:s11+$0xFFFFFF30];
	v25 =	vadd.f32 v35, v26  }
0x218: {  	v40 =	vld [tilespmem:s20+$0xC860];
	v22 =	vmul.f32 v22, v9  }
0x219: {  	[tilespmem:s31+$0x60] =	vst v21;
	v21 =	vld [tilespmem:s25+$0x30];
	v39 =	vadd.f32 v37, v36;
	v25 =	vmul.f32 v25, v7  }
0x21a: {  	[tilespmem:s31+$0xFFFFFEE0] =	vst v22;
	v22 =	vld [tilespmem:s2+$0x460]  }
0x21b: {  	v26 =	vmul.f32 v39, v15;
	v20 =	vadd.f32 v23, v20;
	v23 =	vld [tilespmem:s24+$0xC860];
	[tilespmem:s3+$0x130] =	vst v25  }
0x21c: {  	v24 =	vmul.f32 $1.131370830e+01, v38;
	v25 =	vld [tilespmem:s19+$0xC830]  }
0x21d: {  	[tilespmem:s3+$0xFFFFFFA0] =	vst v26;
	v20 =	vmul.f32 v20, v14;
	v41 =	vld [tilespmem:s1+$0x430]  }
0x21e: {  	v21 =	vadd.f32 v21, v24;
	v42 =	vld [tilespmem:s11+$0xFFFFFFB0]  }
0x21f: {  	v43 =	vld [tilespmem:s15+$0x30];
	[tilespmem:s3+$0xA0] =	vst v20  }
0x220: {  	v20 =	vadd.f32 v22, v40;
	v21 =	vmul.f32 v21, v19;
	v22 =	vld [tilespmem:s11+$0x30]  }
0x221: {  	v44 =	vld [tilespmem:s30+$0x30]  }
0x222: {  	v45 =	vld [tilespmem:s17+$0x460];
	v20 =	vmul.f32 v20, v10;
	[tilespmem:s3+$0xFFFFFE30] =	vst v21  }
0x223: {  	s12 =	rddreg [dreg:$0xf];
	v21 =	vadd.f32 v41, v25;
	v46 =	vld [tilespmem:s23+$0xC830];
	v24 =	vmul.f32 $1.131370830e+01, v42  }
0x224: {  	[tilespmem:s31+$0xFFFFFFE0] =	vst v20;
	v20 =	vld [tilespmem:s12+$0x0]  }
0x225: {  	v47 =	vld [tilespmem:s16+$0xFFFFFF70];
	v21 =	vmul.f32 v21, v8;
	v24 =	vadd.f32 v43, v24;
	v22 =	vmul.f32 $1.131370830e+01, v22  }
0x226: {  	v49 =	vld [tilespmem:s5+$0x70]  }
0x227: {  	[tilespmem:s3+$0x1B0] =	vst v21;
	v21 =	vld [tilespmem:s16+$0xFFFFFFF0];
	v24 =	vmul.f32 v24, v18;
	v22 =	vadd.f32 v44, v22  }
0x228: {  	v23 =	vadd.f32 v45, v23;
	v48 =	vld [tilespmem:s11+$0xC0]  }
0x229: {  	v50 =	vld [tilespmem:s1+$0x40];
	v20 =	vadd.f32 v20, v46;
	[tilespmem:s3+$0xFFFFFF30] =	vst v24;
	v22 =	vmul.f32 v22, v17  }
0x22a: {  	v23 =	vmul.f32 v23, v5;
	v51 =	vld [tilespmem:s14+$0xC830]  }
0x22b: {  	v20 =	vmul.f32 v20, v16;
	v52 =	vld [tilespmem:s15+$0x430];
	[tilespmem:s3+$0x30] =	vst v22  }
0x22c: {  	v28 =	vmul.f32 $1.131370830e+01, v47;
	v22 =	vld [tilespmem:s22+$0xC830];
	[tilespmem:s31+$0xE0] =	vst v23  }
0x22d: {  	v27 =	vmul.f32 $1.131370830e+01, v48;
	[tilespmem:s3+$0xFFFFFEB0] =	vst v20;
	v20 =	vld [tilespmem:s30+$0x430]  }
0x22e: {  	v23 =	vadd.f32 v49, v28;
	v53 =	vld [tilespmem:s11+$0xFFFFFF40]  }
0x22f: {  	s28 =	smov.u32 s25;
	v24 =	vadd.f32 v50, v27  }
0x230: {  	v54 =	vld [tilespmem:s28+$0x40];
	v23 =	vmul.f32 v23, v11  }
0x231: {  	v55 =	vld [tilespmem:s16+$0x70];
	v11 =	vmov v19;
	v19 =	vadd.f32 v52, v51;
	v24 =	vmul.f32 v24, v7  }
0x232: {  	[tilespmem:s31+$0xFFFFFE70] =	vst v23;
	v23 =	vld [tilespmem:s2+$0x70]  }
0x233: {  	v19 =	vmul.f32 v19, v15;
	v20 =	vadd.f32 v20, v22;
	[tilespmem:s3+$0x140] =	vst v24;
	v22 =	vld [tilespmem:s17+$0x70];
	v56 =	vmul.f32 $1.131370830e+01, v53  }
0x234: {  	v57 =	vld [tilespmem:s19+$0xC840]  }
0x235: {  	v21 =	vmul.f32 $1.131370830e+01, v21;
	[tilespmem:s3+$0xFFFFFFB0] =	vst v19;
	v19 =	vmul.f32 v20, v14;
	v20 =	vld [tilespmem:s1+$0x440];
	v24 =	vadd.f32 v54, v56  }
0x236: {  	v58 =	vld [tilespmem:s11+$0xFFFFFFC0]  }
0x237: {  	v26 =	vmul.f32 $1.131370830e+01, v55;
	v59 =	vld [tilespmem:s15+$0x40];
	[tilespmem:s3+$0xB0] =	vst v19;
	v19 =	vadd.f32 v23, v21;
	v21 =	vmul.f32 v24, v11  }
0x238: {  	v23 =	vld [tilespmem:s11+$0x40]  }
0x239: {  	v22 =	vadd.f32 v22, v26;
	v60 =	vld [tilespmem:s30+$0x40];
	[tilespmem:s3+$0xFFFFFE40] =	vst v21  }
0x23a: {  	v19 =	vmul.f32 v19, v12;
	v12 =	vmov v18;
	v18 =	vadd.f32 v20, v57;
	v20 =	vld [tilespmem:s21+$0xC870];
	s21 =	smov.u32 s23  }
0x23b: {  	s25 =	rddreg [dreg:$0xd];
	v21 =	vmul.f32 v22, v13;
	v13 =	vmov v17;
	v22 =	vmul.f32 $1.131370830e+01, v58;
	v17 =	vld [tilespmem:s21+$0xC840]  }
0x23c: {  	[tilespmem:s31+$0xFFFFFF70] =	vst v19;
	v19 =	vld [tilespmem:s25+$0x0]  }
0x23d: {  	s26 =	rddreg [dreg:$0xc];
	v18 =	vmul.f32 v18, v8;
	[tilespmem:s31+$0x70] =	vst v21;
	v21 =	vadd.f32 v59, v22;
	v62 =	vld [tilespmem:s2+$0x470];
	v22 =	vmul.f32 $1.131370830e+01, v23  }
0x23e: {  	v23 =	vld [tilespmem:s26+$0x0]  }
0x23f: {  	[tilespmem:s3+$0x1C0] =	vst v18;
	v18 =	vld [tilespmem:s20+$0xC870];
	v21 =	vmul.f32 v21, v12;
	v22 =	vadd.f32 v60, v22  }
0x240: {  	v61 =	vld [tilespmem:s11+$0xD0]  }
0x241: {  	s20 =	smov.u32 s14;
	v17 =	vadd.f32 v19, v17;
	[tilespmem:s3+$0xFFFFFF40] =	vst v21;
	v19 =	vmul.f32 v22, v13;
	v22 =	vld [tilespmem:s1+$0x50]  }
0x242: {  	s2 =	smov.u32 s15;
	v63 =	vld [tilespmem:s20+$0xC840]  }
0x243: {  	s7 =	sadd.s32 $0x4, s7;
	v20 =	vadd.f32 v23, v20;
	v17 =	vmul.f32 v17, v16;
	v23 =	vld [tilespmem:s2+$0x440];
	[tilespmem:s3+$0x40] =	vst v19  }
0x244: {  	p2 =	slt.u32 s7, $0x24;
	v19 =	vld [tilespmem:s22+$0xC840]  }
.Ltmp1:
0x245: {  	v24 =	vmul.f32 $1.131370830e+01, v61;
	v20 =	vmul.f32 v20, v9;
	v9 =	vmovc v16;
	[tilespmem:s3+$0xFFFFFEC0] =	vst v17;
	v21 =	vld [tilespmem:s30+$0x440];
	v16 =	vadd.f32 v62, v18;
	(pc) =	sbr.rel @p2 .LBB2_5-.Ltmp1, $4  }
0x246: {  	s18 =	smov.u32 s10;
	s10 =	rddreg [dreg:$0x11];
	v17 =	vld [tilespmem:s11+$0xFFFFFF50]  }
0x247: {  	s9 =	sadd.s32 $0x4, s9;
	s29 =	rddreg [dreg:$0xe];
	v18 =	vadd.f32 v22, v24;
	[tilespmem:s31+$0xFFFFFEF0] =	vst v20;
	v16 =	vmul.f32 v16, v10;
	v10 =	vmov v15;
	v15 =	vld [tilespmem:s24+$0xC870]  }
0x248: {  	s0 =	smov.u32 s29;
	s4 =	smov.u32 s10;
	s16 =	smov.u32 s11;
	v20 =	vld [tilespmem:s28+$0x50]  }
0x249: {  	s24 =	smov.u32 s22;
	v22 =	vadd.f32 v23, v63;
	v18 =	vmul.f32 v18, v7;
	[tilespmem:s31+$0xFFFFFFF0] =	vst v16;
	v16 =	vld [tilespmem:s17+$0x470];
	s17 =	smov.u32 s30;
	s30 =	rddreg [dreg:$0xb]  }
0x24a: {  	v6 =	vadd.f32 v21, v19  }
0x24b: {  	v26 =	vmul.f32 v22, v10  }
0x24c: {  	v6 =	vmul.f32 v6, v14  }
0x24d: {  	[tilespmem:s3+$0xFFFFFFC0] =	vst v26  }
0x24e: {  	[tilespmem:s3+$0xC0] =	vst v6;
	v6 =	vld [tilespmem:s11+$0xFFFFFFD0]  }
0x24f: {  	v28 =	vld [tilespmem:s2+$0x50]  }
0x250: {  	v27 =	vld [tilespmem:s11+$0x50]  }
0x251: {  	v17 =	vmul.f32 $1.131370830e+01, v17  }
0x252: {  	v29 =	vld [tilespmem:s17+$0x50]  }
0x253: {  	v17 =	vadd.f32 v20, v17;
	v6 =	vmul.f32 $1.131370830e+01, v6;
	_ =	sdelay $0x1  }
0x254: {  	[tilespmem:s3+$0x150] =	vst v18;
	v17 =	vmul.f32 v17, v11;
	v30 =	vmul.f32 $1.131370830e+01, v27;
	v6 =	vadd.f32 v28, v6  }
0x255: {  	v18 =	vld [tilespmem:s19+$0xC850]  }
0x256: {  	v33 =	vld [tilespmem:s1+$0x450];
	[tilespmem:s3+$0xFFFFFE50] =	vst v17;
	v17 =	vadd.f32 v29, v30;
	v6 =	vmul.f32 v6, v12  }
0x257: {  	v31 =	vld [tilespmem:s18+$0x0]  }
0x258: {  	v32 =	vld [tilespmem:s21+$0xC850];
	v17 =	vmul.f32 v17, v13;
	[tilespmem:s3+$0xFFFFFF50] =	vst v6  }
0x259: {  	v6 =	vld [tilespmem:s20+$0xC850]  }
0x25a: {  	[tilespmem:s3+$0x50] =	vst v17;
	v34 =	vld [tilespmem:s2+$0x450]  }
0x25b: {  	v18 =	vadd.f32 v33, v18;
	v35 =	vld [tilespmem:s24+$0xC850]  }
0x25c: {  	v36 =	vld [tilespmem:s17+$0x450]  }
0x25d: {  	v18 =	vmul.f32 v18, v8;
	v19 =	vadd.f32 v31, v32;
	_ =	sdelay $0x1  }
0x25e: {  	[tilespmem:s3+$0x1D0] =	vst v18;
	v19 =	vmul.f32 v19, v9;
	v6 =	vadd.f32 v34, v6  }
0x25f: {  	v39 =	vld [tilespmem:s16+$0xE0]  }
0x260: {  	v41 =	vld [tilespmem:s1+$0x60];
	[tilespmem:s3+$0xFFFFFED0] =	vst v19;
	v38 =	vadd.f32 v36, v35;
	v6 =	vmul.f32 v6, v10  }
0x261: {  	v37 =	vld [tilespmem:s16+$0xFFFFFF60]  }
0x262: {  	v40 =	vld [tilespmem:s28+$0x60];
	v18 =	vmul.f32 v38, v14;
	[tilespmem:s3+$0xFFFFFFD0] =	vst v6  }
0x263: {  	v6 =	vld [tilespmem:s16+$0xFFFFFFE0]  }
0x264: {  	v19 =	vmul.f32 $1.131370830e+01, v39;
	[tilespmem:s3+$0xD0] =	vst v18;
	v42 =	vld [tilespmem:s2+$0x60]  }
0x265: {  	v18 =	vld [tilespmem:s16+$0x60]  }
0x266: {  	v19 =	vadd.f32 v41, v19;
	v17 =	vmul.f32 $1.131370830e+01, v37  }
0x267: {  	v43 =	vld [tilespmem:s17+$0x60]  }
0x268: {  	v19 =	vmul.f32 v19, v7;
	v17 =	vadd.f32 v40, v17;
	v6 =	vmul.f32 $1.131370830e+01, v6;
	_ =	sdelay $0x1  }
0x269: {  	[tilespmem:s3+$0x160] =	vst v19;
	v17 =	vmul.f32 v17, v11;
	v18 =	vmul.f32 $1.131370830e+01, v18;
	v6 =	vadd.f32 v42, v6  }
0x26a: {  	v19 =	vld [tilespmem:s19+$0xC860]  }
0x26b: {  	v44 =	vld [tilespmem:s1+$0x460];
	[tilespmem:s3+$0xFFFFFE60] =	vst v17;
	v18 =	vadd.f32 v43, v18;
	v6 =	vmul.f32 v6, v12  }
0x26c: {  	v17 =	vld [tilespmem:s4+$0x0]  }
0x26d: {  	v45 =	vld [tilespmem:s21+$0xC860];
	[tilespmem:s3+$0xFFFFFF60] =	vst v6;
	v6 =	vmul.f32 v18, v13  }
0x26e: {  	v46 =	vld [tilespmem:s20+$0xC860]  }
0x26f: {  	[tilespmem:s3+$0x60] =	vst v6;
	v6 =	vld [tilespmem:s2+$0x460]  }
0x270: {  	v19 =	vadd.f32 v44, v19;
	v47 =	vld [tilespmem:s24+$0xC860]  }
0x271: {  	v48 =	vld [tilespmem:s17+$0x460]  }
0x272: {  	v19 =	vmul.f32 v19, v8;
	v17 =	vadd.f32 v17, v45;
	_ =	sdelay $0x1  }
0x273: {  	[tilespmem:s3+$0x1E0] =	vst v19;
	v17 =	vmul.f32 v17, v9;
	v6 =	vadd.f32 v6, v46  }
0x274: {  	v49 =	vld [tilespmem:s16+$0xF0]  }
0x275: {  	v51 =	vld [tilespmem:s1+$0x70];
	[tilespmem:s3+$0xFFFFFEE0] =	vst v17;
	v50 =	vadd.f32 v48, v47;
	v6 =	vmul.f32 v6, v10  }
0x276: {  	v17 =	vld [tilespmem:s16+$0xFFFFFF70]  }
0x277: {  	v52 =	vld [tilespmem:s28+$0x70];
	v19 =	vmul.f32 v50, v14;
	[tilespmem:s3+$0xFFFFFFE0] =	vst v6  }
0x278: {  	v6 =	vld [tilespmem:s16+$0xFFFFFFF0]  }
0x279: {  	v18 =	vmul.f32 $1.131370830e+01, v49;
	[tilespmem:s3+$0xE0] =	vst v19;
	v53 =	vld [tilespmem:s2+$0x70]  }
0x27a: {  	v19 =	vld [tilespmem:s16+$0x70]  }
0x27b: {  	v18 =	vadd.f32 v51, v18;
	v17 =	vmul.f32 $1.131370830e+01, v17  }
0x27c: {  	v54 =	vld [tilespmem:s17+$0x70]  }
0x27d: {  	v7 =	vmul.f32 v18, v7;
	v17 =	vadd.f32 v52, v17;
	v6 =	vmul.f32 $1.131370830e+01, v6;
	_ =	sdelay $0x1  }
0x27e: {  	[tilespmem:s3+$0x170] =	vst v7;
	v7 =	vmul.f32 v17, v11;
	v55 =	vmul.f32 $1.131370830e+01, v19;
	v6 =	vadd.f32 v53, v6  }
0x27f: {  	v56 =	vld [tilespmem:s19+$0xC870]  }
0x280: {  	v57 =	vld [tilespmem:s1+$0x470];
	[tilespmem:s3+$0xFFFFFE70] =	vst v7;
	v7 =	vadd.f32 v54, v55;
	v6 =	vmul.f32 v6, v12  }
0x281: {  	v58 =	vld [tilespmem:s21+$0xC870]  }
0x282: {  	v59 =	vld [tilespmem:s0+$0x0];
	v7 =	vmul.f32 v7, v13;
	[tilespmem:s3+$0xFFFFFF70] =	vst v6  }
0x283: {  	v6 =	vld [tilespmem:s20+$0xC870]  }
0x284: {  	v60 =	vld [tilespmem:s2+$0x470];
	[tilespmem:s3+$0x70] =	vst v7  }
0x285: {  	v7 =	vld [tilespmem:s24+$0xC870]  }
0x286: {  	v61 =	vld [tilespmem:s17+$0x470]  }
0x287: {  	v15 =	vadd.f32 v16, v15  }
0x288: {  	v62 =	vadd.f32 v57, v56  }
0x289: {  	v5 =	vmul.f32 v15, v5;
	v11 =	vadd.f32 v59, v58  }
0x28a: {  	v63 =	vmul.f32 v62, v8;
	v6 =	vadd.f32 v60, v6  }
0x28b: {  	s16 =	sld [smem:$0x7FA];
	[tilespmem:s31+$0xF0] =	vst v5;
	v5 =	vmul.f32 v11, v9;
	v7 =	vadd.f32 v61, v7  }
0x28c: {  	s18 =	rddreg [dreg:$0x1f];
	[tilespmem:s3+$0x1F0] =	vst v63;
	v6 =	vmul.f32 v6, v10  }
0x28d: {  	s1 =	smul.u32 $0x2800, s18;
	[tilespmem:s3+$0xFFFFFEF0] =	vst v5;
	v5 =	vmul.f32 v7, v14  }
0x28e: {  	s17 =	smul.u32 $0xC800, s16;
	[tilespmem:s3+$0xFFFFFFF0] =	vst v6  }
0x28f: {  	s22 =	rddreg [dreg:$0x6];
	[tilespmem:s3+$0xF0] =	vst v5  }
0x290: {  	s0 =	sadd.s32 s1, s17;
	s20 =	sld [smem:$0x7FB]  }
0x291: {  	s19 =	smul.u32 $0xC8, s16;
	s0 =	sshrl.u32 s0, $0x3;
	s24 =	sld [smem:$0x7FD]  }
0x292: {  	s23 =	simm.s32 $0x0;
	s0 =	sadd.s32 s22, s0;
	s21 =	rddreg [dreg:$0x1e]  }
0x293: {  	s5 =	sld [smem:$0x7FC];
	s2 =	sadd.s32 $0x3, s21;
	s1 =	sadd.s32 s20, s19  }
0x294: {  	[hbm4b:s0+s23] =	stream.linear.scatter [tilespmem:s24], [sflag:s2], $0x2800, $0x38;
	[tilespmem:$0x18A80] =	vst v63  }
0x295: {  	s26 =	rddreg [dreg:$0x7];
	s25 =	sshrl.u32 s1, $0x3  }
0x296: {  	s29 =	rddreg [dreg:$0x8];
	s28 =	sadd.s32 $0x18400, s5;
	s1 =	sadd.s32 s26, s25  }
0x297: {  	[hbm4b:s1+s23] =	stream.linear.scatter [tilespmem:s28], [sflag:s2], $0x28, $0x38;
	[tilespmem:$0x18A80] =	vst v63  }
0x298: {  	s30 =	sadd.s32 $0x18600, s5;
	s0 =	sadd.s32 s29, s25  }
0x299: {  	[hbm4b:s0+s23] =	stream.linear.scatter [tilespmem:s30], [sflag:s2], $0x28, $0x38;
	[tilespmem:$0x18A80] =	vst v63  }
0x29a: {  	s0 =	rddreg [dreg:$0x1d]  }
0x29b: {  	p1 =	sne.s32 s0, $0xA0  }
.Ltmp2:
0x29c: {  	_ = 	snop;
	(pc) =	sbr.rel @p1 .LBB2_2-.Ltmp2, $4  }
0x29d: {  	_ = 	snop  }
0x29e: {  	s6 =	rddreg [dreg:$0x1c]  }
0x29f: {  	p0 =	por !p0, !p0;
	s31 =	rddreg [dreg:$0x1b]  }
0x2a0: {  	s18 =	rddreg [dreg:$0x13];
	s6 =	sadd.s32 $0x2800, s6;
	s5 =	sadd.s32 $0x28, s31  }
0x2a1: {  	s0 =	simm.s32 $0x3  }
0x2a2: {  	_ =	swait.ge [sflag:s0], $0x2800  }
0x2a3: {  	[sflag:s0] =	ssyncset.done $0x0  }
0x2a4: {  	[sflag:s0] =	ssyncadd.s32 $0xFFFFD800  }
0x2a5: {  	_ =	swait.ge [sflag:s0], $0x28  }
0x2a6: {  	[sflag:s0] =	ssyncset.done $0x0  }
0x2a7: {  	[sflag:s0] =	ssyncadd.s32 $0xFFFFFFD8  }
0x2a8: {  	_ =	swait.ge [sflag:s0], $0x28  }
0x2a9: {  	[sflag:s0] =	ssyncset.done $0x0  }
0x2aa: {  	s1 =	simm.s32 $0x4;
	[sflag:s0] =	ssyncadd.s32 $0xFFFFFFD8  }
0x2ab: {  	_ =	swait.ge [sflag:s1], $0x2800  }
0x2ac: {  	[sflag:s1] =	ssyncset.done $0x0  }
0x2ad: {  	[sflag:s1] =	ssyncadd.s32 $0xFFFFD800  }
0x2ae: {  	_ =	swait.ge [sflag:s1], $0x28  }
0x2af: {  	[sflag:s1] =	ssyncset.done $0x0  }
0x2b0: {  	[sflag:s1] =	ssyncadd.s32 $0xFFFFFFD8  }
0x2b1: {  	_ =	swait.ge [sflag:s1], $0x28  }
0x2b2: {  	s2 =	rddreg [dreg:$0x1a]  }
0x2b3: {  	s31 =	rddreg [dreg:$0x19];
	s2 =	sadd.s32 $0x1, s2  }
0x2b4: {  	p0 =	sne.s32 s2, s31  }
.Ltmp3:
0x2b5: {  	_ = 	snop;
	(pc) =	sbr.rel @p0 .LBB2_1-.Ltmp3, $3  }
0x2b6: {  	_ =	sdelay $0x1  }
0x2b7: {  	[sflag:s1] =	ssyncset.done $0x0  }
0x2b8: {  	[sflag:s1] =	ssyncadd.s32 $0xFFFFFFD8  }
0x2b9: {  	_ =	sfence.sel $0x180000  }
0x2ba: {  	[bflag:$0x0] =	sbarrier.arrive $0xFFFF  }
0x2bb: {  	_ =	strace $0x90000047  }
0x2bc: {  	s0 =	stileid.u32;
	[bflag:$0x2] =	sbarrier.arrive $0xFFFF  }
0x2bd: {  	p0 =	sne.s32 s0, $0x0;
	s0 =	rddreg [dreg:$0x9]  }
0x2be: {  	s0 =	sadd.s32 @!p0 $0x100000, s0  }
0x2bf: {  	[sflag:s0] =	ssyncadd.tile.s32 @!p0 $0x1;
	_ =	shalt  }
.Lfunc_end2:
_tile_overlayer_lowered:
.L_overlay_start_2:
0x2c0: {  	(tag) =	ssettag $0x2  }
0x2c1: {  	s0 =	rddreg [dreg:$0x0];
	s2 =	stileid.u32  }
0x2c2: {  	s1 =	rddreg [dreg:$0x1];
	p0 =	sne.s32 s2, $0x0  }
0x2c3: {  	s3 =	rddreg [dreg:$0x2];
	[bflag:$0x3] =	sbarrier.arrive $0xFFFF;
	s2 =	simm.s32 @!p0 $0x1C05  }
0x2c4: {  	[timem:s3], [sflag:s2] =	dma.local @!p0 [hbm:s0], s1  }
0x2c5: {  	s0 =	simm.s32 @!p0 $0x5  }
0x2c6: {  	_ =	swait.ge @!p0 [sflag:s0], s1  }
0x2c7: {  	s1 =	ssub.s32 @!p0 $0x0, s1;
	[sflag:s0] =	ssyncset.done @!p0 $0x0  }
0x2c8: {  	[sflag:s0] =	ssyncadd.s32 @!p0 s1  }
0x2c9: {  	[bflag:$0x3] =	sbarrier.arrive $0xFFFF  }
0x2ca: {  	_ =	shalt  }

</sc_bundles>
